<compile_context>
chip_gen: v7x
topology: tpu7x:2x2x1
jax: 0.10.2.dev20260603
libtpu: 0.0.44.dev20260713+nightly
codegen_flags: <defaults>
</compile_context>

<pallas_src>
import numpy as np
import jax
import jax.numpy as jnp
from jax import lax
from jax.experimental import pallas as pl
from jax.experimental.pallas import tpu as pltpu
from jax.experimental.pallas import tpu_sc as plsc

_KEYS = (
    (1832780943, 270669613),
    (64467757, 2916123636),
    (2465931498, 255383827),
    (3134548294, 894150801),
)

_T_MASK = 2516583
_T_ZERO = 6710887
_T_RAND = 838861

_ROT = ((13, 15, 26, 6), (17, 29, 16, 24))

_B, _T, _C = 64, 1024, 512
_ROWS = _B * _T
_BR = 512
_NB = _ROWS // _BR

_R_TC = 43008
_RB_TC = _R_TC // _BR
_R_SC = _ROWS - _R_TC

_N_TEC = 32
_TEC_ROWS = _R_SC // _N_TEC
_PIECE_ROWS = 64
_PIECES = _TEC_ROWS // _PIECE_ROWS
_PIECE_ELEMS = _PIECE_ROWS * _C
_VECS = _PIECE_ELEMS // 16


def _u32(v):
    return jnp.uint32(np.uint32(v))


def _cipher_xor(idx_u32, key):
    k0, k1 = key
    ks = (np.uint32(k0), np.uint32(k1),
          np.uint32(k0) ^ np.uint32(k1) ^ np.uint32(0x1BD11BDA))
    x1 = idx_u32 + _u32(ks[1])
    x0 = x1 + _u32(ks[0])
    first = True
    for r in range(5):
        for rot in _ROT[r % 2]:
            if first:
                first = False
            else:
                x0 = x0 + x1
            x1 = (x1 << _u32(rot)) | (x1 >> _u32(32 - rot))
            x1 = x1 ^ x0
        x0 = x0 + _u32(ks[(r + 1) % 3])
        x1 = x1 + _u32((int(ks[(r + 2) % 3]) + r + 1) & 0xFFFFFFFF)
    return x0 ^ x1


def _flags_from(idx_u32):
    b1 = _cipher_xor(idx_u32, _KEYS[0]) < _u32(_T_MASK << 9)
    zero = (_cipher_xor(idx_u32, _KEYS[1]) < _u32(_T_ZERO << 9)) & b1
    rnd = ((_cipher_xor(idx_u32, _KEYS[2]) < _u32(_T_RAND << 9))
           & b1 & jnp.logical_not(zero))
    return b1, zero, rnd



def _tc_pass1(spk_ref, flags_ref, max_ref):
    blk = pl.program_id(0)
    base = (blk * (_BR * _C)).astype(jnp.uint32)
    r = lax.broadcasted_iota(jnp.uint32, (_BR, _C), 0)
    c = lax.broadcasted_iota(jnp.uint32, (_BR, _C), 1)
    idx = base + r * _u32(_C) + c
    b1, zero, rnd = _flags_from(idx)
    flags_ref[...] = (b1.astype(jnp.int32) | (zero.astype(jnp.int32) << 1)
                      | (rnd.astype(jnp.int32) << 2))
    bm = jnp.max(jnp.where(zero, jnp.float32(0.0), spk_ref[...]))

    @pl.when(blk == 0)
    def _init():
        max_ref[0, 0] = bm

    @pl.when(blk > 0)
    def _acc():
        max_ref[0, 0] = jnp.maximum(max_ref[0, 0], bm)



def _sc_pass1(x_hbm, flags_hbm, maxp_hbm, spk_v, flg_v, acc_v):
    cid = lax.axis_index("c")
    sid = lax.axis_index("s")
    wid = sid * 2 + cid
    elem0 = (_R_TC + wid * _TEC_ROWS) * _C
    lbase = wid * (_TEC_ROWS * _C)
    lanes = lax.iota(jnp.int32, 16).astype(jnp.uint32)
    acc_v[...] = jnp.full((16,), jnp.float32(-3.0e38), dtype=jnp.float32)

    @pl.loop(0, _PIECES)
    def piece_body(p):
        estart = elem0 + p * _PIECE_ELEMS
        pltpu.sync_copy(x_hbm.at[pl.ds(estart, _PIECE_ELEMS)], spk_v)

        @pl.loop(0, _VECS, unroll=2)
        def vec_body(v):
            off = v * 16
            idx = (estart + off).astype(jnp.uint32) + lanes
            i_one = jnp.full((16,), 1, dtype=jnp.int32)
            i_zero = jnp.full((16,), 0, dtype=jnp.int32)
            f1 = jnp.where(_cipher_xor(idx, _KEYS[0]) < _u32(_T_MASK << 9),
                           i_one, i_zero)
            f2 = jnp.where(_cipher_xor(idx, _KEYS[1]) < _u32(_T_ZERO << 9),
                           i_one, i_zero)
            f3 = jnp.where(_cipher_xor(idx, _KEYS[2]) < _u32(_T_RAND << 9),
                           i_one, i_zero)
            fz = f1 & f2
            fr = f3 & f1 & (i_one - fz)
            flg_v[pl.ds(off, 16)] = f1 | (fz << 1) | (fr << 2)
            spk = spk_v[pl.ds(off, 16)]
            acc_v[...] = jnp.maximum(
                acc_v[...], jnp.where(fz != 0, jnp.float32(0.0), spk))

        pltpu.sync_copy(
            flg_v, flags_hbm.at[pl.ds(lbase + p * _PIECE_ELEMS, _PIECE_ELEMS)])

    pltpu.sync_copy(acc_v, maxp_hbm.at[wid])



def _tc_pass2(max_ref, spk_ref, ftc_ref, fsc_ref, s_ref, mask_ref):
    blk = pl.program_id(0)
    base = (blk * (_BR * _C)).astype(jnp.uint32)
    r = lax.broadcasted_iota(jnp.uint32, (_BR, _C), 0)
    c = lax.broadcasted_iota(jnp.uint32, (_BR, _C), 1)
    idx = base + r * _u32(_C) + c
    f = jnp.where(blk < _RB_TC, ftc_ref[...], fsc_ref[...])
    mask_ref[...] = f & 1
    zero = (f & 2) != 0
    rnd = (f & 4) != 0
    m4 = _cipher_xor(idx, _KEYS[3]) >> _u32(9)
    u4 = m4.astype(jnp.float32) * jnp.float32(2.0 ** -23)
    rs = max_ref[0, 0] * u4
    s = jnp.where(zero, jnp.float32(0.0), spk_ref[...])
    s_ref[...] = jnp.where(rnd, rs, s)


def kernel(spikes):
    shp = spikes.shape
    x = spikes.reshape(_ROWS, _C)
    x1d = spikes.reshape(-1)

    flags_tc, mx_tc = pl.pallas_call(
        _tc_pass1,
        grid=(_RB_TC,),
        in_specs=[pl.BlockSpec((_BR, _C), lambda i: (i, 0))],
        out_specs=[
            pl.BlockSpec((_BR, _C), lambda i: (i, 0)),
            pl.BlockSpec(memory_space=pltpu.SMEM),
        ],
        out_shape=[
            jax.ShapeDtypeStruct((_R_TC, _C), jnp.int32),
            jax.ShapeDtypeStruct((1, 1), jnp.float32),
        ],
    )(x)

    sc_call = pl.kernel(
        _sc_pass1,
        out_type=[
            jax.ShapeDtypeStruct((_R_SC * _C,), jnp.int32),
            jax.ShapeDtypeStruct((_N_TEC, 16), jnp.float32),
        ],
        mesh=plsc.VectorSubcoreMesh(core_axis_name="c", subcore_axis_name="s"),
        scratch_types=[
            pltpu.VMEM((_PIECE_ELEMS,), jnp.float32),
            pltpu.VMEM((_PIECE_ELEMS,), jnp.int32),
            pltpu.VMEM((16,), jnp.float32),
        ],
    )
    flags_sc, maxp_sc = sc_call(x1d)

    mx = jnp.maximum(mx_tc[0, 0], jnp.max(maxp_sc)).reshape(1, 1)
    flags_sc = flags_sc.reshape(_R_SC, _C)

    s, mask = pl.pallas_call(
        _tc_pass2,
        grid=(_NB,),
        in_specs=[
            pl.BlockSpec(memory_space=pltpu.SMEM),
            pl.BlockSpec((_BR, _C), lambda i: (i, 0)),
            pl.BlockSpec((_BR, _C), lambda i: (jnp.minimum(i, _RB_TC - 1), 0)),
            pl.BlockSpec((_BR, _C), lambda i: (jnp.maximum(i - _RB_TC, 0), 0)),
        ],
        out_specs=[
            pl.BlockSpec((_BR, _C), lambda i: (i, 0)),
            pl.BlockSpec((_BR, _C), lambda i: (i, 0)),
        ],
        out_shape=[
            jax.ShapeDtypeStruct((_ROWS, _C), jnp.float32),
            jax.ShapeDtypeStruct((_ROWS, _C), jnp.int32),
        ],
    )(mx, x, flags_tc, flags_sc)

    return s.reshape(shp), mask.reshape(shp).astype(jnp.int64)

# --- scband reference (transcript-rebuilt; emitter-appended) ---
"""Pipeline reference for scband-masker-32366873542896 (READ-ONLY COPY).

The authoritative reference and input builder live on the scoring server;
editing this copy changes nothing except your own understanding.
"""

import jax, jax.numpy as jnp
import numpy as np

# Masker config (mode='random')
RATIO = 0.3
ZERO_RATIO = 0.8
RANDOM_RATIO = 0.1


def setup_inputs(seed: int = 0) -> dict:
    key = jax.random.key(seed)
    spikes = jax.random.uniform(key, (64, 1024, 512), dtype=jnp.float32)
    return {"spikes": spikes}


def reference(spikes):
    # mode == 'random': mask_probs = full(spikes.shape, ratio)
    k = jax.random.key(42)
    k1, k2, k3, k4 = jax.random.split(k, 4)
    mask = jax.random.bernoulli(k1, RATIO, spikes.shape)
    # zero_idx = bernoulli(zero_ratio) & mask ; spikes[zero_idx] = 0
    zero_idx = jax.random.bernoulli(k2, ZERO_RATIO, spikes.shape) & mask
    s = jnp.where(zero_idx, jnp.zeros_like(spikes), spikes)
    # random_idx = bernoulli(random_ratio) & mask & ~zero_idx
    random_idx = jax.random.bernoulli(k3, RANDOM_RATIO, spikes.shape) & mask & (~zero_idx)
    # random_spikes = spikes.max() * rand(spikes.shape)  (max taken AFTER zeroing, matching torch in-place order)
    random_spikes = (jnp.max(s) * jax.random.uniform(k4, spikes.shape, dtype=jnp.float32)).astype(s.dtype)
    s = jnp.where(random_idx, random_spikes, s)
    return (s, mask.astype(jnp.int64))

if __name__ == "__main__":
    import jax
    _d = setup_inputs()
    print(jax.jit(kernel)(*tuple(_d.values())))

</pallas_src>

<mosaic_0001>
#map = affine_map<(d0, d1) -> (0)>
#map1 = affine_map<(d0, d1) -> (0, 0)>
module attributes {stable_mosaic.version = 14 : i64} {
  func.func @_sc_pass1(%arg0: i32, %arg1: i32, %arg2: memref<33554432xf32, #tpu.memory_space<hbm>>, %arg3: memref<11534336xi32, #tpu.memory_space<hbm>>, %arg4: memref<32x16xf32, #tpu.memory_space<hbm>>, %arg5: memref<32768xf32, #tpu.memory_space<vmem>>, %arg6: memref<32768xi32, #tpu.memory_space<vmem>>, %arg7: memref<16xf32, #tpu.memory_space<vmem>>) attributes {dimension_semantics = [#tpu.dimension_semantics<core_parallel>, #tpu.dimension_semantics<subcore_parallel>], iteration_bounds = array<i64: 2, 16>, scalar_prefetch = 0 : i64, scratch_operands = 3 : i64, tpu.core_type = #tpu.core_type<sc_vector_subcore>, window_params = [{transform_indices = #map}, {transform_indices = #map}, {transform_indices = #map1}]} {
    %mul3A = arith.constant 2 : i32
    %mul3A_0 = arith.muli %arg1, %mul3A : i32
    %add3A = arith.addi %mul3A_0, %arg0 : i32
    %mul3A_1 = arith.constant 704 : i32
    %mul3A_2 = arith.muli %add3A, %mul3A_1 : i32
    %add3A_3 = arith.constant 43008 : i32
    %add3A_4 = arith.addi %add3A_3, %mul3A_2 : i32
    %mul3A_5 = arith.constant 512 : i32
    %mul3A_6 = arith.muli %add3A_4, %mul3A_5 : i32
    %mul3A_7 = arith.constant 360448 : i32
    %mul3A_8 = arith.muli %add3A, %mul3A_7 : i32
    %iota3A = tpu.iota {dimensions = array<i32: 0>} : vector<16xi32>
    %broadcast_in_dim3A = arith.constant -3.000000e+38 : f32
    %broadcast_in_dim3A_9 = vector.broadcast %broadcast_in_dim3A : f32 to vector<16xf32>
    %swap3A = arith.constant 0 : index
    %swap3A_10 = tpu.vector_load %arg7[%swap3A] {strides = array<i32>} : memref<16xf32, #tpu.memory_space<vmem>>, vector<16xf32>,
    %swap3A_11 = vector.shape_cast %swap3A_10 : vector<16xf32> to vector<16xf32>
    %swap3A_12 = vector.shape_cast %broadcast_in_dim3A_9 : vector<16xf32> to vector<16xf32>
    tpu.vector_store %arg7[%swap3A], %swap3A_12 {strides = array<i32>} : memref<16xf32, #tpu.memory_space<vmem>>, vector<16xf32>,
    %scan3A = arith.constant 0 : i32
    %scan3A_13 = arith.constant 11 : i32
    %scan3A_14 = arith.addi %scan3A, %scan3A_13 : i32
    %scan3A_15 = arith.constant 1 : i32
    scf.for %scan3A_17 = %scan3A to %scan3A_14 step %scan3A_15  : i32 {
      %mul3A_18 = arith.constant 1 : i32
      %mul3A_19 = arith.muli %scan3A_17, %mul3A_18 : i32
      %add3A_20 = arith.constant 0 : i32
      %add3A_21 = arith.addi %add3A_20, %mul3A_19 : i32
      %mul3A_22 = arith.constant 32768 : i32
      %mul3A_23 = arith.muli %add3A_21, %mul3A_22 : i32
      %add3A_24 = arith.addi %mul3A_6, %mul3A_23 : i32
      "tpu.region"() ({
        %run_scoped3A = tpu.sem_alloc : memref<!tpu.dma_semaphore, #tpu.memory_space<semaphore_mem>>
        %dma_start3A = tpu.memref_slice %arg2[%add3A_24] : memref<33554432xf32, #tpu.memory_space<hbm>> -> memref<32768xf32, #tpu.memory_space<hbm>>
        %dma_start3A_33 = tpu.memref_slice %arg2[%add3A_24] : memref<33554432xf32, #tpu.memory_space<hbm>> -> memref<32768xf32, #tpu.memory_space<hbm>>
        tpu.enqueue_dma source(%dma_start3A_33 : memref<32768xf32, #tpu.memory_space<hbm>>) target(%arg5 : memref<32768xf32, #tpu.memory_space<vmem>>) target_semaphore(%run_scoped3A : memref<!tpu.dma_semaphore, #tpu.memory_space<semaphore_mem>>)
        %dma_wait3A = tpu.memref_slice %arg2[%add3A_24] : memref<33554432xf32, #tpu.memory_space<hbm>> -> memref<32768xf32, #tpu.memory_space<hbm>>
        %dma_wait3A_34 = tpu.memref_slice %arg2[%add3A_24] : memref<33554432xf32, #tpu.memory_space<hbm>> -> memref<32768xf32, #tpu.memory_space<hbm>>
        tpu.wait_dma2 semaphore(%run_scoped3A : memref<!tpu.dma_semaphore, #tpu.memory_space<semaphore_mem>>) src(%dma_wait3A_34 : memref<32768xf32, #tpu.memory_space<hbm>>) dst(%arg5 : memref<32768xf32, #tpu.memory_space<vmem>>)
        tpu.yield
      }) : () -> ()
      %scan3A_25 = arith.constant 0 : i32
      %scan3A_26 = arith.constant 2048 : i32
      %scan3A_27 = arith.addi %scan3A_25, %scan3A_26 : i32
      %scan3A_28 = arith.constant 2 : i32
      scf.for %scan3A_33 = %scan3A_25 to %scan3A_27 step %scan3A_28  : i32 {
        %mul3A_34 = arith.constant 1 : i32
        %mul3A_35 = arith.muli %scan3A_33, %mul3A_34 : i32
        %add3A_36 = arith.constant 0 : i32
        %add3A_37 = arith.addi %add3A_36, %mul3A_35 : i32
        %mul3A_38 = arith.constant 16 : i32
        %mul3A_39 = arith.muli %add3A_37, %mul3A_38 : i32
        %add3A_40 = arith.addi %add3A_24, %mul3A_39 : i32
        %add3A_41 = vector.broadcast %add3A_40 : i32 to vector<16xi32>
        %add3A_42 = arith.addi %add3A_41, %iota3A : vector<16xi32>
        %broadcast_in_dim3A_43 = arith.constant 1 : i32
        %broadcast_in_dim3A_44 = vector.broadcast %broadcast_in_dim3A_43 : i32 to vector<16xi32>
        %broadcast_in_dim3A_45 = arith.constant 0 : i32
        %broadcast_in_dim3A_46 = vector.broadcast %broadcast_in_dim3A_45 : i32 to vector<16xi32>
        %add3A_47 = arith.constant 270669613 : i32
        %add3A_48 = vector.broadcast %add3A_47 : i32 to vector<16xi32>
        %add3A_49 = arith.addi %add3A_42, %add3A_48 : vector<16xi32>
        %add3A_50 = arith.constant 1832780943 : i32
        %add3A_51 = vector.broadcast %add3A_50 : i32 to vector<16xi32>
        %add3A_52 = arith.addi %add3A_49, %add3A_51 : vector<16xi32>
        %shift_left3A = arith.constant 13 : i32
        %shift_left3A_53 = vector.broadcast %shift_left3A : i32 to vector<16xi32>
        %shift_left3A_54 = arith.shli %add3A_49, %shift_left3A_53 : vector<16xi32>
        %shift_right_logical3A = arith.constant 19 : i32
        %shift_right_logical3A_55 = vector.broadcast %shift_right_logical3A : i32 to vector<16xi32>
        %shift_right_logical3A_56 = arith.shrui %add3A_49, %shift_right_logical3A_55 : vector<16xi32>
        %or3A = arith.ori %shift_left3A_54, %shift_right_logical3A_56 : vector<16xi32>
        %xor3A = arith.xori %or3A, %add3A_52 : vector<16xi32>
        %add3A_57 = arith.addi %add3A_52, %xor3A : vector<16xi32>
        %shift_left3A_58 = arith.constant 15 : i32
        %shift_left3A_59 = vector.broadcast %shift_left3A_58 : i32 to vector<16xi32>
        %shift_left3A_60 = arith.shli %xor3A, %shift_left3A_59 : vector<16xi32>
        %shift_right_logical3A_61 = arith.constant 17 : i32
        %shift_right_logical3A_62 = vector.broadcast %shift_right_logical3A_61 : i32 to vector<16xi32>
        %shift_right_logical3A_63 = arith.shrui %xor3A, %shift_right_logical3A_62 : vector<16xi32>
        %or3A_64 = arith.ori %shift_left3A_60, %shift_right_logical3A_63 : vector<16xi32>
        %xor3A_65 = arith.xori %or3A_64, %add3A_57 : vector<16xi32>
        %add3A_66 = arith.addi %add3A_57, %xor3A_65 : vector<16xi32>
        %shift_left3A_67 = arith.constant 26 : i32
        %shift_left3A_68 = vector.broadcast %shift_left3A_67 : i32 to vector<16xi32>
        %shift_left3A_69 = arith.shli %xor3A_65, %shift_left3A_68 : vector<16xi32>
        %shift_right_logical3A_70 = arith.constant 6 : i32
        %shift_right_logical3A_71 = vector.broadcast %shift_right_logical3A_70 : i32 to vector<16xi32>
        %shift_right_logical3A_72 = arith.shrui %xor3A_65, %shift_right_logical3A_71 : vector<16xi32>
        %or3A_73 = arith.ori %shift_left3A_69, %shift_right_logical3A_72 : vector<16xi32>
        %xor3A_74 = arith.xori %or3A_73, %add3A_66 : vector<16xi32>
        %add3A_75 = arith.addi %add3A_66, %xor3A_74 : vector<16xi32>
        %shift_left3A_76 = arith.constant 6 : i32
        %shift_left3A_77 = vector.broadcast %shift_left3A_76 : i32 to vector<16xi32>
        %shift_left3A_78 = arith.shli %xor3A_74, %shift_left3A_77 : vector<16xi32>
        %shift_right_logical3A_79 = arith.constant 26 : i32
        %shift_right_logical3A_80 = vector.broadcast %shift_right_logical3A_79 : i32 to vector<16xi32>
        %shift_right_logical3A_81 = arith.shrui %xor3A_74, %shift_right_logical3A_80 : vector<16xi32>
        %or3A_82 = arith.ori %shift_left3A_78, %shift_right_logical3A_81 : vector<16xi32>
        %xor3A_83 = arith.xori %or3A_82, %add3A_75 : vector<16xi32>
        %add3A_84 = arith.constant 270669613 : i32
        %add3A_85 = vector.broadcast %add3A_84 : i32 to vector<16xi32>
        %add3A_86 = arith.addi %add3A_75, %add3A_85 : vector<16xi32>
        %add3A_87 = arith.constant 1724713081 : i32
        %add3A_88 = vector.broadcast %add3A_87 : i32 to vector<16xi32>
        %add3A_89 = arith.addi %xor3A_83, %add3A_88 : vector<16xi32>
        %add3A_90 = arith.addi %add3A_86, %add3A_89 : vector<16xi32>
        %shift_left3A_91 = arith.constant 17 : i32
        %shift_left3A_92 = vector.broadcast %shift_left3A_91 : i32 to vector<16xi32>
        %shift_left3A_93 = arith.shli %add3A_89, %shift_left3A_92 : vector<16xi32>
        %shift_right_logical3A_94 = arith.constant 15 : i32
        %shift_right_logical3A_95 = vector.broadcast %shift_right_logical3A_94 : i32 to vector<16xi32>
        %shift_right_logical3A_96 = arith.shrui %add3A_89, %shift_right_logical3A_95 : vector<16xi32>
        %or3A_97 = arith.ori %shift_left3A_93, %shift_right_logical3A_96 : vector<16xi32>
        %xor3A_98 = arith.xori %or3A_97, %add3A_90 : vector<16xi32>
        %add3A_99 = arith.addi %add3A_90, %xor3A_98 : vector<16xi32>
        %shift_left3A_100 = arith.constant 29 : i32
        %shift_left3A_101 = vector.broadcast %shift_left3A_100 : i32 to vector<16xi32>
        %shift_left3A_102 = arith.shli %xor3A_98, %shift_left3A_101 : vector<16xi32>
        %shift_right_logical3A_103 = arith.constant 3 : i32
        %shift_right_logical3A_104 = vector.broadcast %shift_right_logical3A_103 : i32 to vector<16xi32>
        %shift_right_logical3A_105 = arith.shrui %xor3A_98, %shift_right_logical3A_104 : vector<16xi32>
        %or3A_106 = arith.ori %shift_left3A_102, %shift_right_logical3A_105 : vector<16xi32>
        %xor3A_107 = arith.xori %or3A_106, %add3A_99 : vector<16xi32>
        %add3A_108 = arith.addi %add3A_99, %xor3A_107 : vector<16xi32>
        %shift_left3A_109 = arith.constant 16 : i32
        %shift_left3A_110 = vector.broadcast %shift_left3A_109 : i32 to vector<16xi32>
        %shift_left3A_111 = arith.shli %xor3A_107, %shift_left3A_110 : vector<16xi32>
        %shift_right_logical3A_112 = arith.constant 16 : i32
        %shift_right_logical3A_113 = vector.broadcast %shift_right_logical3A_112 : i32 to vector<16xi32>
        %shift_right_logical3A_114 = arith.shrui %xor3A_107, %shift_right_logical3A_113 : vector<16xi32>
        %or3A_115 = arith.ori %shift_left3A_111, %shift_right_logical3A_114 : vector<16xi32>
        %xor3A_116 = arith.xori %or3A_115, %add3A_108 : vector<16xi32>
        %add3A_117 = arith.addi %add3A_108, %xor3A_116 : vector<16xi32>
        %shift_left3A_118 = arith.constant 24 : i32
        %shift_left3A_119 = vector.broadcast %shift_left3A_118 : i32 to vector<16xi32>
        %shift_left3A_120 = arith.shli %xor3A_116, %shift_left3A_119 : vector<16xi32>
        %shift_right_logical3A_121 = arith.constant 8 : i32
        %shift_right_logical3A_122 = vector.broadcast %shift_right_logical3A_121 : i32 to vector<16xi32>
        %shift_right_logical3A_123 = arith.shrui %xor3A_116, %shift_right_logical3A_122 : vector<16xi32>
        %or3A_124 = arith.ori %shift_left3A_120, %shift_right_logical3A_123 : vector<16xi32>
        %xor3A_125 = arith.xori %or3A_124, %add3A_117 : vector<16xi32>
        %add3A_126 = arith.constant 1724713080 : i32
        %add3A_127 = vector.broadcast %add3A_126 : i32 to vector<16xi32>
        %add3A_128 = arith.addi %add3A_117, %add3A_127 : vector<16xi32>
        %add3A_129 = arith.constant 1832780945 : i32
        %add3A_130 = vector.broadcast %add3A_129 : i32 to vector<16xi32>
        %add3A_131 = arith.addi %xor3A_125, %add3A_130 : vector<16xi32>
        %add3A_132 = arith.addi %add3A_128, %add3A_131 : vector<16xi32>
        %shift_left3A_133 = arith.constant 13 : i32
        %shift_left3A_134 = vector.broadcast %shift_left3A_133 : i32 to vector<16xi32>
        %shift_left3A_135 = arith.shli %add3A_131, %shift_left3A_134 : vector<16xi32>
        %shift_right_logical3A_136 = arith.constant 19 : i32
        %shift_right_logical3A_137 = vector.broadcast %shift_right_logical3A_136 : i32 to vector<16xi32>
        %shift_right_logical3A_138 = arith.shrui %add3A_131, %shift_right_logical3A_137 : vector<16xi32>
        %or3A_139 = arith.ori %shift_left3A_135, %shift_right_logical3A_138 : vector<16xi32>
        %xor3A_140 = arith.xori %or3A_139, %add3A_132 : vector<16xi32>
        %add3A_141 = arith.addi %add3A_132, %xor3A_140 : vector<16xi32>
        %shift_left3A_142 = arith.constant 15 : i32
        %shift_left3A_143 = vector.broadcast %shift_left3A_142 : i32 to vector<16xi32>
        %shift_left3A_144 = arith.shli %xor3A_140, %shift_left3A_143 : vector<16xi32>
        %shift_right_logical3A_145 = arith.constant 17 : i32
        %shift_right_logical3A_146 = vector.broadcast %shift_right_logical3A_145 : i32 to vector<16xi32>
        %shift_right_logical3A_147 = arith.shrui %xor3A_140, %shift_right_logical3A_146 : vector<16xi32>
        %or3A_148 = arith.ori %shift_left3A_144, %shift_right_logical3A_147 : vector<16xi32>
        %xor3A_149 = arith.xori %or3A_148, %add3A_141 : vector<16xi32>
        %add3A_150 = arith.addi %add3A_141, %xor3A_149 : vector<16xi32>
        %shift_left3A_151 = arith.constant 26 : i32
        %shift_left3A_152 = vector.broadcast %shift_left3A_151 : i32 to vector<16xi32>
        %shift_left3A_153 = arith.shli %xor3A_149, %shift_left3A_152 : vector<16xi32>
        %shift_right_logical3A_154 = arith.constant 6 : i32
        %shift_right_logical3A_155 = vector.broadcast %shift_right_logical3A_154 : i32 to vector<16xi32>
        %shift_right_logical3A_156 = arith.shrui %xor3A_149, %shift_right_logical3A_155 : vector<16xi32>
        %or3A_157 = arith.ori %shift_left3A_153, %shift_right_logical3A_156 : vector<16xi32>
        %xor3A_158 = arith.xori %or3A_157, %add3A_150 : vector<16xi32>
        %add3A_159 = arith.addi %add3A_150, %xor3A_158 : vector<16xi32>
        %shift_left3A_160 = arith.constant 6 : i32
        %shift_left3A_161 = vector.broadcast %shift_left3A_160 : i32 to vector<16xi32>
        %shift_left3A_162 = arith.shli %xor3A_158, %shift_left3A_161 : vector<16xi32>
        %shift_right_logical3A_163 = arith.constant 26 : i32
        %shift_right_logical3A_164 = vector.broadcast %shift_right_logical3A_163 : i32 to vector<16xi32>
        %shift_right_logical3A_165 = arith.shrui %xor3A_158, %shift_right_logical3A_164 : vector<16xi32>
        %or3A_166 = arith.ori %shift_left3A_162, %shift_right_logical3A_165 : vector<16xi32>
        %xor3A_167 = arith.xori %or3A_166, %add3A_159 : vector<16xi32>
        %add3A_168 = arith.constant 1832780943 : i32
        %add3A_169 = vector.broadcast %add3A_168 : i32 to vector<16xi32>
        %add3A_170 = arith.addi %add3A_159, %add3A_169 : vector<16xi32>
        %add3A_171 = arith.constant 270669616 : i32
        %add3A_172 = vector.broadcast %add3A_171 : i32 to vector<16xi32>
        %add3A_173 = arith.addi %xor3A_167, %add3A_172 : vector<16xi32>
        %add3A_174 = arith.addi %add3A_170, %add3A_173 : vector<16xi32>
        %shift_left3A_175 = arith.constant 17 : i32
        %shift_left3A_176 = vector.broadcast %shift_left3A_175 : i32 to vector<16xi32>
        %shift_left3A_177 = arith.shli %add3A_173, %shift_left3A_176 : vector<16xi32>
        %shift_right_logical3A_178 = arith.constant 15 : i32
        %shift_right_logical3A_179 = vector.broadcast %shift_right_logical3A_178 : i32 to vector<16xi32>
        %shift_right_logical3A_180 = arith.shrui %add3A_173, %shift_right_logical3A_179 : vector<16xi32>
        %or3A_181 = arith.ori %shift_left3A_177, %shift_right_logical3A_180 : vector<16xi32>
        %xor3A_182 = arith.xori %or3A_181, %add3A_174 : vector<16xi32>
        %add3A_183 = arith.addi %add3A_174, %xor3A_182 : vector<16xi32>
        %shift_left3A_184 = arith.constant 29 : i32
        %shift_left3A_185 = vector.broadcast %shift_left3A_184 : i32 to vector<16xi32>
        %shift_left3A_186 = arith.shli %xor3A_182, %shift_left3A_185 : vector<16xi32>
        %shift_right_logical3A_187 = arith.constant 3 : i32
        %shift_right_logical3A_188 = vector.broadcast %shift_right_logical3A_187 : i32 to vector<16xi32>
        %shift_right_logical3A_189 = arith.shrui %xor3A_182, %shift_right_logical3A_188 : vector<16xi32>
        %or3A_190 = arith.ori %shift_left3A_186, %shift_right_logical3A_189 : vector<16xi32>
        %xor3A_191 = arith.xori %or3A_190, %add3A_183 : vector<16xi32>
        %add3A_192 = arith.addi %add3A_183, %xor3A_191 : vector<16xi32>
        %shift_left3A_193 = arith.constant 16 : i32
        %shift_left3A_194 = vector.broadcast %shift_left3A_193 : i32 to vector<16xi32>
        %shift_left3A_195 = arith.shli %xor3A_191, %shift_left3A_194 : vector<16xi32>
        %shift_right_logical3A_196 = arith.constant 16 : i32
        %shift_right_logical3A_197 = vector.broadcast %shift_right_logical3A_196 : i32 to vector<16xi32>
        %shift_right_logical3A_198 = arith.shrui %xor3A_191, %shift_right_logical3A_197 : vector<16xi32>
        %or3A_199 = arith.ori %shift_left3A_195, %shift_right_logical3A_198 : vector<16xi32>
        %xor3A_200 = arith.xori %or3A_199, %add3A_192 : vector<16xi32>
        %add3A_201 = arith.addi %add3A_192, %xor3A_200 : vector<16xi32>
        %shift_left3A_202 = arith.constant 24 : i32
        %shift_left3A_203 = vector.broadcast %shift_left3A_202 : i32 to vector<16xi32>
        %shift_left3A_204 = arith.shli %xor3A_200, %shift_left3A_203 : vector<16xi32>
        %shift_right_logical3A_205 = arith.constant 8 : i32
        %shift_right_logical3A_206 = vector.broadcast %shift_right_logical3A_205 : i32 to vector<16xi32>
        %shift_right_logical3A_207 = arith.shrui %xor3A_200, %shift_right_logical3A_206 : vector<16xi32>
        %or3A_208 = arith.ori %shift_left3A_204, %shift_right_logical3A_207 : vector<16xi32>
        %xor3A_209 = arith.xori %or3A_208, %add3A_201 : vector<16xi32>
        %add3A_210 = arith.constant 270669613 : i32
        %add3A_211 = vector.broadcast %add3A_210 : i32 to vector<16xi32>
        %add3A_212 = arith.addi %add3A_201, %add3A_211 : vector<16xi32>
        %add3A_213 = arith.constant 1724713084 : i32
        %add3A_214 = vector.broadcast %add3A_213 : i32 to vector<16xi32>
        %add3A_215 = arith.addi %xor3A_209, %add3A_214 : vector<16xi32>
        %add3A_216 = arith.addi %add3A_212, %add3A_215 : vector<16xi32>
        %shift_left3A_217 = arith.constant 13 : i32
        %shift_left3A_218 = vector.broadcast %shift_left3A_217 : i32 to vector<16xi32>
        %shift_left3A_219 = arith.shli %add3A_215, %shift_left3A_218 : vector<16xi32>
        %shift_right_logical3A_220 = arith.constant 19 : i32
        %shift_right_logical3A_221 = vector.broadcast %shift_right_logical3A_220 : i32 to vector<16xi32>
        %shift_right_logical3A_222 = arith.shrui %add3A_215, %shift_right_logical3A_221 : vector<16xi32>
        %or3A_223 = arith.ori %shift_left3A_219, %shift_right_logical3A_222 : vector<16xi32>
        %xor3A_224 = arith.xori %or3A_223, %add3A_216 : vector<16xi32>
        %add3A_225 = arith.addi %add3A_216, %xor3A_224 : vector<16xi32>
        %shift_left3A_226 = arith.constant 15 : i32
        %shift_left3A_227 = vector.broadcast %shift_left3A_226 : i32 to vector<16xi32>
        %shift_left3A_228 = arith.shli %xor3A_224, %shift_left3A_227 : vector<16xi32>
        %shift_right_logical3A_229 = arith.constant 17 : i32
        %shift_right_logical3A_230 = vector.broadcast %shift_right_logical3A_229 : i32 to vector<16xi32>
        %shift_right_logical3A_231 = arith.shrui %xor3A_224, %shift_right_logical3A_230 : vector<16xi32>
        %or3A_232 = arith.ori %shift_left3A_228, %shift_right_logical3A_231 : vector<16xi32>
        %xor3A_233 = arith.xori %or3A_232, %add3A_225 : vector<16xi32>
        %add3A_234 = arith.addi %add3A_225, %xor3A_233 : vector<16xi32>
        %shift_left3A_235 = arith.constant 26 : i32
        %shift_left3A_236 = vector.broadcast %shift_left3A_235 : i32 to vector<16xi32>
        %shift_left3A_237 = arith.shli %xor3A_233, %shift_left3A_236 : vector<16xi32>
        %shift_right_logical3A_238 = arith.constant 6 : i32
        %shift_right_logical3A_239 = vector.broadcast %shift_right_logical3A_238 : i32 to vector<16xi32>
        %shift_right_logical3A_240 = arith.shrui %xor3A_233, %shift_right_logical3A_239 : vector<16xi32>
        %or3A_241 = arith.ori %shift_left3A_237, %shift_right_logical3A_240 : vector<16xi32>
        %xor3A_242 = arith.xori %or3A_241, %add3A_234 : vector<16xi32>
        %add3A_243 = arith.addi %add3A_234, %xor3A_242 : vector<16xi32>
        %shift_left3A_244 = arith.constant 6 : i32
        %shift_left3A_245 = vector.broadcast %shift_left3A_244 : i32 to vector<16xi32>
        %shift_left3A_246 = arith.shli %xor3A_242, %shift_left3A_245 : vector<16xi32>
        %shift_right_logical3A_247 = arith.constant 26 : i32
        %shift_right_logical3A_248 = vector.broadcast %shift_right_logical3A_247 : i32 to vector<16xi32>
        %shift_right_logical3A_249 = arith.shrui %xor3A_242, %shift_right_logical3A_248 : vector<16xi32>
        %or3A_250 = arith.ori %shift_left3A_246, %shift_right_logical3A_249 : vector<16xi32>
        %xor3A_251 = arith.xori %or3A_250, %add3A_243 : vector<16xi32>
        %add3A_252 = arith.constant 1724713080 : i32
        %add3A_253 = vector.broadcast %add3A_252 : i32 to vector<16xi32>
        %add3A_254 = arith.addi %add3A_243, %add3A_253 : vector<16xi32>
        %add3A_255 = arith.constant 1832780948 : i32
        %add3A_256 = vector.broadcast %add3A_255 : i32 to vector<16xi32>
        %add3A_257 = arith.addi %xor3A_251, %add3A_256 : vector<16xi32>
        %xor3A_258 = arith.xori %add3A_254, %add3A_257 : vector<16xi32>
        %lt3A = arith.constant 1288490496 : i32
        %lt3A_259 = vector.broadcast %lt3A : i32 to vector<16xi32>
        %lt3A_260 = arith.cmpi ult, %xor3A_258, %lt3A_259 : vector<16xi32>
        %select_n3A = arith.select %lt3A_260, %broadcast_in_dim3A_44, %broadcast_in_dim3A_46 : vector<16xi1>, vector<16xi32>
        %add3A_261 = arith.constant -1378843660 : i32
        %add3A_262 = vector.broadcast %add3A_261 : i32 to vector<16xi32>
        %add3A_263 = arith.addi %add3A_42, %add3A_262 : vector<16xi32>
        %add3A_264 = arith.constant 64467757 : i32
        %add3A_265 = vector.broadcast %add3A_264 : i32 to vector<16xi32>
        %add3A_266 = arith.addi %add3A_263, %add3A_265 : vector<16xi32>
        %shift_left3A_267 = arith.constant 13 : i32
        %shift_left3A_268 = vector.broadcast %shift_left3A_267 : i32 to vector<16xi32>
        %shift_left3A_269 = arith.shli %add3A_263, %shift_left3A_268 : vector<16xi32>
        %shift_right_logical3A_270 = arith.constant 19 : i32
        %shift_right_logical3A_271 = vector.broadcast %shift_right_logical3A_270 : i32 to vector<16xi32>
        %shift_right_logical3A_272 = arith.shrui %add3A_263, %shift_right_logical3A_271 : vector<16xi32>
        %or3A_273 = arith.ori %shift_left3A_269, %shift_right_logical3A_272 : vector<16xi32>
        %xor3A_274 = arith.xori %or3A_273, %add3A_266 : vector<16xi32>
        %add3A_275 = arith.addi %add3A_266, %xor3A_274 : vector<16xi32>
        %shift_left3A_276 = arith.constant 15 : i32
        %shift_left3A_277 = vector.broadcast %shift_left3A_276 : i32 to vector<16xi32>
        %shift_left3A_278 = arith.shli %xor3A_274, %shift_left3A_277 : vector<16xi32>
        %shift_right_logical3A_279 = arith.constant 17 : i32
        %shift_right_logical3A_280 = vector.broadcast %shift_right_logical3A_279 : i32 to vector<16xi32>
        %shift_right_logical3A_281 = arith.shrui %xor3A_274, %shift_right_logical3A_280 : vector<16xi32>
        %or3A_282 = arith.ori %shift_left3A_278, %shift_right_logical3A_281 : vector<16xi32>
        %xor3A_283 = arith.xori %or3A_282, %add3A_275 : vector<16xi32>
        %add3A_284 = arith.addi %add3A_275, %xor3A_283 : vector<16xi32>
        %shift_left3A_285 = arith.constant 26 : i32
        %shift_left3A_286 = vector.broadcast %shift_left3A_285 : i32 to vector<16xi32>
        %shift_left3A_287 = arith.shli %xor3A_283, %shift_left3A_286 : vector<16xi32>
        %shift_right_logical3A_288 = arith.constant 6 : i32
        %shift_right_logical3A_289 = vector.broadcast %shift_right_logical3A_288 : i32 to vector<16xi32>
        %shift_right_logical3A_290 = arith.shrui %xor3A_283, %shift_right_logical3A_289 : vector<16xi32>
        %or3A_291 = arith.ori %shift_left3A_287, %shift_right_logical3A_290 : vector<16xi32>
        %xor3A_292 = arith.xori %or3A_291, %add3A_284 : vector<16xi32>
        %add3A_293 = arith.addi %add3A_284, %xor3A_292 : vector<16xi32>
        %shift_left3A_294 = arith.constant 6 : i32
        %shift_left3A_295 = vector.broadcast %shift_left3A_294 : i32 to vector<16xi32>
        %shift_left3A_296 = arith.shli %xor3A_292, %shift_left3A_295 : vector<16xi32>
        %shift_right_logical3A_297 = arith.constant 26 : i32
        %shift_right_logical3A_298 = vector.broadcast %shift_right_logical3A_297 : i32 to vector<16xi32>
        %shift_right_logical3A_299 = arith.shrui %xor3A_292, %shift_right_logical3A_298 : vector<16xi32>
        %or3A_300 = arith.ori %shift_left3A_296, %shift_right_logical3A_299 : vector<16xi32>
        %xor3A_301 = arith.xori %or3A_300, %add3A_293 : vector<16xi32>
        %add3A_302 = arith.constant -1378843660 : i32
        %add3A_303 = vector.broadcast %add3A_302 : i32 to vector<16xi32>
        %add3A_304 = arith.addi %add3A_293, %add3A_303 : vector<16xi32>
        %add3A_305 = arith.constant -1244255484 : i32
        %add3A_306 = vector.broadcast %add3A_305 : i32 to vector<16xi32>
        %add3A_307 = arith.addi %xor3A_301, %add3A_306 : vector<16xi32>
        %add3A_308 = arith.addi %add3A_304, %add3A_307 : vector<16xi32>
        %shift_left3A_309 = arith.constant 17 : i32
        %shift_left3A_310 = vector.broadcast %shift_left3A_309 : i32 to vector<16xi32>
        %shift_left3A_311 = arith.shli %add3A_307, %shift_left3A_310 : vector<16xi32>
        %shift_right_logical3A_312 = arith.constant 15 : i32
        %shift_right_logical3A_313 = vector.broadcast %shift_right_logical3A_312 : i32 to vector<16xi32>
        %shift_right_logical3A_314 = arith.shrui %add3A_307, %shift_right_logical3A_313 : vector<16xi32>
        %or3A_315 = arith.ori %shift_left3A_311, %shift_right_logical3A_314 : vector<16xi32>
        %xor3A_316 = arith.xori %or3A_315, %add3A_308 : vector<16xi32>
        %add3A_317 = arith.addi %add3A_308, %xor3A_316 : vector<16xi32>
        %shift_left3A_318 = arith.constant 29 : i32
        %shift_left3A_319 = vector.broadcast %shift_left3A_318 : i32 to vector<16xi32>
        %shift_left3A_320 = arith.shli %xor3A_316, %shift_left3A_319 : vector<16xi32>
        %shift_right_logical3A_321 = arith.constant 3 : i32
        %shift_right_logical3A_322 = vector.broadcast %shift_right_logical3A_321 : i32 to vector<16xi32>
        %shift_right_logical3A_323 = arith.shrui %xor3A_316, %shift_right_logical3A_322 : vector<16xi32>
        %or3A_324 = arith.ori %shift_left3A_320, %shift_right_logical3A_323 : vector<16xi32>
        %xor3A_325 = arith.xori %or3A_324, %add3A_317 : vector<16xi32>
        %add3A_326 = arith.addi %add3A_317, %xor3A_325 : vector<16xi32>
        %shift_left3A_327 = arith.constant 16 : i32
        %shift_left3A_328 = vector.broadcast %shift_left3A_327 : i32 to vector<16xi32>
        %shift_left3A_329 = arith.shli %xor3A_325, %shift_left3A_328 : vector<16xi32>
        %shift_right_logical3A_330 = arith.constant 16 : i32
        %shift_right_logical3A_331 = vector.broadcast %shift_right_logical3A_330 : i32 to vector<16xi32>
        %shift_right_logical3A_332 = arith.shrui %xor3A_325, %shift_right_logical3A_331 : vector<16xi32>
        %or3A_333 = arith.ori %shift_left3A_329, %shift_right_logical3A_332 : vector<16xi32>
        %xor3A_334 = arith.xori %or3A_333, %add3A_326 : vector<16xi32>
        %add3A_335 = arith.addi %add3A_326, %xor3A_334 : vector<16xi32>
        %shift_left3A_336 = arith.constant 24 : i32
        %shift_left3A_337 = vector.broadcast %shift_left3A_336 : i32 to vector<16xi32>
        %shift_left3A_338 = arith.shli %xor3A_334, %shift_left3A_337 : vector<16xi32>
        %shift_right_logical3A_339 = arith.constant 8 : i32
        %shift_right_logical3A_340 = vector.broadcast %shift_right_logical3A_339 : i32 to vector<16xi32>
        %shift_right_logical3A_341 = arith.shrui %xor3A_334, %shift_right_logical3A_340 : vector<16xi32>
        %or3A_342 = arith.ori %shift_left3A_338, %shift_right_logical3A_341 : vector<16xi32>
        %xor3A_343 = arith.xori %or3A_342, %add3A_335 : vector<16xi32>
        %add3A_344 = arith.constant -1244255485 : i32
        %add3A_345 = vector.broadcast %add3A_344 : i32 to vector<16xi32>
        %add3A_346 = arith.addi %add3A_335, %add3A_345 : vector<16xi32>
        %add3A_347 = arith.constant 64467759 : i32
        %add3A_348 = vector.broadcast %add3A_347 : i32 to vector<16xi32>
        %add3A_349 = arith.addi %xor3A_343, %add3A_348 : vector<16xi32>
        %add3A_350 = arith.addi %add3A_346, %add3A_349 : vector<16xi32>
        %shift_left3A_351 = arith.constant 13 : i32
        %shift_left3A_352 = vector.broadcast %shift_left3A_351 : i32 to vector<16xi32>
        %shift_left3A_353 = arith.shli %add3A_349, %shift_left3A_352 : vector<16xi32>
        %shift_right_logical3A_354 = arith.constant 19 : i32
        %shift_right_logical3A_355 = vector.broadcast %shift_right_logical3A_354 : i32 to vector<16xi32>
        %shift_right_logical3A_356 = arith.shrui %add3A_349, %shift_right_logical3A_355 : vector<16xi32>
        %or3A_357 = arith.ori %shift_left3A_353, %shift_right_logical3A_356 : vector<16xi32>
        %xor3A_358 = arith.xori %or3A_357, %add3A_350 : vector<16xi32>
        %add3A_359 = arith.addi %add3A_350, %xor3A_358 : vector<16xi32>
        %shift_left3A_360 = arith.constant 15 : i32
        %shift_left3A_361 = vector.broadcast %shift_left3A_360 : i32 to vector<16xi32>
        %shift_left3A_362 = arith.shli %xor3A_358, %shift_left3A_361 : vector<16xi32>
        %shift_right_logical3A_363 = arith.constant 17 : i32
        %shift_right_logical3A_364 = vector.broadcast %shift_right_logical3A_363 : i32 to vector<16xi32>
        %shift_right_logical3A_365 = arith.shrui %xor3A_358, %shift_right_logical3A_364 : vector<16xi32>
        %or3A_366 = arith.ori %shift_left3A_362, %shift_right_logical3A_365 : vector<16xi32>
        %xor3A_367 = arith.xori %or3A_366, %add3A_359 : vector<16xi32>
        %add3A_368 = arith.addi %add3A_359, %xor3A_367 : vector<16xi32>
        %shift_left3A_369 = arith.constant 26 : i32
        %shift_left3A_370 = vector.broadcast %shift_left3A_369 : i32 to vector<16xi32>
        %shift_left3A_371 = arith.shli %xor3A_367, %shift_left3A_370 : vector<16xi32>
        %shift_right_logical3A_372 = arith.constant 6 : i32
        %shift_right_logical3A_373 = vector.broadcast %shift_right_logical3A_372 : i32 to vector<16xi32>
        %shift_right_logical3A_374 = arith.shrui %xor3A_367, %shift_right_logical3A_373 : vector<16xi32>
        %or3A_375 = arith.ori %shift_left3A_371, %shift_right_logical3A_374 : vector<16xi32>
        %xor3A_376 = arith.xori %or3A_375, %add3A_368 : vector<16xi32>
        %add3A_377 = arith.addi %add3A_368, %xor3A_376 : vector<16xi32>
        %shift_left3A_378 = arith.constant 6 : i32
        %shift_left3A_379 = vector.broadcast %shift_left3A_378 : i32 to vector<16xi32>
        %shift_left3A_380 = arith.shli %xor3A_376, %shift_left3A_379 : vector<16xi32>
        %shift_right_logical3A_381 = arith.constant 26 : i32
        %shift_right_logical3A_382 = vector.broadcast %shift_right_logical3A_381 : i32 to vector<16xi32>
        %shift_right_logical3A_383 = arith.shrui %xor3A_376, %shift_right_logical3A_382 : vector<16xi32>
        %or3A_384 = arith.ori %shift_left3A_380, %shift_right_logical3A_383 : vector<16xi32>
        %xor3A_385 = arith.xori %or3A_384, %add3A_377 : vector<16xi32>
        %add3A_386 = arith.constant 64467757 : i32
        %add3A_387 = vector.broadcast %add3A_386 : i32 to vector<16xi32>
        %add3A_388 = arith.addi %add3A_377, %add3A_387 : vector<16xi32>
        %add3A_389 = arith.constant -1378843657 : i32
        %add3A_390 = vector.broadcast %add3A_389 : i32 to vector<16xi32>
        %add3A_391 = arith.addi %xor3A_385, %add3A_390 : vector<16xi32>
        %add3A_392 = arith.addi %add3A_388, %add3A_391 : vector<16xi32>
        %shift_left3A_393 = arith.constant 17 : i32
        %shift_left3A_394 = vector.broadcast %shift_left3A_393 : i32 to vector<16xi32>
        %shift_left3A_395 = arith.shli %add3A_391, %shift_left3A_394 : vector<16xi32>
        %shift_right_logical3A_396 = arith.constant 15 : i32
        %shift_right_logical3A_397 = vector.broadcast %shift_right_logical3A_396 : i32 to vector<16xi32>
        %shift_right_logical3A_398 = arith.shrui %add3A_391, %shift_right_logical3A_397 : vector<16xi32>
        %or3A_399 = arith.ori %shift_left3A_395, %shift_right_logical3A_398 : vector<16xi32>
        %xor3A_400 = arith.xori %or3A_399, %add3A_392 : vector<16xi32>
        %add3A_401 = arith.addi %add3A_392, %xor3A_400 : vector<16xi32>
        %shift_left3A_402 = arith.constant 29 : i32
        %shift_left3A_403 = vector.broadcast %shift_left3A_402 : i32 to vector<16xi32>
        %shift_left3A_404 = arith.shli %xor3A_400, %shift_left3A_403 : vector<16xi32>
        %shift_right_logical3A_405 = arith.constant 3 : i32
        %shift_right_logical3A_406 = vector.broadcast %shift_right_logical3A_405 : i32 to vector<16xi32>
        %shift_right_logical3A_407 = arith.shrui %xor3A_400, %shift_right_logical3A_406 : vector<16xi32>
        %or3A_408 = arith.ori %shift_left3A_404, %shift_right_logical3A_407 : vector<16xi32>
        %xor3A_409 = arith.xori %or3A_408, %add3A_401 : vector<16xi32>
        %add3A_410 = arith.addi %add3A_401, %xor3A_409 : vector<16xi32>
        %shift_left3A_411 = arith.constant 16 : i32
        %shift_left3A_412 = vector.broadcast %shift_left3A_411 : i32 to vector<16xi32>
        %shift_left3A_413 = arith.shli %xor3A_409, %shift_left3A_412 : vector<16xi32>
        %shift_right_logical3A_414 = arith.constant 16 : i32
        %shift_right_logical3A_415 = vector.broadcast %shift_right_logical3A_414 : i32 to vector<16xi32>
        %shift_right_logical3A_416 = arith.shrui %xor3A_409, %shift_right_logical3A_415 : vector<16xi32>
        %or3A_417 = arith.ori %shift_left3A_413, %shift_right_logical3A_416 : vector<16xi32>
        %xor3A_418 = arith.xori %or3A_417, %add3A_410 : vector<16xi32>
        %add3A_419 = arith.addi %add3A_410, %xor3A_418 : vector<16xi32>
        %shift_left3A_420 = arith.constant 24 : i32
        %shift_left3A_421 = vector.broadcast %shift_left3A_420 : i32 to vector<16xi32>
        %shift_left3A_422 = arith.shli %xor3A_418, %shift_left3A_421 : vector<16xi32>
        %shift_right_logical3A_423 = arith.constant 8 : i32
        %shift_right_logical3A_424 = vector.broadcast %shift_right_logical3A_423 : i32 to vector<16xi32>
        %shift_right_logical3A_425 = arith.shrui %xor3A_418, %shift_right_logical3A_424 : vector<16xi32>
        %or3A_426 = arith.ori %shift_left3A_422, %shift_right_logical3A_425 : vector<16xi32>
        %xor3A_427 = arith.xori %or3A_426, %add3A_419 : vector<16xi32>
        %add3A_428 = arith.constant -1378843660 : i32
        %add3A_429 = vector.broadcast %add3A_428 : i32 to vector<16xi32>
        %add3A_430 = arith.addi %add3A_419, %add3A_429 : vector<16xi32>
        %add3A_431 = arith.constant -1244255481 : i32
        %add3A_432 = vector.broadcast %add3A_431 : i32 to vector<16xi32>
        %add3A_433 = arith.addi %xor3A_427, %add3A_432 : vector<16xi32>
        %add3A_434 = arith.addi %add3A_430, %add3A_433 : vector<16xi32>
        %shift_left3A_435 = arith.constant 13 : i32
        %shift_left3A_436 = vector.broadcast %shift_left3A_435 : i32 to vector<16xi32>
        %shift_left3A_437 = arith.shli %add3A_433, %shift_left3A_436 : vector<16xi32>
        %shift_right_logical3A_438 = arith.constant 19 : i32
        %shift_right_logical3A_439 = vector.broadcast %shift_right_logical3A_438 : i32 to vector<16xi32>
        %shift_right_logical3A_440 = arith.shrui %add3A_433, %shift_right_logical3A_439 : vector<16xi32>
        %or3A_441 = arith.ori %shift_left3A_437, %shift_right_logical3A_440 : vector<16xi32>
        %xor3A_442 = arith.xori %or3A_441, %add3A_434 : vector<16xi32>
        %add3A_443 = arith.addi %add3A_434, %xor3A_442 : vector<16xi32>
        %shift_left3A_444 = arith.constant 15 : i32
        %shift_left3A_445 = vector.broadcast %shift_left3A_444 : i32 to vector<16xi32>
        %shift_left3A_446 = arith.shli %xor3A_442, %shift_left3A_445 : vector<16xi32>
        %shift_right_logical3A_447 = arith.constant 17 : i32
        %shift_right_logical3A_448 = vector.broadcast %shift_right_logical3A_447 : i32 to vector<16xi32>
        %shift_right_logical3A_449 = arith.shrui %xor3A_442, %shift_right_logical3A_448 : vector<16xi32>
        %or3A_450 = arith.ori %shift_left3A_446, %shift_right_logical3A_449 : vector<16xi32>
        %xor3A_451 = arith.xori %or3A_450, %add3A_443 : vector<16xi32>
        %add3A_452 = arith.addi %add3A_443, %xor3A_451 : vector<16xi32>
        %shift_left3A_453 = arith.constant 26 : i32
        %shift_left3A_454 = vector.broadcast %shift_left3A_453 : i32 to vector<16xi32>
        %shift_left3A_455 = arith.shli %xor3A_451, %shift_left3A_454 : vector<16xi32>
        %shift_right_logical3A_456 = arith.constant 6 : i32
        %shift_right_logical3A_457 = vector.broadcast %shift_right_logical3A_456 : i32 to vector<16xi32>
        %shift_right_logical3A_458 = arith.shrui %xor3A_451, %shift_right_logical3A_457 : vector<16xi32>
        %or3A_459 = arith.ori %shift_left3A_455, %shift_right_logical3A_458 : vector<16xi32>
        %xor3A_460 = arith.xori %or3A_459, %add3A_452 : vector<16xi32>
        %add3A_461 = arith.addi %add3A_452, %xor3A_460 : vector<16xi32>
        %shift_left3A_462 = arith.constant 6 : i32
        %shift_left3A_463 = vector.broadcast %shift_left3A_462 : i32 to vector<16xi32>
        %shift_left3A_464 = arith.shli %xor3A_460, %shift_left3A_463 : vector<16xi32>
        %shift_right_logical3A_465 = arith.constant 26 : i32
        %shift_right_logical3A_466 = vector.broadcast %shift_right_logical3A_465 : i32 to vector<16xi32>
        %shift_right_logical3A_467 = arith.shrui %xor3A_460, %shift_right_logical3A_466 : vector<16xi32>
        %or3A_468 = arith.ori %shift_left3A_464, %shift_right_logical3A_467 : vector<16xi32>
        %xor3A_469 = arith.xori %or3A_468, %add3A_461 : vector<16xi32>
        %add3A_470 = arith.constant -1244255485 : i32
        %add3A_471 = vector.broadcast %add3A_470 : i32 to vector<16xi32>
        %add3A_472 = arith.addi %add3A_461, %add3A_471 : vector<16xi32>
        %add3A_473 = arith.constant 64467762 : i32
        %add3A_474 = vector.broadcast %add3A_473 : i32 to vector<16xi32>
        %add3A_475 = arith.addi %xor3A_469, %add3A_474 : vector<16xi32>
        %xor3A_476 = arith.xori %add3A_472, %add3A_475 : vector<16xi32>
        %lt3A_477 = arith.constant -858993152 : i32
        %lt3A_478 = vector.broadcast %lt3A_477 : i32 to vector<16xi32>
        %lt3A_479 = arith.cmpi ult, %xor3A_476, %lt3A_478 : vector<16xi32>
        %select_n3A_480 = arith.select %lt3A_479, %broadcast_in_dim3A_44, %broadcast_in_dim3A_46 : vector<16xi1>, vector<16xi32>
        %add3A_481 = arith.constant 255383827 : i32
        %add3A_482 = vector.broadcast %add3A_481 : i32 to vector<16xi32>
        %add3A_483 = arith.addi %add3A_42, %add3A_482 : vector<16xi32>
        %add3A_484 = arith.constant -1829035798 : i32
        %add3A_485 = vector.broadcast %add3A_484 : i32 to vector<16xi32>
        %add3A_486 = arith.addi %add3A_483, %add3A_485 : vector<16xi32>
        %shift_left3A_487 = arith.constant 13 : i32
        %shift_left3A_488 = vector.broadcast %shift_left3A_487 : i32 to vector<16xi32>
        %shift_left3A_489 = arith.shli %add3A_483, %shift_left3A_488 : vector<16xi32>
        %shift_right_logical3A_490 = arith.constant 19 : i32
        %shift_right_logical3A_491 = vector.broadcast %shift_right_logical3A_490 : i32 to vector<16xi32>
        %shift_right_logical3A_492 = arith.shrui %add3A_483, %shift_right_logical3A_491 : vector<16xi32>
        %or3A_493 = arith.ori %shift_left3A_489, %shift_right_logical3A_492 : vector<16xi32>
        %xor3A_494 = arith.xori %or3A_493, %add3A_486 : vector<16xi32>
        %add3A_495 = arith.addi %add3A_486, %xor3A_494 : vector<16xi32>
        %shift_left3A_496 = arith.constant 15 : i32
        %shift_left3A_497 = vector.broadcast %shift_left3A_496 : i32 to vector<16xi32>
        %shift_left3A_498 = arith.shli %xor3A_494, %shift_left3A_497 : vector<16xi32>
        %shift_right_logical3A_499 = arith.constant 17 : i32
        %shift_right_logical3A_500 = vector.broadcast %shift_right_logical3A_499 : i32 to vector<16xi32>
        %shift_right_logical3A_501 = arith.shrui %xor3A_494, %shift_right_logical3A_500 : vector<16xi32>
        %or3A_502 = arith.ori %shift_left3A_498, %shift_right_logical3A_501 : vector<16xi32>
        %xor3A_503 = arith.xori %or3A_502, %add3A_495 : vector<16xi32>
        %add3A_504 = arith.addi %add3A_495, %xor3A_503 : vector<16xi32>
        %shift_left3A_505 = arith.constant 26 : i32
        %shift_left3A_506 = vector.broadcast %shift_left3A_505 : i32 to vector<16xi32>
        %shift_left3A_507 = arith.shli %xor3A_503, %shift_left3A_506 : vector<16xi32>
        %shift_right_logical3A_508 = arith.constant 6 : i32
        %shift_right_logical3A_509 = vector.broadcast %shift_right_logical3A_508 : i32 to vector<16xi32>
        %shift_right_logical3A_510 = arith.shrui %xor3A_503, %shift_right_logical3A_509 : vector<16xi32>
        %or3A_511 = arith.ori %shift_left3A_507, %shift_right_logical3A_510 : vector<16xi32>
        %xor3A_512 = arith.xori %or3A_511, %add3A_504 : vector<16xi32>
        %add3A_513 = arith.addi %add3A_504, %xor3A_512 : vector<16xi32>
        %shift_left3A_514 = arith.constant 6 : i32
        %shift_left3A_515 = vector.broadcast %shift_left3A_514 : i32 to vector<16xi32>
        %shift_left3A_516 = arith.shli %xor3A_512, %shift_left3A_515 : vector<16xi32>
        %shift_right_logical3A_517 = arith.constant 26 : i32
        %shift_right_logical3A_518 = vector.broadcast %shift_right_logical3A_517 : i32 to vector<16xi32>
        %shift_right_logical3A_519 = arith.shrui %xor3A_512, %shift_right_logical3A_518 : vector<16xi32>
        %or3A_520 = arith.ori %shift_left3A_516, %shift_right_logical3A_519 : vector<16xi32>
        %xor3A_521 = arith.xori %or3A_520, %add3A_513 : vector<16xi32>
        %add3A_522 = arith.constant 255383827 : i32
        %add3A_523 = vector.broadcast %add3A_522 : i32 to vector<16xi32>
        %add3A_524 = arith.addi %add3A_513, %add3A_523 : vector<16xi32>
        %add3A_525 = arith.constant -2045582812 : i32
        %add3A_526 = vector.broadcast %add3A_525 : i32 to vector<16xi32>
        %add3A_527 = arith.addi %xor3A_521, %add3A_526 : vector<16xi32>
        %add3A_528 = arith.addi %add3A_524, %add3A_527 : vector<16xi32>
        %shift_left3A_529 = arith.constant 17 : i32
        %shift_left3A_530 = vector.broadcast %shift_left3A_529 : i32 to vector<16xi32>
        %shift_left3A_531 = arith.shli %add3A_527, %shift_left3A_530 : vector<16xi32>
        %shift_right_logical3A_532 = arith.constant 15 : i32
        %shift_right_logical3A_533 = vector.broadcast %shift_right_logical3A_532 : i32 to vector<16xi32>
        %shift_right_logical3A_534 = arith.shrui %add3A_527, %shift_right_logical3A_533 : vector<16xi32>
        %or3A_535 = arith.ori %shift_left3A_531, %shift_right_logical3A_534 : vector<16xi32>
        %xor3A_536 = arith.xori %or3A_535, %add3A_528 : vector<16xi32>
        %add3A_537 = arith.addi %add3A_528, %xor3A_536 : vector<16xi32>
        %shift_left3A_538 = arith.constant 29 : i32
        %shift_left3A_539 = vector.broadcast %shift_left3A_538 : i32 to vector<16xi32>
        %shift_left3A_540 = arith.shli %xor3A_536, %shift_left3A_539 : vector<16xi32>
        %shift_right_logical3A_541 = arith.constant 3 : i32
        %shift_right_logical3A_542 = vector.broadcast %shift_right_logical3A_541 : i32 to vector<16xi32>
        %shift_right_logical3A_543 = arith.shrui %xor3A_536, %shift_right_logical3A_542 : vector<16xi32>
        %or3A_544 = arith.ori %shift_left3A_540, %shift_right_logical3A_543 : vector<16xi32>
        %xor3A_545 = arith.xori %or3A_544, %add3A_537 : vector<16xi32>
        %add3A_546 = arith.addi %add3A_537, %xor3A_545 : vector<16xi32>
        %shift_left3A_547 = arith.constant 16 : i32
        %shift_left3A_548 = vector.broadcast %shift_left3A_547 : i32 to vector<16xi32>
        %shift_left3A_549 = arith.shli %xor3A_545, %shift_left3A_548 : vector<16xi32>
        %shift_right_logical3A_550 = arith.constant 16 : i32
        %shift_right_logical3A_551 = vector.broadcast %shift_right_logical3A_550 : i32 to vector<16xi32>
        %shift_right_logical3A_552 = arith.shrui %xor3A_545, %shift_right_logical3A_551 : vector<16xi32>
        %or3A_553 = arith.ori %shift_left3A_549, %shift_right_logical3A_552 : vector<16xi32>
        %xor3A_554 = arith.xori %or3A_553, %add3A_546 : vector<16xi32>
        %add3A_555 = arith.addi %add3A_546, %xor3A_554 : vector<16xi32>
        %shift_left3A_556 = arith.constant 24 : i32
        %shift_left3A_557 = vector.broadcast %shift_left3A_556 : i32 to vector<16xi32>
        %shift_left3A_558 = arith.shli %xor3A_554, %shift_left3A_557 : vector<16xi32>
        %shift_right_logical3A_559 = arith.constant 8 : i32
        %shift_right_logical3A_560 = vector.broadcast %shift_right_logical3A_559 : i32 to vector<16xi32>
        %shift_right_logical3A_561 = arith.shrui %xor3A_554, %shift_right_logical3A_560 : vector<16xi32>
        %or3A_562 = arith.ori %shift_left3A_558, %shift_right_logical3A_561 : vector<16xi32>
        %xor3A_563 = arith.xori %or3A_562, %add3A_555 : vector<16xi32>
        %add3A_564 = arith.constant -2045582813 : i32
        %add3A_565 = vector.broadcast %add3A_564 : i32 to vector<16xi32>
        %add3A_566 = arith.addi %add3A_555, %add3A_565 : vector<16xi32>
        %add3A_567 = arith.constant -1829035796 : i32
        %add3A_568 = vector.broadcast %add3A_567 : i32 to vector<16xi32>
        %add3A_569 = arith.addi %xor3A_563, %add3A_568 : vector<16xi32>
        %add3A_570 = arith.addi %add3A_566, %add3A_569 : vector<16xi32>
        %shift_left3A_571 = arith.constant 13 : i32
        %shift_left3A_572 = vector.broadcast %shift_left3A_571 : i32 to vector<16xi32>
        %shift_left3A_573 = arith.shli %add3A_569, %shift_left3A_572 : vector<16xi32>
        %shift_right_logical3A_574 = arith.constant 19 : i32
        %shift_right_logical3A_575 = vector.broadcast %shift_right_logical3A_574 : i32 to vector<16xi32>
        %shift_right_logical3A_576 = arith.shrui %add3A_569, %shift_right_logical3A_575 : vector<16xi32>
        %or3A_577 = arith.ori %shift_left3A_573, %shift_right_logical3A_576 : vector<16xi32>
        %xor3A_578 = arith.xori %or3A_577, %add3A_570 : vector<16xi32>
        %add3A_579 = arith.addi %add3A_570, %xor3A_578 : vector<16xi32>
        %shift_left3A_580 = arith.constant 15 : i32
        %shift_left3A_581 = vector.broadcast %shift_left3A_580 : i32 to vector<16xi32>
        %shift_left3A_582 = arith.shli %xor3A_578, %shift_left3A_581 : vector<16xi32>
        %shift_right_logical3A_583 = arith.constant 17 : i32
        %shift_right_logical3A_584 = vector.broadcast %shift_right_logical3A_583 : i32 to vector<16xi32>
        %shift_right_logical3A_585 = arith.shrui %xor3A_578, %shift_right_logical3A_584 : vector<16xi32>
        %or3A_586 = arith.ori %shift_left3A_582, %shift_right_logical3A_585 : vector<16xi32>
        %xor3A_587 = arith.xori %or3A_586, %add3A_579 : vector<16xi32>
        %add3A_588 = arith.addi %add3A_579, %xor3A_587 : vector<16xi32>
        %shift_left3A_589 = arith.constant 26 : i32
        %shift_left3A_590 = vector.broadcast %shift_left3A_589 : i32 to vector<16xi32>
        %shift_left3A_591 = arith.shli %xor3A_587, %shift_left3A_590 : vector<16xi32>
        %shift_right_logical3A_592 = arith.constant 6 : i32
        %shift_right_logical3A_593 = vector.broadcast %shift_right_logical3A_592 : i32 to vector<16xi32>
        %shift_right_logical3A_594 = arith.shrui %xor3A_587, %shift_right_logical3A_593 : vector<16xi32>
        %or3A_595 = arith.ori %shift_left3A_591, %shift_right_logical3A_594 : vector<16xi32>
        %xor3A_596 = arith.xori %or3A_595, %add3A_588 : vector<16xi32>
        %add3A_597 = arith.addi %add3A_588, %xor3A_596 : vector<16xi32>
        %shift_left3A_598 = arith.constant 6 : i32
        %shift_left3A_599 = vector.broadcast %shift_left3A_598 : i32 to vector<16xi32>
        %shift_left3A_600 = arith.shli %xor3A_596, %shift_left3A_599 : vector<16xi32>
        %shift_right_logical3A_601 = arith.constant 26 : i32
        %shift_right_logical3A_602 = vector.broadcast %shift_right_logical3A_601 : i32 to vector<16xi32>
        %shift_right_logical3A_603 = arith.shrui %xor3A_596, %shift_right_logical3A_602 : vector<16xi32>
        %or3A_604 = arith.ori %shift_left3A_600, %shift_right_logical3A_603 : vector<16xi32>
        %xor3A_605 = arith.xori %or3A_604, %add3A_597 : vector<16xi32>
        %add3A_606 = arith.constant -1829035798 : i32
        %add3A_607 = vector.broadcast %add3A_606 : i32 to vector<16xi32>
        %add3A_608 = arith.addi %add3A_597, %add3A_607 : vector<16xi32>
        %add3A_609 = arith.constant 255383830 : i32
        %add3A_610 = vector.broadcast %add3A_609 : i32 to vector<16xi32>
        %add3A_611 = arith.addi %xor3A_605, %add3A_610 : vector<16xi32>
        %add3A_612 = arith.addi %add3A_608, %add3A_611 : vector<16xi32>
        %shift_left3A_613 = arith.constant 17 : i32
        %shift_left3A_614 = vector.broadcast %shift_left3A_613 : i32 to vector<16xi32>
        %shift_left3A_615 = arith.shli %add3A_611, %shift_left3A_614 : vector<16xi32>
        %shift_right_logical3A_616 = arith.constant 15 : i32
        %shift_right_logical3A_617 = vector.broadcast %shift_right_logical3A_616 : i32 to vector<16xi32>
        %shift_right_logical3A_618 = arith.shrui %add3A_611, %shift_right_logical3A_617 : vector<16xi32>
        %or3A_619 = arith.ori %shift_left3A_615, %shift_right_logical3A_618 : vector<16xi32>
        %xor3A_620 = arith.xori %or3A_619, %add3A_612 : vector<16xi32>
        %add3A_621 = arith.addi %add3A_612, %xor3A_620 : vector<16xi32>
        %shift_left3A_622 = arith.constant 29 : i32
        %shift_left3A_623 = vector.broadcast %shift_left3A_622 : i32 to vector<16xi32>
        %shift_left3A_624 = arith.shli %xor3A_620, %shift_left3A_623 : vector<16xi32>
        %shift_right_logical3A_625 = arith.constant 3 : i32
        %shift_right_logical3A_626 = vector.broadcast %shift_right_logical3A_625 : i32 to vector<16xi32>
        %shift_right_logical3A_627 = arith.shrui %xor3A_620, %shift_right_logical3A_626 : vector<16xi32>
        %or3A_628 = arith.ori %shift_left3A_624, %shift_right_logical3A_627 : vector<16xi32>
        %xor3A_629 = arith.xori %or3A_628, %add3A_621 : vector<16xi32>
        %add3A_630 = arith.addi %add3A_621, %xor3A_629 : vector<16xi32>
        %shift_left3A_631 = arith.constant 16 : i32
        %shift_left3A_632 = vector.broadcast %shift_left3A_631 : i32 to vector<16xi32>
        %shift_left3A_633 = arith.shli %xor3A_629, %shift_left3A_632 : vector<16xi32>
        %shift_right_logical3A_634 = arith.constant 16 : i32
        %shift_right_logical3A_635 = vector.broadcast %shift_right_logical3A_634 : i32 to vector<16xi32>
        %shift_right_logical3A_636 = arith.shrui %xor3A_629, %shift_right_logical3A_635 : vector<16xi32>
        %or3A_637 = arith.ori %shift_left3A_633, %shift_right_logical3A_636 : vector<16xi32>
        %xor3A_638 = arith.xori %or3A_637, %add3A_630 : vector<16xi32>
        %add3A_639 = arith.addi %add3A_630, %xor3A_638 : vector<16xi32>
        %shift_left3A_640 = arith.constant 24 : i32
        %shift_left3A_641 = vector.broadcast %shift_left3A_640 : i32 to vector<16xi32>
        %shift_left3A_642 = arith.shli %xor3A_638, %shift_left3A_641 : vector<16xi32>
        %shift_right_logical3A_643 = arith.constant 8 : i32
        %shift_right_logical3A_644 = vector.broadcast %shift_right_logical3A_643 : i32 to vector<16xi32>
        %shift_right_logical3A_645 = arith.shrui %xor3A_638, %shift_right_logical3A_644 : vector<16xi32>
        %or3A_646 = arith.ori %shift_left3A_642, %shift_right_logical3A_645 : vector<16xi32>
        %xor3A_647 = arith.xori %or3A_646, %add3A_639 : vector<16xi32>
        %add3A_648 = arith.constant 255383827 : i32
        %add3A_649 = vector.broadcast %add3A_648 : i32 to vector<16xi32>
        %add3A_650 = arith.addi %add3A_639, %add3A_649 : vector<16xi32>
        %add3A_651 = arith.constant -2045582809 : i32
        %add3A_652 = vector.broadcast %add3A_651 : i32 to vector<16xi32>
        %add3A_653 = arith.addi %xor3A_647, %add3A_652 : vector<16xi32>
        %add3A_654 = arith.addi %add3A_650, %add3A_653 : vector<16xi32>
        %shift_left3A_655 = arith.constant 13 : i32
        %shift_left3A_656 = vector.broadcast %shift_left3A_655 : i32 to vector<16xi32>
        %shift_left3A_657 = arith.shli %add3A_653, %shift_left3A_656 : vector<16xi32>
        %shift_right_logical3A_658 = arith.constant 19 : i32
        %shift_right_logical3A_659 = vector.broadcast %shift_right_logical3A_658 : i32 to vector<16xi32>
        %shift_right_logical3A_660 = arith.shrui %add3A_653, %shift_right_logical3A_659 : vector<16xi32>
        %or3A_661 = arith.ori %shift_left3A_657, %shift_right_logical3A_660 : vector<16xi32>
        %xor3A_662 = arith.xori %or3A_661, %add3A_654 : vector<16xi32>
        %add3A_663 = arith.addi %add3A_654, %xor3A_662 : vector<16xi32>
        %shift_left3A_664 = arith.constant 15 : i32
        %shift_left3A_665 = vector.broadcast %shift_left3A_664 : i32 to vector<16xi32>
        %shift_left3A_666 = arith.shli %xor3A_662, %shift_left3A_665 : vector<16xi32>
        %shift_right_logical3A_667 = arith.constant 17 : i32
        %shift_right_logical3A_668 = vector.broadcast %shift_right_logical3A_667 : i32 to vector<16xi32>
        %shift_right_logical3A_669 = arith.shrui %xor3A_662, %shift_right_logical3A_668 : vector<16xi32>
        %or3A_670 = arith.ori %shift_left3A_666, %shift_right_logical3A_669 : vector<16xi32>
        %xor3A_671 = arith.xori %or3A_670, %add3A_663 : vector<16xi32>
        %add3A_672 = arith.addi %add3A_663, %xor3A_671 : vector<16xi32>
        %shift_left3A_673 = arith.constant 26 : i32
        %shift_left3A_674 = vector.broadcast %shift_left3A_673 : i32 to vector<16xi32>
        %shift_left3A_675 = arith.shli %xor3A_671, %shift_left3A_674 : vector<16xi32>
        %shift_right_logical3A_676 = arith.constant 6 : i32
        %shift_right_logical3A_677 = vector.broadcast %shift_right_logical3A_676 : i32 to vector<16xi32>
        %shift_right_logical3A_678 = arith.shrui %xor3A_671, %shift_right_logical3A_677 : vector<16xi32>
        %or3A_679 = arith.ori %shift_left3A_675, %shift_right_logical3A_678 : vector<16xi32>
        %xor3A_680 = arith.xori %or3A_679, %add3A_672 : vector<16xi32>
        %add3A_681 = arith.addi %add3A_672, %xor3A_680 : vector<16xi32>
        %shift_left3A_682 = arith.constant 6 : i32
        %shift_left3A_683 = vector.broadcast %shift_left3A_682 : i32 to vector<16xi32>
        %shift_left3A_684 = arith.shli %xor3A_680, %shift_left3A_683 : vector<16xi32>
        %shift_right_logical3A_685 = arith.constant 26 : i32
        %shift_right_logical3A_686 = vector.broadcast %shift_right_logical3A_685 : i32 to vector<16xi32>
        %shift_right_logical3A_687 = arith.shrui %xor3A_680, %shift_right_logical3A_686 : vector<16xi32>
        %or3A_688 = arith.ori %shift_left3A_684, %shift_right_logical3A_687 : vector<16xi32>
        %xor3A_689 = arith.xori %or3A_688, %add3A_681 : vector<16xi32>
        %add3A_690 = arith.constant -2045582813 : i32
        %add3A_691 = vector.broadcast %add3A_690 : i32 to vector<16xi32>
        %add3A_692 = arith.addi %add3A_681, %add3A_691 : vector<16xi32>
        %add3A_693 = arith.constant -1829035793 : i32
        %add3A_694 = vector.broadcast %add3A_693 : i32 to vector<16xi32>
        %add3A_695 = arith.addi %xor3A_689, %add3A_694 : vector<16xi32>
        %xor3A_696 = arith.xori %add3A_692, %add3A_695 : vector<16xi32>
        %lt3A_697 = arith.constant 429496832 : i32
        %lt3A_698 = vector.broadcast %lt3A_697 : i32 to vector<16xi32>
        %lt3A_699 = arith.cmpi ult, %xor3A_696, %lt3A_698 : vector<16xi32>
        %select_n3A_700 = arith.select %lt3A_699, %broadcast_in_dim3A_44, %broadcast_in_dim3A_46 : vector<16xi1>, vector<16xi32>
        %and3A = arith.andi %select_n3A, %select_n3A_480 : vector<16xi32>
        %and3A_701 = arith.andi %select_n3A_700, %select_n3A : vector<16xi32>
        %sub3A = arith.subi %broadcast_in_dim3A_44, %and3A : vector<16xi32>
        %and3A_702 = arith.andi %and3A_701, %sub3A : vector<16xi32>
        %shift_left3A_703 = arith.constant 1 : i32
        %shift_left3A_704 = vector.broadcast %shift_left3A_703 : i32 to vector<16xi32>
        %shift_left3A_705 = arith.shli %and3A, %shift_left3A_704 : vector<16xi32>
        %or3A_706 = arith.ori %select_n3A, %shift_left3A_705 : vector<16xi32>
        %shift_left3A_707 = arith.constant 2 : i32
        %shift_left3A_708 = vector.broadcast %shift_left3A_707 : i32 to vector<16xi32>
        %shift_left3A_709 = arith.shli %and3A_702, %shift_left3A_708 : vector<16xi32>
        %or3A_710 = arith.ori %or3A_706, %shift_left3A_709 : vector<16xi32>
        %swap3A_711 = arith.index_cast %mul3A_39 : i32 to index
        %swap3A_712 = tpu.vector_load %arg6[%swap3A_711] {strides = array<i32>} : memref<32768xi32, #tpu.memory_space<vmem>>, vector<16xi32>,
        %swap3A_713 = vector.shape_cast %swap3A_712 : vector<16xi32> to vector<16xi32>
        %swap3A_714 = vector.shape_cast %or3A_710 : vector<16xi32> to vector<16xi32>
        tpu.vector_store %arg6[%swap3A_711], %swap3A_714 {strides = array<i32>} : memref<32768xi32, #tpu.memory_space<vmem>>, vector<16xi32>,
        %get3A = arith.index_cast %mul3A_39 : i32 to index
        %get3A_715 = tpu.vector_load %arg5[%get3A] {strides = array<i32>} : memref<32768xf32, #tpu.memory_space<vmem>>, vector<16xf32>,
        %get3A_716 = vector.shape_cast %get3A_715 : vector<16xf32> to vector<16xf32>
        %get3A_717 = arith.constant 0 : index
        %get3A_718 = tpu.vector_load %arg7[%get3A_717] {strides = array<i32>} : memref<16xf32, #tpu.memory_space<vmem>>, vector<16xf32>,
        %get3A_719 = vector.shape_cast %get3A_718 : vector<16xf32> to vector<16xf32>
        %ne3A = arith.constant 0 : i32
        %ne3A_720 = vector.broadcast %ne3A : i32 to vector<16xi32>
        %ne3A_721 = arith.cmpi ne, %and3A, %ne3A_720 : vector<16xi32>
        %jit3A = arith.constant 0.000000e+00 : f32
        %broadcast_in_dim3A_722 = vector.broadcast %jit3A : f32 to vector<16xf32>
        %select_n3A_723 = arith.select %ne3A_721, %broadcast_in_dim3A_722, %get3A_716 : vector<16xi1>, vector<16xf32>
        %max3A = arith.maximumf %get3A_719, %select_n3A_723 : vector<16xf32>
        %swap3A_724 = arith.constant 0 : index
        %swap3A_725 = tpu.vector_load %arg7[%swap3A_724] {strides = array<i32>} : memref<16xf32, #tpu.memory_space<vmem>>, vector<16xf32>,
        %swap3A_726 = vector.shape_cast %swap3A_725 : vector<16xf32> to vector<16xf32>
        %swap3A_727 = vector.shape_cast %max3A : vector<16xf32> to vector<16xf32>
        tpu.vector_store %arg7[%swap3A_724], %swap3A_727 {strides = array<i32>} : memref<16xf32, #tpu.memory_space<vmem>>, vector<16xf32>,
        %scan3A_728 = arith.constant 1 : i32
        %scan3A_729 = arith.addi %scan3A_33, %scan3A_728 : i32
        %mul3A_730 = arith.constant 1 : i32
        %mul3A_731 = arith.muli %scan3A_729, %mul3A_730 : i32
        %add3A_732 = arith.constant 0 : i32
        %add3A_733 = arith.addi %add3A_732, %mul3A_731 : i32
        %mul3A_734 = arith.constant 16 : i32
        %mul3A_735 = arith.muli %add3A_733, %mul3A_734 : i32
        %add3A_736 = arith.addi %add3A_24, %mul3A_735 : i32
        %add3A_737 = vector.broadcast %add3A_736 : i32 to vector<16xi32>
        %add3A_738 = arith.addi %add3A_737, %iota3A : vector<16xi32>
        %broadcast_in_dim3A_739 = arith.constant 1 : i32
        %broadcast_in_dim3A_740 = vector.broadcast %broadcast_in_dim3A_739 : i32 to vector<16xi32>
        %broadcast_in_dim3A_741 = arith.constant 0 : i32
        %broadcast_in_dim3A_742 = vector.broadcast %broadcast_in_dim3A_741 : i32 to vector<16xi32>
        %add3A_743 = arith.constant 270669613 : i32
        %add3A_744 = vector.broadcast %add3A_743 : i32 to vector<16xi32>
        %add3A_745 = arith.addi %add3A_738, %add3A_744 : vector<16xi32>
        %add3A_746 = arith.constant 1832780943 : i32
        %add3A_747 = vector.broadcast %add3A_746 : i32 to vector<16xi32>
        %add3A_748 = arith.addi %add3A_745, %add3A_747 : vector<16xi32>
        %shift_left3A_749 = arith.constant 13 : i32
        %shift_left3A_750 = vector.broadcast %shift_left3A_749 : i32 to vector<16xi32>
        %shift_left3A_751 = arith.shli %add3A_745, %shift_left3A_750 : vector<16xi32>
        %shift_right_logical3A_752 = arith.constant 19 : i32
        %shift_right_logical3A_753 = vector.broadcast %shift_right_logical3A_752 : i32 to vector<16xi32>
        %shift_right_logical3A_754 = arith.shrui %add3A_745, %shift_right_logical3A_753 : vector<16xi32>
        %or3A_755 = arith.ori %shift_left3A_751, %shift_right_logical3A_754 : vector<16xi32>
        %xor3A_756 = arith.xori %or3A_755, %add3A_748 : vector<16xi32>
        %add3A_757 = arith.addi %add3A_748, %xor3A_756 : vector<16xi32>
        %shift_left3A_758 = arith.constant 15 : i32
        %shift_left3A_759 = vector.broadcast %shift_left3A_758 : i32 to vector<16xi32>
        %shift_left3A_760 = arith.shli %xor3A_756, %shift_left3A_759 : vector<16xi32>
        %shift_right_logical3A_761 = arith.constant 17 : i32
        %shift_right_logical3A_762 = vector.broadcast %shift_right_logical3A_761 : i32 to vector<16xi32>
        %shift_right_logical3A_763 = arith.shrui %xor3A_756, %shift_right_logical3A_762 : vector<16xi32>
        %or3A_764 = arith.ori %shift_left3A_760, %shift_right_logical3A_763 : vector<16xi32>
        %xor3A_765 = arith.xori %or3A_764, %add3A_757 : vector<16xi32>
        %add3A_766 = arith.addi %add3A_757, %xor3A_765 : vector<16xi32>
        %shift_left3A_767 = arith.constant 26 : i32
        %shift_left3A_768 = vector.broadcast %shift_left3A_767 : i32 to vector<16xi32>
        %shift_left3A_769 = arith.shli %xor3A_765, %shift_left3A_768 : vector<16xi32>
        %shift_right_logical3A_770 = arith.constant 6 : i32
        %shift_right_logical3A_771 = vector.broadcast %shift_right_logical3A_770 : i32 to vector<16xi32>
        %shift_right_logical3A_772 = arith.shrui %xor3A_765, %shift_right_logical3A_771 : vector<16xi32>
        %or3A_773 = arith.ori %shift_left3A_769, %shift_right_logical3A_772 : vector<16xi32>
        %xor3A_774 = arith.xori %or3A_773, %add3A_766 : vector<16xi32>
        %add3A_775 = arith.addi %add3A_766, %xor3A_774 : vector<16xi32>
        %shift_left3A_776 = arith.constant 6 : i32
        %shift_left3A_777 = vector.broadcast %shift_left3A_776 : i32 to vector<16xi32>
        %shift_left3A_778 = arith.shli %xor3A_774, %shift_left3A_777 : vector<16xi32>
        %shift_right_logical3A_779 = arith.constant 26 : i32
        %shift_right_logical3A_780 = vector.broadcast %shift_right_logical3A_779 : i32 to vector<16xi32>
        %shift_right_logical3A_781 = arith.shrui %xor3A_774, %shift_right_logical3A_780 : vector<16xi32>
        %or3A_782 = arith.ori %shift_left3A_778, %shift_right_logical3A_781 : vector<16xi32>
        %xor3A_783 = arith.xori %or3A_782, %add3A_775 : vector<16xi32>
        %add3A_784 = arith.constant 270669613 : i32
        %add3A_785 = vector.broadcast %add3A_784 : i32 to vector<16xi32>
        %add3A_786 = arith.addi %add3A_775, %add3A_785 : vector<16xi32>
        %add3A_787 = arith.constant 1724713081 : i32
        %add3A_788 = vector.broadcast %add3A_787 : i32 to vector<16xi32>
        %add3A_789 = arith.addi %xor3A_783, %add3A_788 : vector<16xi32>
        %add3A_790 = arith.addi %add3A_786, %add3A_789 : vector<16xi32>
        %shift_left3A_791 = arith.constant 17 : i32
        %shift_left3A_792 = vector.broadcast %shift_left3A_791 : i32 to vector<16xi32>
        %shift_left3A_793 = arith.shli %add3A_789, %shift_left3A_792 : vector<16xi32>
        %shift_right_logical3A_794 = arith.constant 15 : i32
        %shift_right_logical3A_795 = vector.broadcast %shift_right_logical3A_794 : i32 to vector<16xi32>
        %shift_right_logical3A_796 = arith.shrui %add3A_789, %shift_right_logical3A_795 : vector<16xi32>
        %or3A_797 = arith.ori %shift_left3A_793, %shift_right_logical3A_796 : vector<16xi32>
        %xor3A_798 = arith.xori %or3A_797, %add3A_790 : vector<16xi32>
        %add3A_799 = arith.addi %add3A_790, %xor3A_798 : vector<16xi32>
        %shift_left3A_800 = arith.constant 29 : i32
        %shift_left3A_801 = vector.broadcast %shift_left3A_800 : i32 to vector<16xi32>
        %shift_left3A_802 = arith.shli %xor3A_798, %shift_left3A_801 : vector<16xi32>
        %shift_right_logical3A_803 = arith.constant 3 : i32
        %shift_right_logical3A_804 = vector.broadcast %shift_right_logical3A_803 : i32 to vector<16xi32>
        %shift_right_logical3A_805 = arith.shrui %xor3A_798, %shift_right_logical3A_804 : vector<16xi32>
        %or3A_806 = arith.ori %shift_left3A_802, %shift_right_logical3A_805 : vector<16xi32>
        %xor3A_807 = arith.xori %or3A_806, %add3A_799 : vector<16xi32>
        %add3A_808 = arith.addi %add3A_799, %xor3A_807 : vector<16xi32>
        %shift_left3A_809 = arith.constant 16 : i32
        %shift_left3A_810 = vector.broadcast %shift_left3A_809 : i32 to vector<16xi32>
        %shift_left3A_811 = arith.shli %xor3A_807, %shift_left3A_810 : vector<16xi32>
        %shift_right_logical3A_812 = arith.constant 16 : i32
        %shift_right_logical3A_813 = vector.broadcast %shift_right_logical3A_812 : i32 to vector<16xi32>
        %shift_right_logical3A_814 = arith.shrui %xor3A_807, %shift_right_logical3A_813 : vector<16xi32>
        %or3A_815 = arith.ori %shift_left3A_811, %shift_right_logical3A_814 : vector<16xi32>
        %xor3A_816 = arith.xori %or3A_815, %add3A_808 : vector<16xi32>
        %add3A_817 = arith.addi %add3A_808, %xor3A_816 : vector<16xi32>
        %shift_left3A_818 = arith.constant 24 : i32
        %shift_left3A_819 = vector.broadcast %shift_left3A_818 : i32 to vector<16xi32>
        %shift_left3A_820 = arith.shli %xor3A_816, %shift_left3A_819 : vector<16xi32>
        %shift_right_logical3A_821 = arith.constant 8 : i32
        %shift_right_logical3A_822 = vector.broadcast %shift_right_logical3A_821 : i32 to vector<16xi32>
        %shift_right_logical3A_823 = arith.shrui %xor3A_816, %shift_right_logical3A_822 : vector<16xi32>
        %or3A_824 = arith.ori %shift_left3A_820, %shift_right_logical3A_823 : vector<16xi32>
        %xor3A_825 = arith.xori %or3A_824, %add3A_817 : vector<16xi32>
        %add3A_826 = arith.constant 1724713080 : i32
        %add3A_827 = vector.broadcast %add3A_826 : i32 to vector<16xi32>
        %add3A_828 = arith.addi %add3A_817, %add3A_827 : vector<16xi32>
        %add3A_829 = arith.constant 1832780945 : i32
        %add3A_830 = vector.broadcast %add3A_829 : i32 to vector<16xi32>
        %add3A_831 = arith.addi %xor3A_825, %add3A_830 : vector<16xi32>
        %add3A_832 = arith.addi %add3A_828, %add3A_831 : vector<16xi32>
        %shift_left3A_833 = arith.constant 13 : i32
        %shift_left3A_834 = vector.broadcast %shift_left3A_833 : i32 to vector<16xi32>
        %shift_left3A_835 = arith.shli %add3A_831, %shift_left3A_834 : vector<16xi32>
        %shift_right_logical3A_836 = arith.constant 19 : i32
        %shift_right_logical3A_837 = vector.broadcast %shift_right_logical3A_836 : i32 to vector<16xi32>
        %shift_right_logical3A_838 = arith.shrui %add3A_831, %shift_right_logical3A_837 : vector<16xi32>
        %or3A_839 = arith.ori %shift_left3A_835, %shift_right_logical3A_838 : vector<16xi32>
        %xor3A_840 = arith.xori %or3A_839, %add3A_832 : vector<16xi32>
        %add3A_841 = arith.addi %add3A_832, %xor3A_840 : vector<16xi32>
        %shift_left3A_842 = arith.constant 15 : i32
        %shift_left3A_843 = vector.broadcast %shift_left3A_842 : i32 to vector<16xi32>
        %shift_left3A_844 = arith.shli %xor3A_840, %shift_left3A_843 : vector<16xi32>
        %shift_right_logical3A_845 = arith.constant 17 : i32
        %shift_right_logical3A_846 = vector.broadcast %shift_right_logical3A_845 : i32 to vector<16xi32>
        %shift_right_logical3A_847 = arith.shrui %xor3A_840, %shift_right_logical3A_846 : vector<16xi32>
        %or3A_848 = arith.ori %shift_left3A_844, %shift_right_logical3A_847 : vector<16xi32>
        %xor3A_849 = arith.xori %or3A_848, %add3A_841 : vector<16xi32>
        %add3A_850 = arith.addi %add3A_841, %xor3A_849 : vector<16xi32>
        %shift_left3A_851 = arith.constant 26 : i32
        %shift_left3A_852 = vector.broadcast %shift_left3A_851 : i32 to vector<16xi32>
        %shift_left3A_853 = arith.shli %xor3A_849, %shift_left3A_852 : vector<16xi32>
        %shift_right_logical3A_854 = arith.constant 6 : i32
        %shift_right_logical3A_855 = vector.broadcast %shift_right_logical3A_854 : i32 to vector<16xi32>
        %shift_right_logical3A_856 = arith.shrui %xor3A_849, %shift_right_logical3A_855 : vector<16xi32>
        %or3A_857 = arith.ori %shift_left3A_853, %shift_right_logical3A_856 : vector<16xi32>
        %xor3A_858 = arith.xori %or3A_857, %add3A_850 : vector<16xi32>
        %add3A_859 = arith.addi %add3A_850, %xor3A_858 : vector<16xi32>
        %shift_left3A_860 = arith.constant 6 : i32
        %shift_left3A_861 = vector.broadcast %shift_left3A_860 : i32 to vector<16xi32>
        %shift_left3A_862 = arith.shli %xor3A_858, %shift_left3A_861 : vector<16xi32>
        %shift_right_logical3A_863 = arith.constant 26 : i32
        %shift_right_logical3A_864 = vector.broadcast %shift_right_logical3A_863 : i32 to vector<16xi32>
        %shift_right_logical3A_865 = arith.shrui %xor3A_858, %shift_right_logical3A_864 : vector<16xi32>
        %or3A_866 = arith.ori %shift_left3A_862, %shift_right_logical3A_865 : vector<16xi32>
        %xor3A_867 = arith.xori %or3A_866, %add3A_859 : vector<16xi32>
        %add3A_868 = arith.constant 1832780943 : i32
        %add3A_869 = vector.broadcast %add3A_868 : i32 to vector<16xi32>
        %add3A_870 = arith.addi %add3A_859, %add3A_869 : vector<16xi32>
        %add3A_871 = arith.constant 270669616 : i32
        %add3A_872 = vector.broadcast %add3A_871 : i32 to vector<16xi32>
        %add3A_873 = arith.addi %xor3A_867, %add3A_872 : vector<16xi32>
        %add3A_874 = arith.addi %add3A_870, %add3A_873 : vector<16xi32>
        %shift_left3A_875 = arith.constant 17 : i32
        %shift_left3A_876 = vector.broadcast %shift_left3A_875 : i32 to vector<16xi32>
        %shift_left3A_877 = arith.shli %add3A_873, %shift_left3A_876 : vector<16xi32>
        %shift_right_logical3A_878 = arith.constant 15 : i32
        %shift_right_logical3A_879 = vector.broadcast %shift_right_logical3A_878 : i32 to vector<16xi32>
        %shift_right_logical3A_880 = arith.shrui %add3A_873, %shift_right_logical3A_879 : vector<16xi32>
        %or3A_881 = arith.ori %shift_left3A_877, %shift_right_logical3A_880 : vector<16xi32>
        %xor3A_882 = arith.xori %or3A_881, %add3A_874 : vector<16xi32>
        %add3A_883 = arith.addi %add3A_874, %xor3A_882 : vector<16xi32>
        %shift_left3A_884 = arith.constant 29 : i32
        %shift_left3A_885 = vector.broadcast %shift_left3A_884 : i32 to vector<16xi32>
        %shift_left3A_886 = arith.shli %xor3A_882, %shift_left3A_885 : vector<16xi32>
        %shift_right_logical3A_887 = arith.constant 3 : i32
        %shift_right_logical3A_888 = vector.broadcast %shift_right_logical3A_887 : i32 to vector<16xi32>
        %shift_right_logical3A_889 = arith.shrui %xor3A_882, %shift_right_logical3A_888 : vector<16xi32>
        %or3A_890 = arith.ori %shift_left3A_886, %shift_right_logical3A_889 : vector<16xi32>
        %xor3A_891 = arith.xori %or3A_890, %add3A_883 : vector<16xi32>
        %add3A_892 = arith.addi %add3A_883, %xor3A_891 : vector<16xi32>
        %shift_left3A_893 = arith.constant 16 : i32
        %shift_left3A_894 = vector.broadcast %shift_left3A_893 : i32 to vector<16xi32>
        %shift_left3A_895 = arith.shli %xor3A_891, %shift_left3A_894 : vector<16xi32>
        %shift_right_logical3A_896 = arith.constant 16 : i32
        %shift_right_logical3A_897 = vector.broadcast %shift_right_logical3A_896 : i32 to vector<16xi32>
        %shift_right_logical3A_898 = arith.shrui %xor3A_891, %shift_right_logical3A_897 : vector<16xi32>
        %or3A_899 = arith.ori %shift_left3A_895, %shift_right_logical3A_898 : vector<16xi32>
        %xor3A_900 = arith.xori %or3A_899, %add3A_892 : vector<16xi32>
        %add3A_901 = arith.addi %add3A_892, %xor3A_900 : vector<16xi32>
        %shift_left3A_902 = arith.constant 24 : i32
        %shift_left3A_903 = vector.broadcast %shift_left3A_902 : i32 to vector<16xi32>
        %shift_left3A_904 = arith.shli %xor3A_900, %shift_left3A_903 : vector<16xi32>
        %shift_right_logical3A_905 = arith.constant 8 : i32
        %shift_right_logical3A_906 = vector.broadcast %shift_right_logical3A_905 : i32 to vector<16xi32>
        %shift_right_logical3A_907 = arith.shrui %xor3A_900, %shift_right_logical3A_906 : vector<16xi32>
        %or3A_908 = arith.ori %shift_left3A_904, %shift_right_logical3A_907 : vector<16xi32>
        %xor3A_909 = arith.xori %or3A_908, %add3A_901 : vector<16xi32>
        %add3A_910 = arith.constant 270669613 : i32
        %add3A_911 = vector.broadcast %add3A_910 : i32 to vector<16xi32>
        %add3A_912 = arith.addi %add3A_901, %add3A_911 : vector<16xi32>
        %add3A_913 = arith.constant 1724713084 : i32
        %add3A_914 = vector.broadcast %add3A_913 : i32 to vector<16xi32>
        %add3A_915 = arith.addi %xor3A_909, %add3A_914 : vector<16xi32>
        %add3A_916 = arith.addi %add3A_912, %add3A_915 : vector<16xi32>
        %shift_left3A_917 = arith.constant 13 : i32
        %shift_left3A_918 = vector.broadcast %shift_left3A_917 : i32 to vector<16xi32>
        %shift_left3A_919 = arith.shli %add3A_915, %shift_left3A_918 : vector<16xi32>
        %shift_right_logical3A_920 = arith.constant 19 : i32
        %shift_right_logical3A_921 = vector.broadcast %shift_right_logical3A_920 : i32 to vector<16xi32>
        %shift_right_logical3A_922 = arith.shrui %add3A_915, %shift_right_logical3A_921 : vector<16xi32>
        %or3A_923 = arith.ori %shift_left3A_919, %shift_right_logical3A_922 : vector<16xi32>
        %xor3A_924 = arith.xori %or3A_923, %add3A_916 : vector<16xi32>
        %add3A_925 = arith.addi %add3A_916, %xor3A_924 : vector<16xi32>
        %shift_left3A_926 = arith.constant 15 : i32
        %shift_left3A_927 = vector.broadcast %shift_left3A_926 : i32 to vector<16xi32>
        %shift_left3A_928 = arith.shli %xor3A_924, %shift_left3A_927 : vector<16xi32>
        %shift_right_logical3A_929 = arith.constant 17 : i32
        %shift_right_logical3A_930 = vector.broadcast %shift_right_logical3A_929 : i32 to vector<16xi32>
        %shift_right_logical3A_931 = arith.shrui %xor3A_924, %shift_right_logical3A_930 : vector<16xi32>
        %or3A_932 = arith.ori %shift_left3A_928, %shift_right_logical3A_931 : vector<16xi32>
        %xor3A_933 = arith.xori %or3A_932, %add3A_925 : vector<16xi32>
        %add3A_934 = arith.addi %add3A_925, %xor3A_933 : vector<16xi32>
        %shift_left3A_935 = arith.constant 26 : i32
        %shift_left3A_936 = vector.broadcast %shift_left3A_935 : i32 to vector<16xi32>
        %shift_left3A_937 = arith.shli %xor3A_933, %shift_left3A_936 : vector<16xi32>
        %shift_right_logical3A_938 = arith.constant 6 : i32
        %shift_right_logical3A_939 = vector.broadcast %shift_right_logical3A_938 : i32 to vector<16xi32>
        %shift_right_logical3A_940 = arith.shrui %xor3A_933, %shift_right_logical3A_939 : vector<16xi32>
        %or3A_941 = arith.ori %shift_left3A_937, %shift_right_logical3A_940 : vector<16xi32>
        %xor3A_942 = arith.xori %or3A_941, %add3A_934 : vector<16xi32>
        %add3A_943 = arith.addi %add3A_934, %xor3A_942 : vector<16xi32>
        %shift_left3A_944 = arith.constant 6 : i32
        %shift_left3A_945 = vector.broadcast %shift_left3A_944 : i32 to vector<16xi32>
        %shift_left3A_946 = arith.shli %xor3A_942, %shift_left3A_945 : vector<16xi32>
        %shift_right_logical3A_947 = arith.constant 26 : i32
        %shift_right_logical3A_948 = vector.broadcast %shift_right_logical3A_947 : i32 to vector<16xi32>
        %shift_right_logical3A_949 = arith.shrui %xor3A_942, %shift_right_logical3A_948 : vector<16xi32>
        %or3A_950 = arith.ori %shift_left3A_946, %shift_right_logical3A_949 : vector<16xi32>
        %xor3A_951 = arith.xori %or3A_950, %add3A_943 : vector<16xi32>
        %add3A_952 = arith.constant 1724713080 : i32
        %add3A_953 = vector.broadcast %add3A_952 : i32 to vector<16xi32>
        %add3A_954 = arith.addi %add3A_943, %add3A_953 : vector<16xi32>
        %add3A_955 = arith.constant 1832780948 : i32
        %add3A_956 = vector.broadcast %add3A_955 : i32 to vector<16xi32>
        %add3A_957 = arith.addi %xor3A_951, %add3A_956 : vector<16xi32>
        %xor3A_958 = arith.xori %add3A_954, %add3A_957 : vector<16xi32>
        %lt3A_959 = arith.constant 1288490496 : i32
        %lt3A_960 = vector.broadcast %lt3A_959 : i32 to vector<16xi32>
        %lt3A_961 = arith.cmpi ult, %xor3A_958, %lt3A_960 : vector<16xi32>
        %select_n3A_962 = arith.select %lt3A_961, %broadcast_in_dim3A_740, %broadcast_in_dim3A_742 : vector<16xi1>, vector<16xi32>
        %add3A_963 = arith.constant -1378843660 : i32
        %add3A_964 = vector.broadcast %add3A_963 : i32 to vector<16xi32>
        %add3A_965 = arith.addi %add3A_738, %add3A_964 : vector<16xi32>
        %add3A_966 = arith.constant 64467757 : i32
        %add3A_967 = vector.broadcast %add3A_966 : i32 to vector<16xi32>
        %add3A_968 = arith.addi %add3A_965, %add3A_967 : vector<16xi32>
        %shift_left3A_969 = arith.constant 13 : i32
        %shift_left3A_970 = vector.broadcast %shift_left3A_969 : i32 to vector<16xi32>
        %shift_left3A_971 = arith.shli %add3A_965, %shift_left3A_970 : vector<16xi32>
        %shift_right_logical3A_972 = arith.constant 19 : i32
        %shift_right_logical3A_973 = vector.broadcast %shift_right_logical3A_972 : i32 to vector<16xi32>
        %shift_right_logical3A_974 = arith.shrui %add3A_965, %shift_right_logical3A_973 : vector<16xi32>
        %or3A_975 = arith.ori %shift_left3A_971, %shift_right_logical3A_974 : vector<16xi32>
        %xor3A_976 = arith.xori %or3A_975, %add3A_968 : vector<16xi32>
        %add3A_977 = arith.addi %add3A_968, %xor3A_976 : vector<16xi32>
        %shift_left3A_978 = arith.constant 15 : i32
        %shift_left3A_979 = vector.broadcast %shift_left3A_978 : i32 to vector<16xi32>
        %shift_left3A_980 = arith.shli %xor3A_976, %shift_left3A_979 : vector<16xi32>
        %shift_right_logical3A_981 = arith.constant 17 : i32
        %shift_right_logical3A_982 = vector.broadcast %shift_right_logical3A_981 : i32 to vector<16xi32>
        %shift_right_logical3A_983 = arith.shrui %xor3A_976, %shift_right_logical3A_982 : vector<16xi32>
        %or3A_984 = arith.ori %shift_left3A_980, %shift_right_logical3A_983 : vector<16xi32>
        %xor3A_985 = arith.xori %or3A_984, %add3A_977 : vector<16xi32>
        %add3A_986 = arith.addi %add3A_977, %xor3A_985 : vector<16xi32>
        %shift_left3A_987 = arith.constant 26 : i32
        %shift_left3A_988 = vector.broadcast %shift_left3A_987 : i32 to vector<16xi32>
        %shift_left3A_989 = arith.shli %xor3A_985, %shift_left3A_988 : vector<16xi32>
        %shift_right_logical3A_990 = arith.constant 6 : i32
        %shift_right_logical3A_991 = vector.broadcast %shift_right_logical3A_990 : i32 to vector<16xi32>
        %shift_right_logical3A_992 = arith.shrui %xor3A_985, %shift_right_logical3A_991 : vector<16xi32>
        %or3A_993 = arith.ori %shift_left3A_989, %shift_right_logical3A_992 : vector<16xi32>
        %xor3A_994 = arith.xori %or3A_993, %add3A_986 : vector<16xi32>
        %add3A_995 = arith.addi %add3A_986, %xor3A_994 : vector<16xi32>
        %shift_left3A_996 = arith.constant 6 : i32
        %shift_left3A_997 = vector.broadcast %shift_left3A_996 : i32 to vector<16xi32>
        %shift_left3A_998 = arith.shli %xor3A_994, %shift_left3A_997 : vector<16xi32>
        %shift_right_logical3A_999 = arith.constant 26 : i32
        %shift_right_logical3A_1000 = vector.broadcast %shift_right_logical3A_999 : i32 to vector<16xi32>
        %shift_right_logical3A_1001 = arith.shrui %xor3A_994, %shift_right_logical3A_1000 : vector<16xi32>
        %or3A_1002 = arith.ori %shift_left3A_998, %shift_right_logical3A_1001 : vector<16xi32>
        %xor3A_1003 = arith.xori %or3A_1002, %add3A_995 : vector<16xi32>
        %add3A_1004 = arith.constant -1378843660 : i32
        %add3A_1005 = vector.broadcast %add3A_1004 : i32 to vector<16xi32>
        %add3A_1006 = arith.addi %add3A_995, %add3A_1005 : vector<16xi32>
        %add3A_1007 = arith.constant -1244255484 : i32
        %add3A_1008 = vector.broadcast %add3A_1007 : i32 to vector<16xi32>
        %add3A_1009 = arith.addi %xor3A_1003, %add3A_1008 : vector<16xi32>
        %add3A_1010 = arith.addi %add3A_1006, %add3A_1009 : vector<16xi32>
        %shift_left3A_1011 = arith.constant 17 : i32
        %shift_left3A_1012 = vector.broadcast %shift_left3A_1011 : i32 to vector<16xi32>
        %shift_left3A_1013 = arith.shli %add3A_1009, %shift_left3A_1012 : vector<16xi32>
        %shift_right_logical3A_1014 = arith.constant 15 : i32
        %shift_right_logical3A_1015 = vector.broadcast %shift_right_logical3A_1014 : i32 to vector<16xi32>
        %shift_right_logical3A_1016 = arith.shrui %add3A_1009, %shift_right_logical3A_1015 : vector<16xi32>
        %or3A_1017 = arith.ori %shift_left3A_1013, %shift_right_logical3A_1016 : vector<16xi32>
        %xor3A_1018 = arith.xori %or3A_1017, %add3A_1010 : vector<16xi32>
        %add3A_1019 = arith.addi %add3A_1010, %xor3A_1018 : vector<16xi32>
        %shift_left3A_1020 = arith.constant 29 : i32
        %shift_left3A_1021 = vector.broadcast %shift_left3A_1020 : i32 to vector<16xi32>
        %shift_left3A_1022 = arith.shli %xor3A_1018, %shift_left3A_1021 : vector<16xi32>
        %shift_right_logical3A_1023 = arith.constant 3 : i32
        %shift_right_logical3A_1024 = vector.broadcast %shift_right_logical3A_1023 : i32 to vector<16xi32>
        %shift_right_logical3A_1025 = arith.shrui %xor3A_1018, %shift_right_logical3A_1024 : vector<16xi32>
        %or3A_1026 = arith.ori %shift_left3A_1022, %shift_right_logical3A_1025 : vector<16xi32>
        %xor3A_1027 = arith.xori %or3A_1026, %add3A_1019 : vector<16xi32>
        %add3A_1028 = arith.addi %add3A_1019, %xor3A_1027 : vector<16xi32>
        %shift_left3A_1029 = arith.constant 16 : i32
        %shift_left3A_1030 = vector.broadcast %shift_left3A_1029 : i32 to vector<16xi32>
        %shift_left3A_1031 = arith.shli %xor3A_1027, %shift_left3A_1030 : vector<16xi32>
        %shift_right_logical3A_1032 = arith.constant 16 : i32
        %shift_right_logical3A_1033 = vector.broadcast %shift_right_logical3A_1032 : i32 to vector<16xi32>
        %shift_right_logical3A_1034 = arith.shrui %xor3A_1027, %shift_right_logical3A_1033 : vector<16xi32>
        %or3A_1035 = arith.ori %shift_left3A_1031, %shift_right_logical3A_1034 : vector<16xi32>
        %xor3A_1036 = arith.xori %or3A_1035, %add3A_1028 : vector<16xi32>
        %add3A_1037 = arith.addi %add3A_1028, %xor3A_1036 : vector<16xi32>
        %shift_left3A_1038 = arith.constant 24 : i32
        %shift_left3A_1039 = vector.broadcast %shift_left3A_1038 : i32 to vector<16xi32>
        %shift_left3A_1040 = arith.shli %xor3A_1036, %shift_left3A_1039 : vector<16xi32>
        %shift_right_logical3A_1041 = arith.constant 8 : i32
        %shift_right_logical3A_1042 = vector.broadcast %shift_right_logical3A_1041 : i32 to vector<16xi32>
        %shift_right_logical3A_1043 = arith.shrui %xor3A_1036, %shift_right_logical3A_1042 : vector<16xi32>
        %or3A_1044 = arith.ori %shift_left3A_1040, %shift_right_logical3A_1043 : vector<16xi32>
        %xor3A_1045 = arith.xori %or3A_1044, %add3A_1037 : vector<16xi32>
        %add3A_1046 = arith.constant -1244255485 : i32
        %add3A_1047 = vector.broadcast %add3A_1046 : i32 to vector<16xi32>
        %add3A_1048 = arith.addi %add3A_1037, %add3A_1047 : vector<16xi32>
        %add3A_1049 = arith.constant 64467759 : i32
        %add3A_1050 = vector.broadcast %add3A_1049 : i32 to vector<16xi32>
        %add3A_1051 = arith.addi %xor3A_1045, %add3A_1050 : vector<16xi32>
        %add3A_1052 = arith.addi %add3A_1048, %add3A_1051 : vector<16xi32>
        %shift_left3A_1053 = arith.constant 13 : i32
        %shift_left3A_1054 = vector.broadcast %shift_left3A_1053 : i32 to vector<16xi32>
        %shift_left3A_1055 = arith.shli %add3A_1051, %shift_left3A_1054 : vector<16xi32>
        %shift_right_logical3A_1056 = arith.constant 19 : i32
        %shift_right_logical3A_1057 = vector.broadcast %shift_right_logical3A_1056 : i32 to vector<16xi32>
        %shift_right_logical3A_1058 = arith.shrui %add3A_1051, %shift_right_logical3A_1057 : vector<16xi32>
        %or3A_1059 = arith.ori %shift_left3A_1055, %shift_right_logical3A_1058 : vector<16xi32>
        %xor3A_1060 = arith.xori %or3A_1059, %add3A_1052 : vector<16xi32>
        %add3A_1061 = arith.addi %add3A_1052, %xor3A_1060 : vector<16xi32>
        %shift_left3A_1062 = arith.constant 15 : i32
        %shift_left3A_1063 = vector.broadcast %shift_left3A_1062 : i32 to vector<16xi32>
        %shift_left3A_1064 = arith.shli %xor3A_1060, %shift_left3A_1063 : vector<16xi32>
        %shift_right_logical3A_1065 = arith.constant 17 : i32
        %shift_right_logical3A_1066 = vector.broadcast %shift_right_logical3A_1065 : i32 to vector<16xi32>
        %shift_right_logical3A_1067 = arith.shrui %xor3A_1060, %shift_right_logical3A_1066 : vector<16xi32>
        %or3A_1068 = arith.ori %shift_left3A_1064, %shift_right_logical3A_1067 : vector<16xi32>
        %xor3A_1069 = arith.xori %or3A_1068, %add3A_1061 : vector<16xi32>
        %add3A_1070 = arith.addi %add3A_1061, %xor3A_1069 : vector<16xi32>
        %shift_left3A_1071 = arith.constant 26 : i32
        %shift_left3A_1072 = vector.broadcast %shift_left3A_1071 : i32 to vector<16xi32>
        %shift_left3A_1073 = arith.shli %xor3A_1069, %shift_left3A_1072 : vector<16xi32>
        %shift_right_logical3A_1074 = arith.constant 6 : i32
        %shift_right_logical3A_1075 = vector.broadcast %shift_right_logical3A_1074 : i32 to vector<16xi32>
        %shift_right_logical3A_1076 = arith.shrui %xor3A_1069, %shift_right_logical3A_1075 : vector<16xi32>
        %or3A_1077 = arith.ori %shift_left3A_1073, %shift_right_logical3A_1076 : vector<16xi32>
        %xor3A_1078 = arith.xori %or3A_1077, %add3A_1070 : vector<16xi32>
        %add3A_1079 = arith.addi %add3A_1070, %xor3A_1078 : vector<16xi32>
        %shift_left3A_1080 = arith.constant 6 : i32
        %shift_left3A_1081 = vector.broadcast %shift_left3A_1080 : i32 to vector<16xi32>
        %shift_left3A_1082 = arith.shli %xor3A_1078, %shift_left3A_1081 : vector<16xi32>
        %shift_right_logical3A_1083 = arith.constant 26 : i32
        %shift_right_logical3A_1084 = vector.broadcast %shift_right_logical3A_1083 : i32 to vector<16xi32>
        %shift_right_logical3A_1085 = arith.shrui %xor3A_1078, %shift_right_logical3A_1084 : vector<16xi32>
        %or3A_1086 = arith.ori %shift_left3A_1082, %shift_right_logical3A_1085 : vector<16xi32>
        %xor3A_1087 = arith.xori %or3A_1086, %add3A_1079 : vector<16xi32>
        %add3A_1088 = arith.constant 64467757 : i32
        %add3A_1089 = vector.broadcast %add3A_1088 : i32 to vector<16xi32>
        %add3A_1090 = arith.addi %add3A_1079, %add3A_1089 : vector<16xi32>
        %add3A_1091 = arith.constant -1378843657 : i32
        %add3A_1092 = vector.broadcast %add3A_1091 : i32 to vector<16xi32>
        %add3A_1093 = arith.addi %xor3A_1087, %add3A_1092 : vector<16xi32>
        %add3A_1094 = arith.addi %add3A_1090, %add3A_1093 : vector<16xi32>
        %shift_left3A_1095 = arith.constant 17 : i32
        %shift_left3A_1096 = vector.broadcast %shift_left3A_1095 : i32 to vector<16xi32>
        %shift_left3A_1097 = arith.shli %add3A_1093, %shift_left3A_1096 : vector<16xi32>
        %shift_right_logical3A_1098 = arith.constant 15 : i32
        %shift_right_logical3A_1099 = vector.broadcast %shift_right_logical3A_1098 : i32 to vector<16xi32>
        %shift_right_logical3A_1100 = arith.shrui %add3A_1093, %shift_right_logical3A_1099 : vector<16xi32>
        %or3A_1101 = arith.ori %shift_left3A_1097, %shift_right_logical3A_1100 : vector<16xi32>
        %xor3A_1102 = arith.xori %or3A_1101, %add3A_1094 : vector<16xi32>
        %add3A_1103 = arith.addi %add3A_1094, %xor3A_1102 : vector<16xi32>
        %shift_left3A_1104 = arith.constant 29 : i32
        %shift_left3A_1105 = vector.broadcast %shift_left3A_1104 : i32 to vector<16xi32>
        %shift_left3A_1106 = arith.shli %xor3A_1102, %shift_left3A_1105 : vector<16xi32>
        %shift_right_logical3A_1107 = arith.constant 3 : i32
        %shift_right_logical3A_1108 = vector.broadcast %shift_right_logical3A_1107 : i32 to vector<16xi32>
        %shift_right_logical3A_1109 = arith.shrui %xor3A_1102, %shift_right_logical3A_1108 : vector<16xi32>
        %or3A_1110 = arith.ori %shift_left3A_1106, %shift_right_logical3A_1109 : vector<16xi32>
        %xor3A_1111 = arith.xori %or3A_1110, %add3A_1103 : vector<16xi32>
        %add3A_1112 = arith.addi %add3A_1103, %xor3A_1111 : vector<16xi32>
        %shift_left3A_1113 = arith.constant 16 : i32
        %shift_left3A_1114 = vector.broadcast %shift_left3A_1113 : i32 to vector<16xi32>
        %shift_left3A_1115 = arith.shli %xor3A_1111, %shift_left3A_1114 : vector<16xi32>
        %shift_right_logical3A_1116 = arith.constant 16 : i32
        %shift_right_logical3A_1117 = vector.broadcast %shift_right_logical3A_1116 : i32 to vector<16xi32>
        %shift_right_logical3A_1118 = arith.shrui %xor3A_1111, %shift_right_logical3A_1117 : vector<16xi32>
        %or3A_1119 = arith.ori %shift_left3A_1115, %shift_right_logical3A_1118 : vector<16xi32>
        %xor3A_1120 = arith.xori %or3A_1119, %add3A_1112 : vector<16xi32>
        %add3A_1121 = arith.addi %add3A_1112, %xor3A_1120 : vector<16xi32>
        %shift_left3A_1122 = arith.constant 24 : i32
        %shift_left3A_1123 = vector.broadcast %shift_left3A_1122 : i32 to vector<16xi32>
        %shift_left3A_1124 = arith.shli %xor3A_1120, %shift_left3A_1123 : vector<16xi32>
        %shift_right_logical3A_1125 = arith.constant 8 : i32
        %shift_right_logical3A_1126 = vector.broadcast %shift_right_logical3A_1125 : i32 to vector<16xi32>
        %shift_right_logical3A_1127 = arith.shrui %xor3A_1120, %shift_right_logical3A_1126 : vector<16xi32>
        %or3A_1128 = arith.ori %shift_left3A_1124, %shift_right_logical3A_1127 : vector<16xi32>
        %xor3A_1129 = arith.xori %or3A_1128, %add3A_1121 : vector<16xi32>
        %add3A_1130 = arith.constant -1378843660 : i32
        %add3A_1131 = vector.broadcast %add3A_1130 : i32 to vector<16xi32>
        %add3A_1132 = arith.addi %add3A_1121, %add3A_1131 : vector<16xi32>
        %add3A_1133 = arith.constant -1244255481 : i32
        %add3A_1134 = vector.broadcast %add3A_1133 : i32 to vector<16xi32>
        %add3A_1135 = arith.addi %xor3A_1129, %add3A_1134 : vector<16xi32>
        %add3A_1136 = arith.addi %add3A_1132, %add3A_1135 : vector<16xi32>
        %shift_left3A_1137 = arith.constant 13 : i32
        %shift_left3A_1138 = vector.broadcast %shift_left3A_1137 : i32 to vector<16xi32>
        %shift_left3A_1139 = arith.shli %add3A_1135, %shift_left3A_1138 : vector<16xi32>
        %shift_right_logical3A_1140 = arith.constant 19 : i32
        %shift_right_logical3A_1141 = vector.broadcast %shift_right_logical3A_1140 : i32 to vector<16xi32>
        %shift_right_logical3A_1142 = arith.shrui %add3A_1135, %shift_right_logical3A_1141 : vector<16xi32>
        %or3A_1143 = arith.ori %shift_left3A_1139, %shift_right_logical3A_1142 : vector<16xi32>
        %xor3A_1144 = arith.xori %or3A_1143, %add3A_1136 : vector<16xi32>
        %add3A_1145 = arith.addi %add3A_1136, %xor3A_1144 : vector<16xi32>
        %shift_left3A_1146 = arith.constant 15 : i32
        %shift_left3A_1147 = vector.broadcast %shift_left3A_1146 : i32 to vector<16xi32>
        %shift_left3A_1148 = arith.shli %xor3A_1144, %shift_left3A_1147 : vector<16xi32>
        %shift_right_logical3A_1149 = arith.constant 17 : i32
        %shift_right_logical3A_1150 = vector.broadcast %shift_right_logical3A_1149 : i32 to vector<16xi32>
        %shift_right_logical3A_1151 = arith.shrui %xor3A_1144, %shift_right_logical3A_1150 : vector<16xi32>
        %or3A_1152 = arith.ori %shift_left3A_1148, %shift_right_logical3A_1151 : vector<16xi32>
        %xor3A_1153 = arith.xori %or3A_1152, %add3A_1145 : vector<16xi32>
        %add3A_1154 = arith.addi %add3A_1145, %xor3A_1153 : vector<16xi32>
        %shift_left3A_1155 = arith.constant 26 : i32
        %shift_left3A_1156 = vector.broadcast %shift_left3A_1155 : i32 to vector<16xi32>
        %shift_left3A_1157 = arith.shli %xor3A_1153, %shift_left3A_1156 : vector<16xi32>
        %shift_right_logical3A_1158 = arith.constant 6 : i32
        %shift_right_logical3A_1159 = vector.broadcast %shift_right_logical3A_1158 : i32 to vector<16xi32>
        %shift_right_logical3A_1160 = arith.shrui %xor3A_1153, %shift_right_logical3A_1159 : vector<16xi32>
        %or3A_1161 = arith.ori %shift_left3A_1157, %shift_right_logical3A_1160 : vector<16xi32>
        %xor3A_1162 = arith.xori %or3A_1161, %add3A_1154 : vector<16xi32>
        %add3A_1163 = arith.addi %add3A_1154, %xor3A_1162 : vector<16xi32>
        %shift_left3A_1164 = arith.constant 6 : i32
        %shift_left3A_1165 = vector.broadcast %shift_left3A_1164 : i32 to vector<16xi32>
        %shift_left3A_1166 = arith.shli %xor3A_1162, %shift_left3A_1165 : vector<16xi32>
        %shift_right_logical3A_1167 = arith.constant 26 : i32
        %shift_right_logical3A_1168 = vector.broadcast %shift_right_logical3A_1167 : i32 to vector<16xi32>
        %shift_right_logical3A_1169 = arith.shrui %xor3A_1162, %shift_right_logical3A_1168 : vector<16xi32>
        %or3A_1170 = arith.ori %shift_left3A_1166, %shift_right_logical3A_1169 : vector<16xi32>
        %xor3A_1171 = arith.xori %or3A_1170, %add3A_1163 : vector<16xi32>
        %add3A_1172 = arith.constant -1244255485 : i32
        %add3A_1173 = vector.broadcast %add3A_1172 : i32 to vector<16xi32>
        %add3A_1174 = arith.addi %add3A_1163, %add3A_1173 : vector<16xi32>
        %add3A_1175 = arith.constant 64467762 : i32
        %add3A_1176 = vector.broadcast %add3A_1175 : i32 to vector<16xi32>
        %add3A_1177 = arith.addi %xor3A_1171, %add3A_1176 : vector<16xi32>
        %xor3A_1178 = arith.xori %add3A_1174, %add3A_1177 : vector<16xi32>
        %lt3A_1179 = arith.constant -858993152 : i32
        %lt3A_1180 = vector.broadcast %lt3A_1179 : i32 to vector<16xi32>
        %lt3A_1181 = arith.cmpi ult, %xor3A_1178, %lt3A_1180 : vector<16xi32>
        %select_n3A_1182 = arith.select %lt3A_1181, %broadcast_in_dim3A_740, %broadcast_in_dim3A_742 : vector<16xi1>, vector<16xi32>
        %add3A_1183 = arith.constant 255383827 : i32
        %add3A_1184 = vector.broadcast %add3A_1183 : i32 to vector<16xi32>
        %add3A_1185 = arith.addi %add3A_738, %add3A_1184 : vector<16xi32>
        %add3A_1186 = arith.constant -1829035798 : i32
        %add3A_1187 = vector.broadcast %add3A_1186 : i32 to vector<16xi32>
        %add3A_1188 = arith.addi %add3A_1185, %add3A_1187 : vector<16xi32>
        %shift_left3A_1189 = arith.constant 13 : i32
        %shift_left3A_1190 = vector.broadcast %shift_left3A_1189 : i32 to vector<16xi32>
        %shift_left3A_1191 = arith.shli %add3A_1185, %shift_left3A_1190 : vector<16xi32>
        %shift_right_logical3A_1192 = arith.constant 19 : i32
        %shift_right_logical3A_1193 = vector.broadcast %shift_right_logical3A_1192 : i32 to vector<16xi32>
        %shift_right_logical3A_1194 = arith.shrui %add3A_1185, %shift_right_logical3A_1193 : vector<16xi32>
        %or3A_1195 = arith.ori %shift_left3A_1191, %shift_right_logical3A_1194 : vector<16xi32>
        %xor3A_1196 = arith.xori %or3A_1195, %add3A_1188 : vector<16xi32>
        %add3A_1197 = arith.addi %add3A_1188, %xor3A_1196 : vector<16xi32>
        %shift_left3A_1198 = arith.constant 15 : i32
        %shift_left3A_1199 = vector.broadcast %shift_left3A_1198 : i32 to vector<16xi32>
        %shift_left3A_1200 = arith.shli %xor3A_1196, %shift_left3A_1199 : vector<16xi32>
        %shift_right_logical3A_1201 = arith.constant 17 : i32
        %shift_right_logical3A_1202 = vector.broadcast %shift_right_logical3A_1201 : i32 to vector<16xi32>
        %shift_right_logical3A_1203 = arith.shrui %xor3A_1196, %shift_right_logical3A_1202 : vector<16xi32>
        %or3A_1204 = arith.ori %shift_left3A_1200, %shift_right_logical3A_1203 : vector<16xi32>
        %xor3A_1205 = arith.xori %or3A_1204, %add3A_1197 : vector<16xi32>
        %add3A_1206 = arith.addi %add3A_1197, %xor3A_1205 : vector<16xi32>
        %shift_left3A_1207 = arith.constant 26 : i32
        %shift_left3A_1208 = vector.broadcast %shift_left3A_1207 : i32 to vector<16xi32>
        %shift_left3A_1209 = arith.shli %xor3A_1205, %shift_left3A_1208 : vector<16xi32>
        %shift_right_logical3A_1210 = arith.constant 6 : i32
        %shift_right_logical3A_1211 = vector.broadcast %shift_right_logical3A_1210 : i32 to vector<16xi32>
        %shift_right_logical3A_1212 = arith.shrui %xor3A_1205, %shift_right_logical3A_1211 : vector<16xi32>
        %or3A_1213 = arith.ori %shift_left3A_1209, %shift_right_logical3A_1212 : vector<16xi32>
        %xor3A_1214 = arith.xori %or3A_1213, %add3A_1206 : vector<16xi32>
        %add3A_1215 = arith.addi %add3A_1206, %xor3A_1214 : vector<16xi32>
        %shift_left3A_1216 = arith.constant 6 : i32
        %shift_left3A_1217 = vector.broadcast %shift_left3A_1216 : i32 to vector<16xi32>
        %shift_left3A_1218 = arith.shli %xor3A_1214, %shift_left3A_1217 : vector<16xi32>
        %shift_right_logical3A_1219 = arith.constant 26 : i32
        %shift_right_logical3A_1220 = vector.broadcast %shift_right_logical3A_1219 : i32 to vector<16xi32>
        %shift_right_logical3A_1221 = arith.shrui %xor3A_1214, %shift_right_logical3A_1220 : vector<16xi32>
        %or3A_1222 = arith.ori %shift_left3A_1218, %shift_right_logical3A_1221 : vector<16xi32>
        %xor3A_1223 = arith.xori %or3A_1222, %add3A_1215 : vector<16xi32>
        %add3A_1224 = arith.constant 255383827 : i32
        %add3A_1225 = vector.broadcast %add3A_1224 : i32 to vector<16xi32>
        %add3A_1226 = arith.addi %add3A_1215, %add3A_1225 : vector<16xi32>
        %add3A_1227 = arith.constant -2045582812 : i32
        %add3A_1228 = vector.broadcast %add3A_1227 : i32 to vector<16xi32>
        %add3A_1229 = arith.addi %xor3A_1223, %add3A_1228 : vector<16xi32>
        %add3A_1230 = arith.addi %add3A_1226, %add3A_1229 : vector<16xi32>
        %shift_left3A_1231 = arith.constant 17 : i32
        %shift_left3A_1232 = vector.broadcast %shift_left3A_1231 : i32 to vector<16xi32>
        %shift_left3A_1233 = arith.shli %add3A_1229, %shift_left3A_1232 : vector<16xi32>
        %shift_right_logical3A_1234 = arith.constant 15 : i32
        %shift_right_logical3A_1235 = vector.broadcast %shift_right_logical3A_1234 : i32 to vector<16xi32>
        %shift_right_logical3A_1236 = arith.shrui %add3A_1229, %shift_right_logical3A_1235 : vector<16xi32>
        %or3A_1237 = arith.ori %shift_left3A_1233, %shift_right_logical3A_1236 : vector<16xi32>
        %xor3A_1238 = arith.xori %or3A_1237, %add3A_1230 : vector<16xi32>
        %add3A_1239 = arith.addi %add3A_1230, %xor3A_1238 : vector<16xi32>
        %shift_left3A_1240 = arith.constant 29 : i32
        %shift_left3A_1241 = vector.broadcast %shift_left3A_1240 : i32 to vector<16xi32>
        %shift_left3A_1242 = arith.shli %xor3A_1238, %shift_left3A_1241 : vector<16xi32>
        %shift_right_logical3A_1243 = arith.constant 3 : i32
        %shift_right_logical3A_1244 = vector.broadcast %shift_right_logical3A_1243 : i32 to vector<16xi32>
        %shift_right_logical3A_1245 = arith.shrui %xor3A_1238, %shift_right_logical3A_1244 : vector<16xi32>
        %or3A_1246 = arith.ori %shift_left3A_1242, %shift_right_logical3A_1245 : vector<16xi32>
        %xor3A_1247 = arith.xori %or3A_1246, %add3A_1239 : vector<16xi32>
        %add3A_1248 = arith.addi %add3A_1239, %xor3A_1247 : vector<16xi32>
        %shift_left3A_1249 = arith.constant 16 : i32
        %shift_left3A_1250 = vector.broadcast %shift_left3A_1249 : i32 to vector<16xi32>
        %shift_left3A_1251 = arith.shli %xor3A_1247, %shift_left3A_1250 : vector<16xi32>
        %shift_right_logical3A_1252 = arith.constant 16 : i32
        %shift_right_logical3A_1253 = vector.broadcast %shift_right_logical3A_1252 : i32 to vector<16xi32>
        %shift_right_logical3A_1254 = arith.shrui %xor3A_1247, %shift_right_logical3A_1253 : vector<16xi32>
        %or3A_1255 = arith.ori %shift_left3A_1251, %shift_right_logical3A_1254 : vector<16xi32>
        %xor3A_1256 = arith.xori %or3A_1255, %add3A_1248 : vector<16xi32>
        %add3A_1257 = arith.addi %add3A_1248, %xor3A_1256 : vector<16xi32>
        %shift_left3A_1258 = arith.constant 24 : i32
        %shift_left3A_1259 = vector.broadcast %shift_left3A_1258 : i32 to vector<16xi32>
        %shift_left3A_1260 = arith.shli %xor3A_1256, %shift_left3A_1259 : vector<16xi32>
        %shift_right_logical3A_1261 = arith.constant 8 : i32
        %shift_right_logical3A_1262 = vector.broadcast %shift_right_logical3A_1261 : i32 to vector<16xi32>
        %shift_right_logical3A_1263 = arith.shrui %xor3A_1256, %shift_right_logical3A_1262 : vector<16xi32>
        %or3A_1264 = arith.ori %shift_left3A_1260, %shift_right_logical3A_1263 : vector<16xi32>
        %xor3A_1265 = arith.xori %or3A_1264, %add3A_1257 : vector<16xi32>
        %add3A_1266 = arith.constant -2045582813 : i32
        %add3A_1267 = vector.broadcast %add3A_1266 : i32 to vector<16xi32>
        %add3A_1268 = arith.addi %add3A_1257, %add3A_1267 : vector<16xi32>
        %add3A_1269 = arith.constant -1829035796 : i32
        %add3A_1270 = vector.broadcast %add3A_1269 : i32 to vector<16xi32>
        %add3A_1271 = arith.addi %xor3A_1265, %add3A_1270 : vector<16xi32>
        %add3A_1272 = arith.addi %add3A_1268, %add3A_1271 : vector<16xi32>
        %shift_left3A_1273 = arith.constant 13 : i32
        %shift_left3A_1274 = vector.broadcast %shift_left3A_1273 : i32 to vector<16xi32>
        %shift_left3A_1275 = arith.shli %add3A_1271, %shift_left3A_1274 : vector<16xi32>
        %shift_right_logical3A_1276 = arith.constant 19 : i32
        %shift_right_logical3A_1277 = vector.broadcast %shift_right_logical3A_1276 : i32 to vector<16xi32>
        %shift_right_logical3A_1278 = arith.shrui %add3A_1271, %shift_right_logical3A_1277 : vector<16xi32>
        %or3A_1279 = arith.ori %shift_left3A_1275, %shift_right_logical3A_1278 : vector<16xi32>
        %xor3A_1280 = arith.xori %or3A_1279, %add3A_1272 : vector<16xi32>
        %add3A_1281 = arith.addi %add3A_1272, %xor3A_1280 : vector<16xi32>
        %shift_left3A_1282 = arith.constant 15 : i32
        %shift_left3A_1283 = vector.broadcast %shift_left3A_1282 : i32 to vector<16xi32>
        %shift_left3A_1284 = arith.shli %xor3A_1280, %shift_left3A_1283 : vector<16xi32>
        %shift_right_logical3A_1285 = arith.constant 17 : i32
        %shift_right_logical3A_1286 = vector.broadcast %shift_right_logical3A_1285 : i32 to vector<16xi32>
        %shift_right_logical3A_1287 = arith.shrui %xor3A_1280, %shift_right_logical3A_1286 : vector<16xi32>
        %or3A_1288 = arith.ori %shift_left3A_1284, %shift_right_logical3A_1287 : vector<16xi32>
        %xor3A_1289 = arith.xori %or3A_1288, %add3A_1281 : vector<16xi32>
        %add3A_1290 = arith.addi %add3A_1281, %xor3A_1289 : vector<16xi32>
        %shift_left3A_1291 = arith.constant 26 : i32
        %shift_left3A_1292 = vector.broadcast %shift_left3A_1291 : i32 to vector<16xi32>
        %shift_left3A_1293 = arith.shli %xor3A_1289, %shift_left3A_1292 : vector<16xi32>
        %shift_right_logical3A_1294 = arith.constant 6 : i32
        %shift_right_logical3A_1295 = vector.broadcast %shift_right_logical3A_1294 : i32 to vector<16xi32>
        %shift_right_logical3A_1296 = arith.shrui %xor3A_1289, %shift_right_logical3A_1295 : vector<16xi32>
        %or3A_1297 = arith.ori %shift_left3A_1293, %shift_right_logical3A_1296 : vector<16xi32>
        %xor3A_1298 = arith.xori %or3A_1297, %add3A_1290 : vector<16xi32>
        %add3A_1299 = arith.addi %add3A_1290, %xor3A_1298 : vector<16xi32>
        %shift_left3A_1300 = arith.constant 6 : i32
        %shift_left3A_1301 = vector.broadcast %shift_left3A_1300 : i32 to vector<16xi32>
        %shift_left3A_1302 = arith.shli %xor3A_1298, %shift_left3A_1301 : vector<16xi32>
        %shift_right_logical3A_1303 = arith.constant 26 : i32
        %shift_right_logical3A_1304 = vector.broadcast %shift_right_logical3A_1303 : i32 to vector<16xi32>
        %shift_right_logical3A_1305 = arith.shrui %xor3A_1298, %shift_right_logical3A_1304 : vector<16xi32>
        %or3A_1306 = arith.ori %shift_left3A_1302, %shift_right_logical3A_1305 : vector<16xi32>
        %xor3A_1307 = arith.xori %or3A_1306, %add3A_1299 : vector<16xi32>
        %add3A_1308 = arith.constant -1829035798 : i32
        %add3A_1309 = vector.broadcast %add3A_1308 : i32 to vector<16xi32>
        %add3A_1310 = arith.addi %add3A_1299, %add3A_1309 : vector<16xi32>
        %add3A_1311 = arith.constant 255383830 : i32
        %add3A_1312 = vector.broadcast %add3A_1311 : i32 to vector<16xi32>
        %add3A_1313 = arith.addi %xor3A_1307, %add3A_1312 : vector<16xi32>
        %add3A_1314 = arith.addi %add3A_1310, %add3A_1313 : vector<16xi32>
        %shift_left3A_1315 = arith.constant 17 : i32
        %shift_left3A_1316 = vector.broadcast %shift_left3A_1315 : i32 to vector<16xi32>
        %shift_left3A_1317 = arith.shli %add3A_1313, %shift_left3A_1316 : vector<16xi32>
        %shift_right_logical3A_1318 = arith.constant 15 : i32
        %shift_right_logical3A_1319 = vector.broadcast %shift_right_logical3A_1318 : i32 to vector<16xi32>
        %shift_right_logical3A_1320 = arith.shrui %add3A_1313, %shift_right_logical3A_1319 : vector<16xi32>
        %or3A_1321 = arith.ori %shift_left3A_1317, %shift_right_logical3A_1320 : vector<16xi32>
        %xor3A_1322 = arith.xori %or3A_1321, %add3A_1314 : vector<16xi32>
        %add3A_1323 = arith.addi %add3A_1314, %xor3A_1322 : vector<16xi32>
        %shift_left3A_1324 = arith.constant 29 : i32
        %shift_left3A_1325 = vector.broadcast %shift_left3A_1324 : i32 to vector<16xi32>
        %shift_left3A_1326 = arith.shli %xor3A_1322, %shift_left3A_1325 : vector<16xi32>
        %shift_right_logical3A_1327 = arith.constant 3 : i32
        %shift_right_logical3A_1328 = vector.broadcast %shift_right_logical3A_1327 : i32 to vector<16xi32>
        %shift_right_logical3A_1329 = arith.shrui %xor3A_1322, %shift_right_logical3A_1328 : vector<16xi32>
        %or3A_1330 = arith.ori %shift_left3A_1326, %shift_right_logical3A_1329 : vector<16xi32>
        %xor3A_1331 = arith.xori %or3A_1330, %add3A_1323 : vector<16xi32>
        %add3A_1332 = arith.addi %add3A_1323, %xor3A_1331 : vector<16xi32>
        %shift_left3A_1333 = arith.constant 16 : i32
        %shift_left3A_1334 = vector.broadcast %shift_left3A_1333 : i32 to vector<16xi32>
        %shift_left3A_1335 = arith.shli %xor3A_1331, %shift_left3A_1334 : vector<16xi32>
        %shift_right_logical3A_1336 = arith.constant 16 : i32
        %shift_right_logical3A_1337 = vector.broadcast %shift_right_logical3A_1336 : i32 to vector<16xi32>
        %shift_right_logical3A_1338 = arith.shrui %xor3A_1331, %shift_right_logical3A_1337 : vector<16xi32>
        %or3A_1339 = arith.ori %shift_left3A_1335, %shift_right_logical3A_1338 : vector<16xi32>
        %xor3A_1340 = arith.xori %or3A_1339, %add3A_1332 : vector<16xi32>
        %add3A_1341 = arith.addi %add3A_1332, %xor3A_1340 : vector<16xi32>
        %shift_left3A_1342 = arith.constant 24 : i32
        %shift_left3A_1343 = vector.broadcast %shift_left3A_1342 : i32 to vector<16xi32>
        %shift_left3A_1344 = arith.shli %xor3A_1340, %shift_left3A_1343 : vector<16xi32>
        %shift_right_logical3A_1345 = arith.constant 8 : i32
        %shift_right_logical3A_1346 = vector.broadcast %shift_right_logical3A_1345 : i32 to vector<16xi32>
        %shift_right_logical3A_1347 = arith.shrui %xor3A_1340, %shift_right_logical3A_1346 : vector<16xi32>
        %or3A_1348 = arith.ori %shift_left3A_1344, %shift_right_logical3A_1347 : vector<16xi32>
        %xor3A_1349 = arith.xori %or3A_1348, %add3A_1341 : vector<16xi32>
        %add3A_1350 = arith.constant 255383827 : i32
        %add3A_1351 = vector.broadcast %add3A_1350 : i32 to vector<16xi32>
        %add3A_1352 = arith.addi %add3A_1341, %add3A_1351 : vector<16xi32>
        %add3A_1353 = arith.constant -2045582809 : i32
        %add3A_1354 = vector.broadcast %add3A_1353 : i32 to vector<16xi32>
        %add3A_1355 = arith.addi %xor3A_1349, %add3A_1354 : vector<16xi32>
        %add3A_1356 = arith.addi %add3A_1352, %add3A_1355 : vector<16xi32>
        %shift_left3A_1357 = arith.constant 13 : i32
        %shift_left3A_1358 = vector.broadcast %shift_left3A_1357 : i32 to vector<16xi32>
        %shift_left3A_1359 = arith.shli %add3A_1355, %shift_left3A_1358 : vector<16xi32>
        %shift_right_logical3A_1360 = arith.constant 19 : i32
        %shift_right_logical3A_1361 = vector.broadcast %shift_right_logical3A_1360 : i32 to vector<16xi32>
        %shift_right_logical3A_1362 = arith.shrui %add3A_1355, %shift_right_logical3A_1361 : vector<16xi32>
        %or3A_1363 = arith.ori %shift_left3A_1359, %shift_right_logical3A_1362 : vector<16xi32>
        %xor3A_1364 = arith.xori %or3A_1363, %add3A_1356 : vector<16xi32>
        %add3A_1365 = arith.addi %add3A_1356, %xor3A_1364 : vector<16xi32>
        %shift_left3A_1366 = arith.constant 15 : i32
        %shift_left3A_1367 = vector.broadcast %shift_left3A_1366 : i32 to vector<16xi32>
        %shift_left3A_1368 = arith.shli %xor3A_1364, %shift_left3A_1367 : vector<16xi32>
        %shift_right_logical3A_1369 = arith.constant 17 : i32
        %shift_right_logical3A_1370 = vector.broadcast %shift_right_logical3A_1369 : i32 to vector<16xi32>
        %shift_right_logical3A_1371 = arith.shrui %xor3A_1364, %shift_right_logical3A_1370 : vector<16xi32>
        %or3A_1372 = arith.ori %shift_left3A_1368, %shift_right_logical3A_1371 : vector<16xi32>
        %xor3A_1373 = arith.xori %or3A_1372, %add3A_1365 : vector<16xi32>
        %add3A_1374 = arith.addi %add3A_1365, %xor3A_1373 : vector<16xi32>
        %shift_left3A_1375 = arith.constant 26 : i32
        %shift_left3A_1376 = vector.broadcast %shift_left3A_1375 : i32 to vector<16xi32>
        %shift_left3A_1377 = arith.shli %xor3A_1373, %shift_left3A_1376 : vector<16xi32>
        %shift_right_logical3A_1378 = arith.constant 6 : i32
        %shift_right_logical3A_1379 = vector.broadcast %shift_right_logical3A_1378 : i32 to vector<16xi32>
        %shift_right_logical3A_1380 = arith.shrui %xor3A_1373, %shift_right_logical3A_1379 : vector<16xi32>
        %or3A_1381 = arith.ori %shift_left3A_1377, %shift_right_logical3A_1380 : vector<16xi32>
        %xor3A_1382 = arith.xori %or3A_1381, %add3A_1374 : vector<16xi32>
        %add3A_1383 = arith.addi %add3A_1374, %xor3A_1382 : vector<16xi32>
        %shift_left3A_1384 = arith.constant 6 : i32
        %shift_left3A_1385 = vector.broadcast %shift_left3A_1384 : i32 to vector<16xi32>
        %shift_left3A_1386 = arith.shli %xor3A_1382, %shift_left3A_1385 : vector<16xi32>
        %shift_right_logical3A_1387 = arith.constant 26 : i32
        %shift_right_logical3A_1388 = vector.broadcast %shift_right_logical3A_1387 : i32 to vector<16xi32>
        %shift_right_logical3A_1389 = arith.shrui %xor3A_1382, %shift_right_logical3A_1388 : vector<16xi32>
        %or3A_1390 = arith.ori %shift_left3A_1386, %shift_right_logical3A_1389 : vector<16xi32>
        %xor3A_1391 = arith.xori %or3A_1390, %add3A_1383 : vector<16xi32>
        %add3A_1392 = arith.constant -2045582813 : i32
        %add3A_1393 = vector.broadcast %add3A_1392 : i32 to vector<16xi32>
        %add3A_1394 = arith.addi %add3A_1383, %add3A_1393 : vector<16xi32>
        %add3A_1395 = arith.constant -1829035793 : i32
        %add3A_1396 = vector.broadcast %add3A_1395 : i32 to vector<16xi32>
        %add3A_1397 = arith.addi %xor3A_1391, %add3A_1396 : vector<16xi32>
        %xor3A_1398 = arith.xori %add3A_1394, %add3A_1397 : vector<16xi32>
        %lt3A_1399 = arith.constant 429496832 : i32
        %lt3A_1400 = vector.broadcast %lt3A_1399 : i32 to vector<16xi32>
        %lt3A_1401 = arith.cmpi ult, %xor3A_1398, %lt3A_1400 : vector<16xi32>
        %select_n3A_1402 = arith.select %lt3A_1401, %broadcast_in_dim3A_740, %broadcast_in_dim3A_742 : vector<16xi1>, vector<16xi32>
        %and3A_1403 = arith.andi %select_n3A_962, %select_n3A_1182 : vector<16xi32>
        %and3A_1404 = arith.andi %select_n3A_1402, %select_n3A_962 : vector<16xi32>
        %sub3A_1405 = arith.subi %broadcast_in_dim3A_740, %and3A_1403 : vector<16xi32>
        %and3A_1406 = arith.andi %and3A_1404, %sub3A_1405 : vector<16xi32>
        %shift_left3A_1407 = arith.constant 1 : i32
        %shift_left3A_1408 = vector.broadcast %shift_left3A_1407 : i32 to vector<16xi32>
        %shift_left3A_1409 = arith.shli %and3A_1403, %shift_left3A_1408 : vector<16xi32>
        %or3A_1410 = arith.ori %select_n3A_962, %shift_left3A_1409 : vector<16xi32>
        %shift_left3A_1411 = arith.constant 2 : i32
        %shift_left3A_1412 = vector.broadcast %shift_left3A_1411 : i32 to vector<16xi32>
        %shift_left3A_1413 = arith.shli %and3A_1406, %shift_left3A_1412 : vector<16xi32>
        %or3A_1414 = arith.ori %or3A_1410, %shift_left3A_1413 : vector<16xi32>
        %swap3A_1415 = arith.index_cast %mul3A_735 : i32 to index
        %swap3A_1416 = tpu.vector_load %arg6[%swap3A_1415] {strides = array<i32>} : memref<32768xi32, #tpu.memory_space<vmem>>, vector<16xi32>,
        %swap3A_1417 = vector.shape_cast %swap3A_1416 : vector<16xi32> to vector<16xi32>
        %swap3A_1418 = vector.shape_cast %or3A_1414 : vector<16xi32> to vector<16xi32>
        tpu.vector_store %arg6[%swap3A_1415], %swap3A_1418 {strides = array<i32>} : memref<32768xi32, #tpu.memory_space<vmem>>, vector<16xi32>,
        %get3A_1419 = arith.index_cast %mul3A_735 : i32 to index
        %get3A_1420 = tpu.vector_load %arg5[%get3A_1419] {strides = array<i32>} : memref<32768xf32, #tpu.memory_space<vmem>>, vector<16xf32>,
        %get3A_1421 = vector.shape_cast %get3A_1420 : vector<16xf32> to vector<16xf32>
        %get3A_1422 = arith.constant 0 : index
        %get3A_1423 = tpu.vector_load %arg7[%get3A_1422] {strides = array<i32>} : memref<16xf32, #tpu.memory_space<vmem>>, vector<16xf32>,
        %get3A_1424 = vector.shape_cast %get3A_1423 : vector<16xf32> to vector<16xf32>
        %ne3A_1425 = arith.constant 0 : i32
        %ne3A_1426 = vector.broadcast %ne3A_1425 : i32 to vector<16xi32>
        %ne3A_1427 = arith.cmpi ne, %and3A_1403, %ne3A_1426 : vector<16xi32>
        %jit3A_1428 = arith.constant 0.000000e+00 : f32
        %broadcast_in_dim3A_1429 = vector.broadcast %jit3A_1428 : f32 to vector<16xf32>
        %select_n3A_1430 = arith.select %ne3A_1427, %broadcast_in_dim3A_1429, %get3A_1421 : vector<16xi1>, vector<16xf32>
        %max3A_1431 = arith.maximumf %get3A_1424, %select_n3A_1430 : vector<16xf32>
        %swap3A_1432 = arith.constant 0 : index
        %swap3A_1433 = tpu.vector_load %arg7[%swap3A_1432] {strides = array<i32>} : memref<16xf32, #tpu.memory_space<vmem>>, vector<16xf32>,
        %swap3A_1434 = vector.shape_cast %swap3A_1433 : vector<16xf32> to vector<16xf32>
        %swap3A_1435 = vector.shape_cast %max3A_1431 : vector<16xf32> to vector<16xf32>
        tpu.vector_store %arg7[%swap3A_1432], %swap3A_1435 {strides = array<i32>} : memref<16xf32, #tpu.memory_space<vmem>>, vector<16xf32>,
      }
      %scan3A_29 = arith.constant 2048 : i32
      %mul3A_30 = arith.constant 32768 : i32
      %mul3A_31 = arith.muli %add3A_21, %mul3A_30 : i32
      %add3A_32 = arith.addi %mul3A_8, %mul3A_31 : i32
      "tpu.region"() ({
        %run_scoped3A = tpu.sem_alloc : memref<!tpu.dma_semaphore, #tpu.memory_space<semaphore_mem>>
        %dma_start3A = tpu.memref_slice %arg3[%add3A_32] : memref<11534336xi32, #tpu.memory_space<hbm>> -> memref<32768xi32, #tpu.memory_space<hbm>>
        %dma_start3A_33 = tpu.memref_slice %arg3[%add3A_32] : memref<11534336xi32, #tpu.memory_space<hbm>> -> memref<32768xi32, #tpu.memory_space<hbm>>
        tpu.enqueue_dma source(%arg6 : memref<32768xi32, #tpu.memory_space<vmem>>) target(%dma_start3A_33 : memref<32768xi32, #tpu.memory_space<hbm>>) target_semaphore(%run_scoped3A : memref<!tpu.dma_semaphore, #tpu.memory_space<semaphore_mem>>)
        %dma_wait3A = tpu.memref_slice %arg3[%add3A_32] : memref<11534336xi32, #tpu.memory_space<hbm>> -> memref<32768xi32, #tpu.memory_space<hbm>>
        %dma_wait3A_34 = tpu.memref_slice %arg3[%add3A_32] : memref<11534336xi32, #tpu.memory_space<hbm>> -> memref<32768xi32, #tpu.memory_space<hbm>>
        tpu.wait_dma2 semaphore(%run_scoped3A : memref<!tpu.dma_semaphore, #tpu.memory_space<semaphore_mem>>) src(%arg6 : memref<32768xi32, #tpu.memory_space<vmem>>) dst(%dma_wait3A_34 : memref<32768xi32, #tpu.memory_space<hbm>>)
        tpu.yield
      }) : () -> ()
    }
    %scan3A_16 = arith.constant 11 : i32
    "tpu.region"() ({
      %run_scoped3A = tpu.sem_alloc : memref<!tpu.dma_semaphore, #tpu.memory_space<semaphore_mem>>
      %dma_start3A = arith.constant 0 : i32
      %dma_start3A_17 = tpu.memref_slice %arg4[%add3A, %dma_start3A] : memref<32x16xf32, #tpu.memory_space<hbm>> -> memref<1x16xf32, #tpu.memory_space<hbm>>
      %dma_start3A_18 = tpu.memref_squeeze %dma_start3A_17 : memref<1x16xf32, #tpu.memory_space<hbm>> -> memref<16xf32, #tpu.memory_space<hbm>>
      %dma_start3A_19 = arith.constant 0 : i32
      %dma_start3A_20 = tpu.memref_slice %arg4[%add3A, %dma_start3A_19] : memref<32x16xf32, #tpu.memory_space<hbm>> -> memref<1x16xf32, #tpu.memory_space<hbm>>
      %dma_start3A_21 = tpu.memref_squeeze %dma_start3A_20 : memref<1x16xf32, #tpu.memory_space<hbm>> -> memref<16xf32, #tpu.memory_space<hbm>>
      tpu.enqueue_dma source(%arg7 : memref<16xf32, #tpu.memory_space<vmem>>) target(%dma_start3A_21 : memref<16xf32, #tpu.memory_space<hbm>>) target_semaphore(%run_scoped3A : memref<!tpu.dma_semaphore, #tpu.memory_space<semaphore_mem>>)
      %dma_wait3A = arith.constant 0 : i32
      %dma_wait3A_22 = tpu.memref_slice %arg4[%add3A, %dma_wait3A] : memref<32x16xf32, #tpu.memory_space<hbm>> -> memref<1x16xf32, #tpu.memory_space<hbm>>
      %dma_wait3A_23 = tpu.memref_squeeze %dma_wait3A_22 : memref<1x16xf32, #tpu.memory_space<hbm>> -> memref<16xf32, #tpu.memory_space<hbm>>
      %dma_wait3A_24 = arith.constant 0 : i32
      %dma_wait3A_25 = tpu.memref_slice %arg4[%add3A, %dma_wait3A_24] : memref<32x16xf32, #tpu.memory_space<hbm>> -> memref<1x16xf32, #tpu.memory_space<hbm>>
      %dma_wait3A_26 = tpu.memref_squeeze %dma_wait3A_25 : memref<1x16xf32, #tpu.memory_space<hbm>> -> memref<16xf32, #tpu.memory_space<hbm>>
      tpu.wait_dma2 semaphore(%run_scoped3A : memref<!tpu.dma_semaphore, #tpu.memory_space<semaphore_mem>>) src(%arg7 : memref<16xf32, #tpu.memory_space<vmem>>) dst(%dma_wait3A_26 : memref<16xf32, #tpu.memory_space<hbm>>)
      tpu.yield
    }) : () -> ()
    return
  }
}

module attributes {stable_mosaic.version = 14 : i64} {
  func.func @_tc_pass2(%arg0: i32, %arg1: memref<1x1xf32, #tpu.memory_space<smem>>, %arg2: memref<512x512xf32, #tpu.memory_space<vmem>>, %arg3: memref<512x512xi32, #tpu.memory_space<vmem>>, %arg4: memref<512x512xi32, #tpu.memory_space<vmem>>, %arg5: memref<512x512xf32, #tpu.memory_space<vmem>>, %arg6: memref<512x512xi32, #tpu.memory_space<vmem>>) attributes {dimension_semantics = [#tpu.dimension_semantics<arbitrary>], iteration_bounds = array<i64: 128>, scalar_prefetch = 0 : i64, scratch_operands = 0 : i64, tpu.core_type = #tpu.core_type<tc>, window_params = [{transform_indices = @transform_0, window_bounds = array<i64: 1, 1>}, {transform_indices = @transform_1, window_bounds = array<i64: 512, 512>}, {transform_indices = @transform_2, window_bounds = array<i64: 512, 512>}, {transform_indices = @transform_3, window_bounds = array<i64: 512, 512>}, {transform_indices = @transform_4, window_bounds = array<i64: 512, 512>}, {transform_indices = @transform_5, window_bounds = array<i64: 512, 512>}]} {
    %mul3A = arith.constant 262144 : i32
    %mul3A_0 = arith.muli %arg0, %mul3A : i32
    %iota3A = tpu.iota {dimensions = array<i32: 0>} : vector<512x512xi32>
    %iota3A_1 = tpu.iota {dimensions = array<i32: 1>} : vector<512x512xi32>
    %mul3A_2 = arith.constant 512 : i32
    %mul3A_3 = vector.broadcast %mul3A_2 : i32 to vector<512x512xi32>
    %mul3A_4 = arith.muli %iota3A, %mul3A_3 : vector<512x512xi32>
    %add3A = vector.broadcast %mul3A_0 : i32 to vector<512x512xi32>
    %add3A_5 = arith.addi %add3A, %mul3A_4 : vector<512x512xi32>
    %add3A_6 = arith.addi %add3A_5, %iota3A_1 : vector<512x512xi32>
    %lt3A = arith.constant 84 : i32
    %lt3A_7 = arith.cmpi slt, %arg0, %lt3A : i32
    %get3A = arith.constant 0 : index
    %get3A_8 = arith.constant 0 : index
    %get3A_9 = vector.load %arg3[%get3A, %get3A_8] : memref<512x512xi32, #tpu.memory_space<vmem>>, vector<512x512xi32>
    %get3A_10 = arith.constant 0 : index
    %get3A_11 = arith.constant 0 : index
    %get3A_12 = vector.load %arg4[%get3A_10, %get3A_11] : memref<512x512xi32, #tpu.memory_space<vmem>>, vector<512x512xi32>
    %select_n3A = arith.select %lt3A_7, %get3A_9, %get3A_12 : vector<512x512xi32>
    %and3A = arith.constant 1 : i32
    %and3A_13 = vector.broadcast %and3A : i32 to vector<512x512xi32>
    %and3A_14 = arith.andi %select_n3A, %and3A_13 : vector<512x512xi32>
    %swap3A = arith.constant 0 : index
    %swap3A_15 = arith.constant 0 : index
    %swap3A_16 = vector.load %arg6[%swap3A, %swap3A_15] : memref<512x512xi32, #tpu.memory_space<vmem>>, vector<512x512xi32>
    tpu.vector_store %arg6[%swap3A, %swap3A_15], %and3A_14 {strides = array<i32>} : memref<512x512xi32, #tpu.memory_space<vmem>>, vector<512x512xi32>,
    %and3A_17 = arith.constant 2 : i32
    %and3A_18 = vector.broadcast %and3A_17 : i32 to vector<512x512xi32>
    %and3A_19 = arith.andi %select_n3A, %and3A_18 : vector<512x512xi32>
    %ne3A = arith.constant 0 : i32
    %ne3A_20 = vector.broadcast %ne3A : i32 to vector<512x512xi32>
    %ne3A_21 = arith.cmpi ne, %and3A_19, %ne3A_20 : vector<512x512xi32>
    %and3A_22 = arith.constant 4 : i32
    %and3A_23 = vector.broadcast %and3A_22 : i32 to vector<512x512xi32>
    %and3A_24 = arith.andi %select_n3A, %and3A_23 : vector<512x512xi32>
    %ne3A_25 = arith.constant 0 : i32
    %ne3A_26 = vector.broadcast %ne3A_25 : i32 to vector<512x512xi32>
    %ne3A_27 = arith.cmpi ne, %and3A_24, %ne3A_26 : vector<512x512xi32>
    %add3A_28 = arith.constant 894150801 : i32
    %add3A_29 = vector.broadcast %add3A_28 : i32 to vector<512x512xi32>
    %add3A_30 = arith.addi %add3A_6, %add3A_29 : vector<512x512xi32>
    %add3A_31 = arith.constant -1160419002 : i32
    %add3A_32 = vector.broadcast %add3A_31 : i32 to vector<512x512xi32>
    %add3A_33 = arith.addi %add3A_30, %add3A_32 : vector<512x512xi32>
    %shift_left3A = arith.constant 13 : i32
    %shift_left3A_34 = vector.broadcast %shift_left3A : i32 to vector<512x512xi32>
    %shift_left3A_35 = arith.shli %add3A_30, %shift_left3A_34 : vector<512x512xi32>
    %shift_right_logical3A = arith.constant 19 : i32
    %shift_right_logical3A_36 = vector.broadcast %shift_right_logical3A : i32 to vector<512x512xi32>
    %shift_right_logical3A_37 = arith.shrui %add3A_30, %shift_right_logical3A_36 : vector<512x512xi32>
    %or3A = arith.ori %shift_left3A_35, %shift_right_logical3A_37 : vector<512x512xi32>
    %xor3A = arith.xori %or3A, %add3A_33 : vector<512x512xi32>
    %add3A_38 = arith.addi %add3A_33, %xor3A : vector<512x512xi32>
    %shift_left3A_39 = arith.constant 15 : i32
    %shift_left3A_40 = vector.broadcast %shift_left3A_39 : i32 to vector<512x512xi32>
    %shift_left3A_41 = arith.shli %xor3A, %shift_left3A_40 : vector<512x512xi32>
    %shift_right_logical3A_42 = arith.constant 17 : i32
    %shift_right_logical3A_43 = vector.broadcast %shift_right_logical3A_42 : i32 to vector<512x512xi32>
    %shift_right_logical3A_44 = arith.shrui %xor3A, %shift_right_logical3A_43 : vector<512x512xi32>
    %or3A_45 = arith.ori %shift_left3A_41, %shift_right_logical3A_44 : vector<512x512xi32>
    %xor3A_46 = arith.xori %or3A_45, %add3A_38 : vector<512x512xi32>
    %add3A_47 = arith.addi %add3A_38, %xor3A_46 : vector<512x512xi32>
    %shift_left3A_48 = arith.constant 26 : i32
    %shift_left3A_49 = vector.broadcast %shift_left3A_48 : i32 to vector<512x512xi32>
    %shift_left3A_50 = arith.shli %xor3A_46, %shift_left3A_49 : vector<512x512xi32>
    %shift_right_logical3A_51 = arith.constant 6 : i32
    %shift_right_logical3A_52 = vector.broadcast %shift_right_logical3A_51 : i32 to vector<512x512xi32>
    %shift_right_logical3A_53 = arith.shrui %xor3A_46, %shift_right_logical3A_52 : vector<512x512xi32>
    %or3A_54 = arith.ori %shift_left3A_50, %shift_right_logical3A_53 : vector<512x512xi32>
    %xor3A_55 = arith.xori %or3A_54, %add3A_47 : vector<512x512xi32>
    %add3A_56 = arith.addi %add3A_47, %xor3A_55 : vector<512x512xi32>
    %shift_left3A_57 = arith.constant 6 : i32
    %shift_left3A_58 = vector.broadcast %shift_left3A_57 : i32 to vector<512x512xi32>
    %shift_left3A_59 = arith.shli %xor3A_55, %shift_left3A_58 : vector<512x512xi32>
    %shift_right_logical3A_60 = arith.constant 26 : i32
    %shift_right_logical3A_61 = vector.broadcast %shift_right_logical3A_60 : i32 to vector<512x512xi32>
    %shift_right_logical3A_62 = arith.shrui %xor3A_55, %shift_right_logical3A_61 : vector<512x512xi32>
    %or3A_63 = arith.ori %shift_left3A_59, %shift_right_logical3A_62 : vector<512x512xi32>
    %xor3A_64 = arith.xori %or3A_63, %add3A_56 : vector<512x512xi32>
    %add3A_65 = arith.constant 894150801 : i32
    %add3A_66 = vector.broadcast %add3A_65 : i32 to vector<512x512xi32>
    %add3A_67 = arith.addi %add3A_56, %add3A_66 : vector<512x512xi32>
    %add3A_68 = arith.constant -1806706162 : i32
    %add3A_69 = vector.broadcast %add3A_68 : i32 to vector<512x512xi32>
    %add3A_70 = arith.addi %xor3A_64, %add3A_69 : vector<512x512xi32>
    %add3A_71 = arith.addi %add3A_67, %add3A_70 : vector<512x512xi32>
    %shift_left3A_72 = arith.constant 17 : i32
    %shift_left3A_73 = vector.broadcast %shift_left3A_72 : i32 to vector<512x512xi32>
    %shift_left3A_74 = arith.shli %add3A_70, %shift_left3A_73 : vector<512x512xi32>
    %shift_right_logical3A_75 = arith.constant 15 : i32
    %shift_right_logical3A_76 = vector.broadcast %shift_right_logical3A_75 : i32 to vector<512x512xi32>
    %shift_right_logical3A_77 = arith.shrui %add3A_70, %shift_right_logical3A_76 : vector<512x512xi32>
    %or3A_78 = arith.ori %shift_left3A_74, %shift_right_logical3A_77 : vector<512x512xi32>
    %xor3A_79 = arith.xori %or3A_78, %add3A_71 : vector<512x512xi32>
    %add3A_80 = arith.addi %add3A_71, %xor3A_79 : vector<512x512xi32>
    %shift_left3A_81 = arith.constant 29 : i32
    %shift_left3A_82 = vector.broadcast %shift_left3A_81 : i32 to vector<512x512xi32>
    %shift_left3A_83 = arith.shli %xor3A_79, %shift_left3A_82 : vector<512x512xi32>
    %shift_right_logical3A_84 = arith.constant 3 : i32
    %shift_right_logical3A_85 = vector.broadcast %shift_right_logical3A_84 : i32 to vector<512x512xi32>
    %shift_right_logical3A_86 = arith.shrui %xor3A_79, %shift_right_logical3A_85 : vector<512x512xi32>
    %or3A_87 = arith.ori %shift_left3A_83, %shift_right_logical3A_86 : vector<512x512xi32>
    %xor3A_88 = arith.xori %or3A_87, %add3A_80 : vector<512x512xi32>
    %add3A_89 = arith.addi %add3A_80, %xor3A_88 : vector<512x512xi32>
    %shift_left3A_90 = arith.constant 16 : i32
    %shift_left3A_91 = vector.broadcast %shift_left3A_90 : i32 to vector<512x512xi32>
    %shift_left3A_92 = arith.shli %xor3A_88, %shift_left3A_91 : vector<512x512xi32>
    %shift_right_logical3A_93 = arith.constant 16 : i32
    %shift_right_logical3A_94 = vector.broadcast %shift_right_logical3A_93 : i32 to vector<512x512xi32>
    %shift_right_logical3A_95 = arith.shrui %xor3A_88, %shift_right_logical3A_94 : vector<512x512xi32>
    %or3A_96 = arith.ori %shift_left3A_92, %shift_right_logical3A_95 : vector<512x512xi32>
    %xor3A_97 = arith.xori %or3A_96, %add3A_89 : vector<512x512xi32>
    %add3A_98 = arith.addi %add3A_89, %xor3A_97 : vector<512x512xi32>
    %shift_left3A_99 = arith.constant 24 : i32
    %shift_left3A_100 = vector.broadcast %shift_left3A_99 : i32 to vector<512x512xi32>
    %shift_left3A_101 = arith.shli %xor3A_97, %shift_left3A_100 : vector<512x512xi32>
    %shift_right_logical3A_102 = arith.constant 8 : i32
    %shift_right_logical3A_103 = vector.broadcast %shift_right_logical3A_102 : i32 to vector<512x512xi32>
    %shift_right_logical3A_104 = arith.shrui %xor3A_97, %shift_right_logical3A_103 : vector<512x512xi32>
    %or3A_105 = arith.ori %shift_left3A_101, %shift_right_logical3A_104 : vector<512x512xi32>
    %xor3A_106 = arith.xori %or3A_105, %add3A_98 : vector<512x512xi32>
    %add3A_107 = arith.constant -1806706163 : i32
    %add3A_108 = vector.broadcast %add3A_107 : i32 to vector<512x512xi32>
    %add3A_109 = arith.addi %add3A_98, %add3A_108 : vector<512x512xi32>
    %add3A_110 = arith.constant -1160419000 : i32
    %add3A_111 = vector.broadcast %add3A_110 : i32 to vector<512x512xi32>
    %add3A_112 = arith.addi %xor3A_106, %add3A_111 : vector<512x512xi32>
    %add3A_113 = arith.addi %add3A_109, %add3A_112 : vector<512x512xi32>
    %shift_left3A_114 = arith.constant 13 : i32
    %shift_left3A_115 = vector.broadcast %shift_left3A_114 : i32 to vector<512x512xi32>
    %shift_left3A_116 = arith.shli %add3A_112, %shift_left3A_115 : vector<512x512xi32>
    %shift_right_logical3A_117 = arith.constant 19 : i32
    %shift_right_logical3A_118 = vector.broadcast %shift_right_logical3A_117 : i32 to vector<512x512xi32>
    %shift_right_logical3A_119 = arith.shrui %add3A_112, %shift_right_logical3A_118 : vector<512x512xi32>
    %or3A_120 = arith.ori %shift_left3A_116, %shift_right_logical3A_119 : vector<512x512xi32>
    %xor3A_121 = arith.xori %or3A_120, %add3A_113 : vector<512x512xi32>
    %add3A_122 = arith.addi %add3A_113, %xor3A_121 : vector<512x512xi32>
    %shift_left3A_123 = arith.constant 15 : i32
    %shift_left3A_124 = vector.broadcast %shift_left3A_123 : i32 to vector<512x512xi32>
    %shift_left3A_125 = arith.shli %xor3A_121, %shift_left3A_124 : vector<512x512xi32>
    %shift_right_logical3A_126 = arith.constant 17 : i32
    %shift_right_logical3A_127 = vector.broadcast %shift_right_logical3A_126 : i32 to vector<512x512xi32>
    %shift_right_logical3A_128 = arith.shrui %xor3A_121, %shift_right_logical3A_127 : vector<512x512xi32>
    %or3A_129 = arith.ori %shift_left3A_125, %shift_right_logical3A_128 : vector<512x512xi32>
    %xor3A_130 = arith.xori %or3A_129, %add3A_122 : vector<512x512xi32>
    %add3A_131 = arith.addi %add3A_122, %xor3A_130 : vector<512x512xi32>
    %shift_left3A_132 = arith.constant 26 : i32
    %shift_left3A_133 = vector.broadcast %shift_left3A_132 : i32 to vector<512x512xi32>
    %shift_left3A_134 = arith.shli %xor3A_130, %shift_left3A_133 : vector<512x512xi32>
    %shift_right_logical3A_135 = arith.constant 6 : i32
    %shift_right_logical3A_136 = vector.broadcast %shift_right_logical3A_135 : i32 to vector<512x512xi32>
    %shift_right_logical3A_137 = arith.shrui %xor3A_130, %shift_right_logical3A_136 : vector<512x512xi32>
    %or3A_138 = arith.ori %shift_left3A_134, %shift_right_logical3A_137 : vector<512x512xi32>
    %xor3A_139 = arith.xori %or3A_138, %add3A_131 : vector<512x512xi32>
    %add3A_140 = arith.addi %add3A_131, %xor3A_139 : vector<512x512xi32>
    %shift_left3A_141 = arith.constant 6 : i32
    %shift_left3A_142 = vector.broadcast %shift_left3A_141 : i32 to vector<512x512xi32>
    %shift_left3A_143 = arith.shli %xor3A_139, %shift_left3A_142 : vector<512x512xi32>
    %shift_right_logical3A_144 = arith.constant 26 : i32
    %shift_right_logical3A_145 = vector.broadcast %shift_right_logical3A_144 : i32 to vector<512x512xi32>
    %shift_right_logical3A_146 = arith.shrui %xor3A_139, %shift_right_logical3A_145 : vector<512x512xi32>
    %or3A_147 = arith.ori %shift_left3A_143, %shift_right_logical3A_146 : vector<512x512xi32>
    %xor3A_148 = arith.xori %or3A_147, %add3A_140 : vector<512x512xi32>
    %add3A_149 = arith.constant -1160419002 : i32
    %add3A_150 = vector.broadcast %add3A_149 : i32 to vector<512x512xi32>
    %add3A_151 = arith.addi %add3A_140, %add3A_150 : vector<512x512xi32>
    %add3A_152 = arith.constant 894150804 : i32
    %add3A_153 = vector.broadcast %add3A_152 : i32 to vector<512x512xi32>
    %add3A_154 = arith.addi %xor3A_148, %add3A_153 : vector<512x512xi32>
    %add3A_155 = arith.addi %add3A_151, %add3A_154 : vector<512x512xi32>
    %shift_left3A_156 = arith.constant 17 : i32
    %shift_left3A_157 = vector.broadcast %shift_left3A_156 : i32 to vector<512x512xi32>
    %shift_left3A_158 = arith.shli %add3A_154, %shift_left3A_157 : vector<512x512xi32>
    %shift_right_logical3A_159 = arith.constant 15 : i32
    %shift_right_logical3A_160 = vector.broadcast %shift_right_logical3A_159 : i32 to vector<512x512xi32>
    %shift_right_logical3A_161 = arith.shrui %add3A_154, %shift_right_logical3A_160 : vector<512x512xi32>
    %or3A_162 = arith.ori %shift_left3A_158, %shift_right_logical3A_161 : vector<512x512xi32>
    %xor3A_163 = arith.xori %or3A_162, %add3A_155 : vector<512x512xi32>
    %add3A_164 = arith.addi %add3A_155, %xor3A_163 : vector<512x512xi32>
    %shift_left3A_165 = arith.constant 29 : i32
    %shift_left3A_166 = vector.broadcast %shift_left3A_165 : i32 to vector<512x512xi32>
    %shift_left3A_167 = arith.shli %xor3A_163, %shift_left3A_166 : vector<512x512xi32>
    %shift_right_logical3A_168 = arith.constant 3 : i32
    %shift_right_logical3A_169 = vector.broadcast %shift_right_logical3A_168 : i32 to vector<512x512xi32>
    %shift_right_logical3A_170 = arith.shrui %xor3A_163, %shift_right_logical3A_169 : vector<512x512xi32>
    %or3A_171 = arith.ori %shift_left3A_167, %shift_right_logical3A_170 : vector<512x512xi32>
    %xor3A_172 = arith.xori %or3A_171, %add3A_164 : vector<512x512xi32>
    %add3A_173 = arith.addi %add3A_164, %xor3A_172 : vector<512x512xi32>
    %shift_left3A_174 = arith.constant 16 : i32
    %shift_left3A_175 = vector.broadcast %shift_left3A_174 : i32 to vector<512x512xi32>
    %shift_left3A_176 = arith.shli %xor3A_172, %shift_left3A_175 : vector<512x512xi32>
    %shift_right_logical3A_177 = arith.constant 16 : i32
    %shift_right_logical3A_178 = vector.broadcast %shift_right_logical3A_177 : i32 to vector<512x512xi32>
    %shift_right_logical3A_179 = arith.shrui %xor3A_172, %shift_right_logical3A_178 : vector<512x512xi32>
    %or3A_180 = arith.ori %shift_left3A_176, %shift_right_logical3A_179 : vector<512x512xi32>
    %xor3A_181 = arith.xori %or3A_180, %add3A_173 : vector<512x512xi32>
    %add3A_182 = arith.addi %add3A_173, %xor3A_181 : vector<512x512xi32>
    %shift_left3A_183 = arith.constant 24 : i32
    %shift_left3A_184 = vector.broadcast %shift_left3A_183 : i32 to vector<512x512xi32>
    %shift_left3A_185 = arith.shli %xor3A_181, %shift_left3A_184 : vector<512x512xi32>
    %shift_right_logical3A_186 = arith.constant 8 : i32
    %shift_right_logical3A_187 = vector.broadcast %shift_right_logical3A_186 : i32 to vector<512x512xi32>
    %shift_right_logical3A_188 = arith.shrui %xor3A_181, %shift_right_logical3A_187 : vector<512x512xi32>
    %or3A_189 = arith.ori %shift_left3A_185, %shift_right_logical3A_188 : vector<512x512xi32>
    %xor3A_190 = arith.xori %or3A_189, %add3A_182 : vector<512x512xi32>
    %add3A_191 = arith.constant 894150801 : i32
    %add3A_192 = vector.broadcast %add3A_191 : i32 to vector<512x512xi32>
    %add3A_193 = arith.addi %add3A_182, %add3A_192 : vector<512x512xi32>
    %add3A_194 = arith.constant -1806706159 : i32
    %add3A_195 = vector.broadcast %add3A_194 : i32 to vector<512x512xi32>
    %add3A_196 = arith.addi %xor3A_190, %add3A_195 : vector<512x512xi32>
    %add3A_197 = arith.addi %add3A_193, %add3A_196 : vector<512x512xi32>
    %shift_left3A_198 = arith.constant 13 : i32
    %shift_left3A_199 = vector.broadcast %shift_left3A_198 : i32 to vector<512x512xi32>
    %shift_left3A_200 = arith.shli %add3A_196, %shift_left3A_199 : vector<512x512xi32>
    %shift_right_logical3A_201 = arith.constant 19 : i32
    %shift_right_logical3A_202 = vector.broadcast %shift_right_logical3A_201 : i32 to vector<512x512xi32>
    %shift_right_logical3A_203 = arith.shrui %add3A_196, %shift_right_logical3A_202 : vector<512x512xi32>
    %or3A_204 = arith.ori %shift_left3A_200, %shift_right_logical3A_203 : vector<512x512xi32>
    %xor3A_205 = arith.xori %or3A_204, %add3A_197 : vector<512x512xi32>
    %add3A_206 = arith.addi %add3A_197, %xor3A_205 : vector<512x512xi32>
    %shift_left3A_207 = arith.constant 15 : i32
    %shift_left3A_208 = vector.broadcast %shift_left3A_207 : i32 to vector<512x512xi32>
    %shift_left3A_209 = arith.shli %xor3A_205, %shift_left3A_208 : vector<512x512xi32>
    %shift_right_logical3A_210 = arith.constant 17 : i32
    %shift_right_logical3A_211 = vector.broadcast %shift_right_logical3A_210 : i32 to vector<512x512xi32>
    %shift_right_logical3A_212 = arith.shrui %xor3A_205, %shift_right_logical3A_211 : vector<512x512xi32>
    %or3A_213 = arith.ori %shift_left3A_209, %shift_right_logical3A_212 : vector<512x512xi32>
    %xor3A_214 = arith.xori %or3A_213, %add3A_206 : vector<512x512xi32>
    %add3A_215 = arith.addi %add3A_206, %xor3A_214 : vector<512x512xi32>
    %shift_left3A_216 = arith.constant 26 : i32
    %shift_left3A_217 = vector.broadcast %shift_left3A_216 : i32 to vector<512x512xi32>
    %shift_left3A_218 = arith.shli %xor3A_214, %shift_left3A_217 : vector<512x512xi32>
    %shift_right_logical3A_219 = arith.constant 6 : i32
    %shift_right_logical3A_220 = vector.broadcast %shift_right_logical3A_219 : i32 to vector<512x512xi32>
    %shift_right_logical3A_221 = arith.shrui %xor3A_214, %shift_right_logical3A_220 : vector<512x512xi32>
    %or3A_222 = arith.ori %shift_left3A_218, %shift_right_logical3A_221 : vector<512x512xi32>
    %xor3A_223 = arith.xori %or3A_222, %add3A_215 : vector<512x512xi32>
    %add3A_224 = arith.addi %add3A_215, %xor3A_223 : vector<512x512xi32>
    %shift_left3A_225 = arith.constant 6 : i32
    %shift_left3A_226 = vector.broadcast %shift_left3A_225 : i32 to vector<512x512xi32>
    %shift_left3A_227 = arith.shli %xor3A_223, %shift_left3A_226 : vector<512x512xi32>
    %shift_right_logical3A_228 = arith.constant 26 : i32
    %shift_right_logical3A_229 = vector.broadcast %shift_right_logical3A_228 : i32 to vector<512x512xi32>
    %shift_right_logical3A_230 = arith.shrui %xor3A_223, %shift_right_logical3A_229 : vector<512x512xi32>
    %or3A_231 = arith.ori %shift_left3A_227, %shift_right_logical3A_230 : vector<512x512xi32>
    %xor3A_232 = arith.xori %or3A_231, %add3A_224 : vector<512x512xi32>
    %add3A_233 = arith.constant -1806706163 : i32
    %add3A_234 = vector.broadcast %add3A_233 : i32 to vector<512x512xi32>
    %add3A_235 = arith.addi %add3A_224, %add3A_234 : vector<512x512xi32>
    %add3A_236 = arith.constant -1160418997 : i32
    %add3A_237 = vector.broadcast %add3A_236 : i32 to vector<512x512xi32>
    %add3A_238 = arith.addi %xor3A_232, %add3A_237 : vector<512x512xi32>
    %xor3A_239 = arith.xori %add3A_235, %add3A_238 : vector<512x512xi32>
    %shift_right_logical3A_240 = arith.constant 9 : i32
    %shift_right_logical3A_241 = vector.broadcast %shift_right_logical3A_240 : i32 to vector<512x512xi32>
    %shift_right_logical3A_242 = arith.shrui %xor3A_239, %shift_right_logical3A_241 : vector<512x512xi32>
    %convert_element_type3A = arith.uitofp %shift_right_logical3A_242 : vector<512x512xi32> to vector<512x512xf32>
    %mul3A_243 = arith.constant 1.1920929E-7 : f32
    %mul3A_244 = vector.broadcast %mul3A_243 : f32 to vector<512x512xf32>
    %mul3A_245 = arith.mulf %convert_element_type3A, %mul3A_244 : vector<512x512xf32>
    %get3A_246 = arith.constant 0 : index
    %get3A_247 = arith.constant 0 : index
    %get3A_248 = memref.load %arg1[%get3A_246, %get3A_247] : memref<1x1xf32, #tpu.memory_space<smem>>
    %mul3A_249 = vector.broadcast %get3A_248 : f32 to vector<512x512xf32>
    %mul3A_250 = arith.mulf %mul3A_249, %mul3A_245 : vector<512x512xf32>
    %get3A_251 = arith.constant 0 : index
    %get3A_252 = arith.constant 0 : index
    %get3A_253 = vector.load %arg2[%get3A_251, %get3A_252] : memref<512x512xf32, #tpu.memory_space<vmem>>, vector<512x512xf32>
    %jit3A = arith.constant 0.000000e+00 : f32
    %broadcast_in_dim3A = vector.broadcast %jit3A : f32 to vector<512x512xf32>
    %select_n3A_254 = arith.select %ne3A_21, %broadcast_in_dim3A, %get3A_253 : vector<512x512xi1>, vector<512x512xf32>
    %select_n3A_255 = arith.select %ne3A_27, %mul3A_250, %select_n3A_254 : vector<512x512xi1>, vector<512x512xf32>
    %swap3A_256 = arith.constant 0 : index
    %swap3A_257 = arith.constant 0 : index
    %swap3A_258 = vector.load %arg5[%swap3A_256, %swap3A_257] : memref<512x512xf32, #tpu.memory_space<vmem>>, vector<512x512xf32>
    tpu.vector_store %arg5[%swap3A_256, %swap3A_257], %select_n3A_255 {strides = array<i32>} : memref<512x512xf32, #tpu.memory_space<vmem>>, vector<512x512xf32>,
    return
  }
  func.func @transform_0(%arg0: i32) -> (i32, i32) {
    %c0_i32 = arith.constant 0 : i32
    %c0_i32_0 = arith.constant 0 : i32
    %c0_i32_1 = arith.constant 0 : i32
    return %c0_i32, %c0_i32_0 : i32, i32
  }
  func.func @transform_1(%arg0: i32) -> (i32, i32) {
    %c0_i32 = arith.constant 0 : i32
    %c0_i32_0 = arith.constant 0 : i32
    return %arg0, %c0_i32 : i32, i32
  }
  func.func @transform_2(%arg0: i32) -> (i32, i32) {
    %min3A = arith.constant 83 : i32
    %min3A_0 = arith.minsi %arg0, %min3A : i32
    %c0_i32 = arith.constant 0 : i32
    %c0_i32_1 = arith.constant 0 : i32
    return %min3A_0, %c0_i32 : i32, i32
  }
  func.func @transform_3(%arg0: i32) -> (i32, i32) {
    %sub3A = arith.constant 84 : i32
    %sub3A_0 = arith.subi %arg0, %sub3A : i32
    %max3A = arith.constant 0 : i32
    %max3A_1 = arith.maxsi %sub3A_0, %max3A : i32
    %c0_i32 = arith.constant 0 : i32
    %c0_i32_2 = arith.constant 0 : i32
    return %max3A_1, %c0_i32 : i32, i32
  }
  func.func @transform_4(%arg0: i32) -> (i32, i32) {
    %c0_i32 = arith.constant 0 : i32
    %c0_i32_0 = arith.constant 0 : i32
    return %arg0, %c0_i32 : i32, i32
  }
  func.func @transform_5(%arg0: i32) -> (i32, i32) {
    %c0_i32 = arith.constant 0 : i32
    %c0_i32_0 = arith.constant 0 : i32
    return %arg0, %c0_i32 : i32, i32
  }
}

module attributes {stable_mosaic.version = 14 : i64} {
  func.func @_tc_pass1(%arg0: i32, %arg1: memref<512x512xf32, #tpu.memory_space<vmem>>, %arg2: memref<512x512xi32, #tpu.memory_space<vmem>>, %arg3: memref<1x1xf32, #tpu.memory_space<smem>>) attributes {dimension_semantics = [#tpu.dimension_semantics<arbitrary>], iteration_bounds = array<i64: 84>, scalar_prefetch = 0 : i64, scratch_operands = 0 : i64, tpu.core_type = #tpu.core_type<tc>, window_params = [{transform_indices = @transform_0, window_bounds = array<i64: 512, 512>}, {transform_indices = @transform_1, window_bounds = array<i64: 512, 512>}, {transform_indices = @transform_2, window_bounds = array<i64: 1, 1>}]} {
    %mul3A = arith.constant 262144 : i32
    %mul3A_0 = arith.muli %arg0, %mul3A : i32
    %iota3A = tpu.iota {dimensions = array<i32: 0>} : vector<512x512xi32>
    %iota3A_1 = tpu.iota {dimensions = array<i32: 1>} : vector<512x512xi32>
    %mul3A_2 = arith.constant 512 : i32
    %mul3A_3 = vector.broadcast %mul3A_2 : i32 to vector<512x512xi32>
    %mul3A_4 = arith.muli %iota3A, %mul3A_3 : vector<512x512xi32>
    %add3A = vector.broadcast %mul3A_0 : i32 to vector<512x512xi32>
    %add3A_5 = arith.addi %add3A, %mul3A_4 : vector<512x512xi32>
    %add3A_6 = arith.addi %add3A_5, %iota3A_1 : vector<512x512xi32>
    %add3A_7 = arith.constant 270669613 : i32
    %add3A_8 = vector.broadcast %add3A_7 : i32 to vector<512x512xi32>
    %add3A_9 = arith.addi %add3A_6, %add3A_8 : vector<512x512xi32>
    %add3A_10 = arith.constant 1832780943 : i32
    %add3A_11 = vector.broadcast %add3A_10 : i32 to vector<512x512xi32>
    %add3A_12 = arith.addi %add3A_9, %add3A_11 : vector<512x512xi32>
    %shift_left3A = arith.constant 13 : i32
    %shift_left3A_13 = vector.broadcast %shift_left3A : i32 to vector<512x512xi32>
    %shift_left3A_14 = arith.shli %add3A_9, %shift_left3A_13 : vector<512x512xi32>
    %shift_right_logical3A = arith.constant 19 : i32
    %shift_right_logical3A_15 = vector.broadcast %shift_right_logical3A : i32 to vector<512x512xi32>
    %shift_right_logical3A_16 = arith.shrui %add3A_9, %shift_right_logical3A_15 : vector<512x512xi32>
    %or3A = arith.ori %shift_left3A_14, %shift_right_logical3A_16 : vector<512x512xi32>
    %xor3A = arith.xori %or3A, %add3A_12 : vector<512x512xi32>
    %add3A_17 = arith.addi %add3A_12, %xor3A : vector<512x512xi32>
    %shift_left3A_18 = arith.constant 15 : i32
    %shift_left3A_19 = vector.broadcast %shift_left3A_18 : i32 to vector<512x512xi32>
    %shift_left3A_20 = arith.shli %xor3A, %shift_left3A_19 : vector<512x512xi32>
    %shift_right_logical3A_21 = arith.constant 17 : i32
    %shift_right_logical3A_22 = vector.broadcast %shift_right_logical3A_21 : i32 to vector<512x512xi32>
    %shift_right_logical3A_23 = arith.shrui %xor3A, %shift_right_logical3A_22 : vector<512x512xi32>
    %or3A_24 = arith.ori %shift_left3A_20, %shift_right_logical3A_23 : vector<512x512xi32>
    %xor3A_25 = arith.xori %or3A_24, %add3A_17 : vector<512x512xi32>
    %add3A_26 = arith.addi %add3A_17, %xor3A_25 : vector<512x512xi32>
    %shift_left3A_27 = arith.constant 26 : i32
    %shift_left3A_28 = vector.broadcast %shift_left3A_27 : i32 to vector<512x512xi32>
    %shift_left3A_29 = arith.shli %xor3A_25, %shift_left3A_28 : vector<512x512xi32>
    %shift_right_logical3A_30 = arith.constant 6 : i32
    %shift_right_logical3A_31 = vector.broadcast %shift_right_logical3A_30 : i32 to vector<512x512xi32>
    %shift_right_logical3A_32 = arith.shrui %xor3A_25, %shift_right_logical3A_31 : vector<512x512xi32>
    %or3A_33 = arith.ori %shift_left3A_29, %shift_right_logical3A_32 : vector<512x512xi32>
    %xor3A_34 = arith.xori %or3A_33, %add3A_26 : vector<512x512xi32>
    %add3A_35 = arith.addi %add3A_26, %xor3A_34 : vector<512x512xi32>
    %shift_left3A_36 = arith.constant 6 : i32
    %shift_left3A_37 = vector.broadcast %shift_left3A_36 : i32 to vector<512x512xi32>
    %shift_left3A_38 = arith.shli %xor3A_34, %shift_left3A_37 : vector<512x512xi32>
    %shift_right_logical3A_39 = arith.constant 26 : i32
    %shift_right_logical3A_40 = vector.broadcast %shift_right_logical3A_39 : i32 to vector<512x512xi32>
    %shift_right_logical3A_41 = arith.shrui %xor3A_34, %shift_right_logical3A_40 : vector<512x512xi32>
    %or3A_42 = arith.ori %shift_left3A_38, %shift_right_logical3A_41 : vector<512x512xi32>
    %xor3A_43 = arith.xori %or3A_42, %add3A_35 : vector<512x512xi32>
    %add3A_44 = arith.constant 270669613 : i32
    %add3A_45 = vector.broadcast %add3A_44 : i32 to vector<512x512xi32>
    %add3A_46 = arith.addi %add3A_35, %add3A_45 : vector<512x512xi32>
    %add3A_47 = arith.constant 1724713081 : i32
    %add3A_48 = vector.broadcast %add3A_47 : i32 to vector<512x512xi32>
    %add3A_49 = arith.addi %xor3A_43, %add3A_48 : vector<512x512xi32>
    %add3A_50 = arith.addi %add3A_46, %add3A_49 : vector<512x512xi32>
    %shift_left3A_51 = arith.constant 17 : i32
    %shift_left3A_52 = vector.broadcast %shift_left3A_51 : i32 to vector<512x512xi32>
    %shift_left3A_53 = arith.shli %add3A_49, %shift_left3A_52 : vector<512x512xi32>
    %shift_right_logical3A_54 = arith.constant 15 : i32
    %shift_right_logical3A_55 = vector.broadcast %shift_right_logical3A_54 : i32 to vector<512x512xi32>
    %shift_right_logical3A_56 = arith.shrui %add3A_49, %shift_right_logical3A_55 : vector<512x512xi32>
    %or3A_57 = arith.ori %shift_left3A_53, %shift_right_logical3A_56 : vector<512x512xi32>
    %xor3A_58 = arith.xori %or3A_57, %add3A_50 : vector<512x512xi32>
    %add3A_59 = arith.addi %add3A_50, %xor3A_58 : vector<512x512xi32>
    %shift_left3A_60 = arith.constant 29 : i32
    %shift_left3A_61 = vector.broadcast %shift_left3A_60 : i32 to vector<512x512xi32>
    %shift_left3A_62 = arith.shli %xor3A_58, %shift_left3A_61 : vector<512x512xi32>
    %shift_right_logical3A_63 = arith.constant 3 : i32
    %shift_right_logical3A_64 = vector.broadcast %shift_right_logical3A_63 : i32 to vector<512x512xi32>
    %shift_right_logical3A_65 = arith.shrui %xor3A_58, %shift_right_logical3A_64 : vector<512x512xi32>
    %or3A_66 = arith.ori %shift_left3A_62, %shift_right_logical3A_65 : vector<512x512xi32>
    %xor3A_67 = arith.xori %or3A_66, %add3A_59 : vector<512x512xi32>
    %add3A_68 = arith.addi %add3A_59, %xor3A_67 : vector<512x512xi32>
    %shift_left3A_69 = arith.constant 16 : i32
    %shift_left3A_70 = vector.broadcast %shift_left3A_69 : i32 to vector<512x512xi32>
    %shift_left3A_71 = arith.shli %xor3A_67, %shift_left3A_70 : vector<512x512xi32>
    %shift_right_logical3A_72 = arith.constant 16 : i32
    %shift_right_logical3A_73 = vector.broadcast %shift_right_logical3A_72 : i32 to vector<512x512xi32>
    %shift_right_logical3A_74 = arith.shrui %xor3A_67, %shift_right_logical3A_73 : vector<512x512xi32>
    %or3A_75 = arith.ori %shift_left3A_71, %shift_right_logical3A_74 : vector<512x512xi32>
    %xor3A_76 = arith.xori %or3A_75, %add3A_68 : vector<512x512xi32>
    %add3A_77 = arith.addi %add3A_68, %xor3A_76 : vector<512x512xi32>
    %shift_left3A_78 = arith.constant 24 : i32
    %shift_left3A_79 = vector.broadcast %shift_left3A_78 : i32 to vector<512x512xi32>
    %shift_left3A_80 = arith.shli %xor3A_76, %shift_left3A_79 : vector<512x512xi32>
    %shift_right_logical3A_81 = arith.constant 8 : i32
    %shift_right_logical3A_82 = vector.broadcast %shift_right_logical3A_81 : i32 to vector<512x512xi32>
    %shift_right_logical3A_83 = arith.shrui %xor3A_76, %shift_right_logical3A_82 : vector<512x512xi32>
    %or3A_84 = arith.ori %shift_left3A_80, %shift_right_logical3A_83 : vector<512x512xi32>
    %xor3A_85 = arith.xori %or3A_84, %add3A_77 : vector<512x512xi32>
    %add3A_86 = arith.constant 1724713080 : i32
    %add3A_87 = vector.broadcast %add3A_86 : i32 to vector<512x512xi32>
    %add3A_88 = arith.addi %add3A_77, %add3A_87 : vector<512x512xi32>
    %add3A_89 = arith.constant 1832780945 : i32
    %add3A_90 = vector.broadcast %add3A_89 : i32 to vector<512x512xi32>
    %add3A_91 = arith.addi %xor3A_85, %add3A_90 : vector<512x512xi32>
    %add3A_92 = arith.addi %add3A_88, %add3A_91 : vector<512x512xi32>
    %shift_left3A_93 = arith.constant 13 : i32
    %shift_left3A_94 = vector.broadcast %shift_left3A_93 : i32 to vector<512x512xi32>
    %shift_left3A_95 = arith.shli %add3A_91, %shift_left3A_94 : vector<512x512xi32>
    %shift_right_logical3A_96 = arith.constant 19 : i32
    %shift_right_logical3A_97 = vector.broadcast %shift_right_logical3A_96 : i32 to vector<512x512xi32>
    %shift_right_logical3A_98 = arith.shrui %add3A_91, %shift_right_logical3A_97 : vector<512x512xi32>
    %or3A_99 = arith.ori %shift_left3A_95, %shift_right_logical3A_98 : vector<512x512xi32>
    %xor3A_100 = arith.xori %or3A_99, %add3A_92 : vector<512x512xi32>
    %add3A_101 = arith.addi %add3A_92, %xor3A_100 : vector<512x512xi32>
    %shift_left3A_102 = arith.constant 15 : i32
    %shift_left3A_103 = vector.broadcast %shift_left3A_102 : i32 to vector<512x512xi32>
    %shift_left3A_104 = arith.shli %xor3A_100, %shift_left3A_103 : vector<512x512xi32>
    %shift_right_logical3A_105 = arith.constant 17 : i32
    %shift_right_logical3A_106 = vector.broadcast %shift_right_logical3A_105 : i32 to vector<512x512xi32>
    %shift_right_logical3A_107 = arith.shrui %xor3A_100, %shift_right_logical3A_106 : vector<512x512xi32>
    %or3A_108 = arith.ori %shift_left3A_104, %shift_right_logical3A_107 : vector<512x512xi32>
    %xor3A_109 = arith.xori %or3A_108, %add3A_101 : vector<512x512xi32>
    %add3A_110 = arith.addi %add3A_101, %xor3A_109 : vector<512x512xi32>
    %shift_left3A_111 = arith.constant 26 : i32
    %shift_left3A_112 = vector.broadcast %shift_left3A_111 : i32 to vector<512x512xi32>
    %shift_left3A_113 = arith.shli %xor3A_109, %shift_left3A_112 : vector<512x512xi32>
    %shift_right_logical3A_114 = arith.constant 6 : i32
    %shift_right_logical3A_115 = vector.broadcast %shift_right_logical3A_114 : i32 to vector<512x512xi32>
    %shift_right_logical3A_116 = arith.shrui %xor3A_109, %shift_right_logical3A_115 : vector<512x512xi32>
    %or3A_117 = arith.ori %shift_left3A_113, %shift_right_logical3A_116 : vector<512x512xi32>
    %xor3A_118 = arith.xori %or3A_117, %add3A_110 : vector<512x512xi32>
    %add3A_119 = arith.addi %add3A_110, %xor3A_118 : vector<512x512xi32>
    %shift_left3A_120 = arith.constant 6 : i32
    %shift_left3A_121 = vector.broadcast %shift_left3A_120 : i32 to vector<512x512xi32>
    %shift_left3A_122 = arith.shli %xor3A_118, %shift_left3A_121 : vector<512x512xi32>
    %shift_right_logical3A_123 = arith.constant 26 : i32
    %shift_right_logical3A_124 = vector.broadcast %shift_right_logical3A_123 : i32 to vector<512x512xi32>
    %shift_right_logical3A_125 = arith.shrui %xor3A_118, %shift_right_logical3A_124 : vector<512x512xi32>
    %or3A_126 = arith.ori %shift_left3A_122, %shift_right_logical3A_125 : vector<512x512xi32>
    %xor3A_127 = arith.xori %or3A_126, %add3A_119 : vector<512x512xi32>
    %add3A_128 = arith.constant 1832780943 : i32
    %add3A_129 = vector.broadcast %add3A_128 : i32 to vector<512x512xi32>
    %add3A_130 = arith.addi %add3A_119, %add3A_129 : vector<512x512xi32>
    %add3A_131 = arith.constant 270669616 : i32
    %add3A_132 = vector.broadcast %add3A_131 : i32 to vector<512x512xi32>
    %add3A_133 = arith.addi %xor3A_127, %add3A_132 : vector<512x512xi32>
    %add3A_134 = arith.addi %add3A_130, %add3A_133 : vector<512x512xi32>
    %shift_left3A_135 = arith.constant 17 : i32
    %shift_left3A_136 = vector.broadcast %shift_left3A_135 : i32 to vector<512x512xi32>
    %shift_left3A_137 = arith.shli %add3A_133, %shift_left3A_136 : vector<512x512xi32>
    %shift_right_logical3A_138 = arith.constant 15 : i32
    %shift_right_logical3A_139 = vector.broadcast %shift_right_logical3A_138 : i32 to vector<512x512xi32>
    %shift_right_logical3A_140 = arith.shrui %add3A_133, %shift_right_logical3A_139 : vector<512x512xi32>
    %or3A_141 = arith.ori %shift_left3A_137, %shift_right_logical3A_140 : vector<512x512xi32>
    %xor3A_142 = arith.xori %or3A_141, %add3A_134 : vector<512x512xi32>
    %add3A_143 = arith.addi %add3A_134, %xor3A_142 : vector<512x512xi32>
    %shift_left3A_144 = arith.constant 29 : i32
    %shift_left3A_145 = vector.broadcast %shift_left3A_144 : i32 to vector<512x512xi32>
    %shift_left3A_146 = arith.shli %xor3A_142, %shift_left3A_145 : vector<512x512xi32>
    %shift_right_logical3A_147 = arith.constant 3 : i32
    %shift_right_logical3A_148 = vector.broadcast %shift_right_logical3A_147 : i32 to vector<512x512xi32>
    %shift_right_logical3A_149 = arith.shrui %xor3A_142, %shift_right_logical3A_148 : vector<512x512xi32>
    %or3A_150 = arith.ori %shift_left3A_146, %shift_right_logical3A_149 : vector<512x512xi32>
    %xor3A_151 = arith.xori %or3A_150, %add3A_143 : vector<512x512xi32>
    %add3A_152 = arith.addi %add3A_143, %xor3A_151 : vector<512x512xi32>
    %shift_left3A_153 = arith.constant 16 : i32
    %shift_left3A_154 = vector.broadcast %shift_left3A_153 : i32 to vector<512x512xi32>
    %shift_left3A_155 = arith.shli %xor3A_151, %shift_left3A_154 : vector<512x512xi32>
    %shift_right_logical3A_156 = arith.constant 16 : i32
    %shift_right_logical3A_157 = vector.broadcast %shift_right_logical3A_156 : i32 to vector<512x512xi32>
    %shift_right_logical3A_158 = arith.shrui %xor3A_151, %shift_right_logical3A_157 : vector<512x512xi32>
    %or3A_159 = arith.ori %shift_left3A_155, %shift_right_logical3A_158 : vector<512x512xi32>
    %xor3A_160 = arith.xori %or3A_159, %add3A_152 : vector<512x512xi32>
    %add3A_161 = arith.addi %add3A_152, %xor3A_160 : vector<512x512xi32>
    %shift_left3A_162 = arith.constant 24 : i32
    %shift_left3A_163 = vector.broadcast %shift_left3A_162 : i32 to vector<512x512xi32>
    %shift_left3A_164 = arith.shli %xor3A_160, %shift_left3A_163 : vector<512x512xi32>
    %shift_right_logical3A_165 = arith.constant 8 : i32
    %shift_right_logical3A_166 = vector.broadcast %shift_right_logical3A_165 : i32 to vector<512x512xi32>
    %shift_right_logical3A_167 = arith.shrui %xor3A_160, %shift_right_logical3A_166 : vector<512x512xi32>
    %or3A_168 = arith.ori %shift_left3A_164, %shift_right_logical3A_167 : vector<512x512xi32>
    %xor3A_169 = arith.xori %or3A_168, %add3A_161 : vector<512x512xi32>
    %add3A_170 = arith.constant 270669613 : i32
    %add3A_171 = vector.broadcast %add3A_170 : i32 to vector<512x512xi32>
    %add3A_172 = arith.addi %add3A_161, %add3A_171 : vector<512x512xi32>
    %add3A_173 = arith.constant 1724713084 : i32
    %add3A_174 = vector.broadcast %add3A_173 : i32 to vector<512x512xi32>
    %add3A_175 = arith.addi %xor3A_169, %add3A_174 : vector<512x512xi32>
    %add3A_176 = arith.addi %add3A_172, %add3A_175 : vector<512x512xi32>
    %shift_left3A_177 = arith.constant 13 : i32
    %shift_left3A_178 = vector.broadcast %shift_left3A_177 : i32 to vector<512x512xi32>
    %shift_left3A_179 = arith.shli %add3A_175, %shift_left3A_178 : vector<512x512xi32>
    %shift_right_logical3A_180 = arith.constant 19 : i32
    %shift_right_logical3A_181 = vector.broadcast %shift_right_logical3A_180 : i32 to vector<512x512xi32>
    %shift_right_logical3A_182 = arith.shrui %add3A_175, %shift_right_logical3A_181 : vector<512x512xi32>
    %or3A_183 = arith.ori %shift_left3A_179, %shift_right_logical3A_182 : vector<512x512xi32>
    %xor3A_184 = arith.xori %or3A_183, %add3A_176 : vector<512x512xi32>
    %add3A_185 = arith.addi %add3A_176, %xor3A_184 : vector<512x512xi32>
    %shift_left3A_186 = arith.constant 15 : i32
    %shift_left3A_187 = vector.broadcast %shift_left3A_186 : i32 to vector<512x512xi32>
    %shift_left3A_188 = arith.shli %xor3A_184, %shift_left3A_187 : vector<512x512xi32>
    %shift_right_logical3A_189 = arith.constant 17 : i32
    %shift_right_logical3A_190 = vector.broadcast %shift_right_logical3A_189 : i32 to vector<512x512xi32>
    %shift_right_logical3A_191 = arith.shrui %xor3A_184, %shift_right_logical3A_190 : vector<512x512xi32>
    %or3A_192 = arith.ori %shift_left3A_188, %shift_right_logical3A_191 : vector<512x512xi32>
    %xor3A_193 = arith.xori %or3A_192, %add3A_185 : vector<512x512xi32>
    %add3A_194 = arith.addi %add3A_185, %xor3A_193 : vector<512x512xi32>
    %shift_left3A_195 = arith.constant 26 : i32
    %shift_left3A_196 = vector.broadcast %shift_left3A_195 : i32 to vector<512x512xi32>
    %shift_left3A_197 = arith.shli %xor3A_193, %shift_left3A_196 : vector<512x512xi32>
    %shift_right_logical3A_198 = arith.constant 6 : i32
    %shift_right_logical3A_199 = vector.broadcast %shift_right_logical3A_198 : i32 to vector<512x512xi32>
    %shift_right_logical3A_200 = arith.shrui %xor3A_193, %shift_right_logical3A_199 : vector<512x512xi32>
    %or3A_201 = arith.ori %shift_left3A_197, %shift_right_logical3A_200 : vector<512x512xi32>
    %xor3A_202 = arith.xori %or3A_201, %add3A_194 : vector<512x512xi32>
    %add3A_203 = arith.addi %add3A_194, %xor3A_202 : vector<512x512xi32>
    %shift_left3A_204 = arith.constant 6 : i32
    %shift_left3A_205 = vector.broadcast %shift_left3A_204 : i32 to vector<512x512xi32>
    %shift_left3A_206 = arith.shli %xor3A_202, %shift_left3A_205 : vector<512x512xi32>
    %shift_right_logical3A_207 = arith.constant 26 : i32
    %shift_right_logical3A_208 = vector.broadcast %shift_right_logical3A_207 : i32 to vector<512x512xi32>
    %shift_right_logical3A_209 = arith.shrui %xor3A_202, %shift_right_logical3A_208 : vector<512x512xi32>
    %or3A_210 = arith.ori %shift_left3A_206, %shift_right_logical3A_209 : vector<512x512xi32>
    %xor3A_211 = arith.xori %or3A_210, %add3A_203 : vector<512x512xi32>
    %add3A_212 = arith.constant 1724713080 : i32
    %add3A_213 = vector.broadcast %add3A_212 : i32 to vector<512x512xi32>
    %add3A_214 = arith.addi %add3A_203, %add3A_213 : vector<512x512xi32>
    %add3A_215 = arith.constant 1832780948 : i32
    %add3A_216 = vector.broadcast %add3A_215 : i32 to vector<512x512xi32>
    %add3A_217 = arith.addi %xor3A_211, %add3A_216 : vector<512x512xi32>
    %xor3A_218 = arith.xori %add3A_214, %add3A_217 : vector<512x512xi32>
    %lt3A = arith.constant 1288490496 : i32
    %lt3A_219 = vector.broadcast %lt3A : i32 to vector<512x512xi32>
    %lt3A_220 = arith.cmpi ult, %xor3A_218, %lt3A_219 : vector<512x512xi32>
    %add3A_221 = arith.constant -1378843660 : i32
    %add3A_222 = vector.broadcast %add3A_221 : i32 to vector<512x512xi32>
    %add3A_223 = arith.addi %add3A_6, %add3A_222 : vector<512x512xi32>
    %add3A_224 = arith.constant 64467757 : i32
    %add3A_225 = vector.broadcast %add3A_224 : i32 to vector<512x512xi32>
    %add3A_226 = arith.addi %add3A_223, %add3A_225 : vector<512x512xi32>
    %shift_left3A_227 = arith.constant 13 : i32
    %shift_left3A_228 = vector.broadcast %shift_left3A_227 : i32 to vector<512x512xi32>
    %shift_left3A_229 = arith.shli %add3A_223, %shift_left3A_228 : vector<512x512xi32>
    %shift_right_logical3A_230 = arith.constant 19 : i32
    %shift_right_logical3A_231 = vector.broadcast %shift_right_logical3A_230 : i32 to vector<512x512xi32>
    %shift_right_logical3A_232 = arith.shrui %add3A_223, %shift_right_logical3A_231 : vector<512x512xi32>
    %or3A_233 = arith.ori %shift_left3A_229, %shift_right_logical3A_232 : vector<512x512xi32>
    %xor3A_234 = arith.xori %or3A_233, %add3A_226 : vector<512x512xi32>
    %add3A_235 = arith.addi %add3A_226, %xor3A_234 : vector<512x512xi32>
    %shift_left3A_236 = arith.constant 15 : i32
    %shift_left3A_237 = vector.broadcast %shift_left3A_236 : i32 to vector<512x512xi32>
    %shift_left3A_238 = arith.shli %xor3A_234, %shift_left3A_237 : vector<512x512xi32>
    %shift_right_logical3A_239 = arith.constant 17 : i32
    %shift_right_logical3A_240 = vector.broadcast %shift_right_logical3A_239 : i32 to vector<512x512xi32>
    %shift_right_logical3A_241 = arith.shrui %xor3A_234, %shift_right_logical3A_240 : vector<512x512xi32>
    %or3A_242 = arith.ori %shift_left3A_238, %shift_right_logical3A_241 : vector<512x512xi32>
    %xor3A_243 = arith.xori %or3A_242, %add3A_235 : vector<512x512xi32>
    %add3A_244 = arith.addi %add3A_235, %xor3A_243 : vector<512x512xi32>
    %shift_left3A_245 = arith.constant 26 : i32
    %shift_left3A_246 = vector.broadcast %shift_left3A_245 : i32 to vector<512x512xi32>
    %shift_left3A_247 = arith.shli %xor3A_243, %shift_left3A_246 : vector<512x512xi32>
    %shift_right_logical3A_248 = arith.constant 6 : i32
    %shift_right_logical3A_249 = vector.broadcast %shift_right_logical3A_248 : i32 to vector<512x512xi32>
    %shift_right_logical3A_250 = arith.shrui %xor3A_243, %shift_right_logical3A_249 : vector<512x512xi32>
    %or3A_251 = arith.ori %shift_left3A_247, %shift_right_logical3A_250 : vector<512x512xi32>
    %xor3A_252 = arith.xori %or3A_251, %add3A_244 : vector<512x512xi32>
    %add3A_253 = arith.addi %add3A_244, %xor3A_252 : vector<512x512xi32>
    %shift_left3A_254 = arith.constant 6 : i32
    %shift_left3A_255 = vector.broadcast %shift_left3A_254 : i32 to vector<512x512xi32>
    %shift_left3A_256 = arith.shli %xor3A_252, %shift_left3A_255 : vector<512x512xi32>
    %shift_right_logical3A_257 = arith.constant 26 : i32
    %shift_right_logical3A_258 = vector.broadcast %shift_right_logical3A_257 : i32 to vector<512x512xi32>
    %shift_right_logical3A_259 = arith.shrui %xor3A_252, %shift_right_logical3A_258 : vector<512x512xi32>
    %or3A_260 = arith.ori %shift_left3A_256, %shift_right_logical3A_259 : vector<512x512xi32>
    %xor3A_261 = arith.xori %or3A_260, %add3A_253 : vector<512x512xi32>
    %add3A_262 = arith.constant -1378843660 : i32
    %add3A_263 = vector.broadcast %add3A_262 : i32 to vector<512x512xi32>
    %add3A_264 = arith.addi %add3A_253, %add3A_263 : vector<512x512xi32>
    %add3A_265 = arith.constant -1244255484 : i32
    %add3A_266 = vector.broadcast %add3A_265 : i32 to vector<512x512xi32>
    %add3A_267 = arith.addi %xor3A_261, %add3A_266 : vector<512x512xi32>
    %add3A_268 = arith.addi %add3A_264, %add3A_267 : vector<512x512xi32>
    %shift_left3A_269 = arith.constant 17 : i32
    %shift_left3A_270 = vector.broadcast %shift_left3A_269 : i32 to vector<512x512xi32>
    %shift_left3A_271 = arith.shli %add3A_267, %shift_left3A_270 : vector<512x512xi32>
    %shift_right_logical3A_272 = arith.constant 15 : i32
    %shift_right_logical3A_273 = vector.broadcast %shift_right_logical3A_272 : i32 to vector<512x512xi32>
    %shift_right_logical3A_274 = arith.shrui %add3A_267, %shift_right_logical3A_273 : vector<512x512xi32>
    %or3A_275 = arith.ori %shift_left3A_271, %shift_right_logical3A_274 : vector<512x512xi32>
    %xor3A_276 = arith.xori %or3A_275, %add3A_268 : vector<512x512xi32>
    %add3A_277 = arith.addi %add3A_268, %xor3A_276 : vector<512x512xi32>
    %shift_left3A_278 = arith.constant 29 : i32
    %shift_left3A_279 = vector.broadcast %shift_left3A_278 : i32 to vector<512x512xi32>
    %shift_left3A_280 = arith.shli %xor3A_276, %shift_left3A_279 : vector<512x512xi32>
    %shift_right_logical3A_281 = arith.constant 3 : i32
    %shift_right_logical3A_282 = vector.broadcast %shift_right_logical3A_281 : i32 to vector<512x512xi32>
    %shift_right_logical3A_283 = arith.shrui %xor3A_276, %shift_right_logical3A_282 : vector<512x512xi32>
    %or3A_284 = arith.ori %shift_left3A_280, %shift_right_logical3A_283 : vector<512x512xi32>
    %xor3A_285 = arith.xori %or3A_284, %add3A_277 : vector<512x512xi32>
    %add3A_286 = arith.addi %add3A_277, %xor3A_285 : vector<512x512xi32>
    %shift_left3A_287 = arith.constant 16 : i32
    %shift_left3A_288 = vector.broadcast %shift_left3A_287 : i32 to vector<512x512xi32>
    %shift_left3A_289 = arith.shli %xor3A_285, %shift_left3A_288 : vector<512x512xi32>
    %shift_right_logical3A_290 = arith.constant 16 : i32
    %shift_right_logical3A_291 = vector.broadcast %shift_right_logical3A_290 : i32 to vector<512x512xi32>
    %shift_right_logical3A_292 = arith.shrui %xor3A_285, %shift_right_logical3A_291 : vector<512x512xi32>
    %or3A_293 = arith.ori %shift_left3A_289, %shift_right_logical3A_292 : vector<512x512xi32>
    %xor3A_294 = arith.xori %or3A_293, %add3A_286 : vector<512x512xi32>
    %add3A_295 = arith.addi %add3A_286, %xor3A_294 : vector<512x512xi32>
    %shift_left3A_296 = arith.constant 24 : i32
    %shift_left3A_297 = vector.broadcast %shift_left3A_296 : i32 to vector<512x512xi32>
    %shift_left3A_298 = arith.shli %xor3A_294, %shift_left3A_297 : vector<512x512xi32>
    %shift_right_logical3A_299 = arith.constant 8 : i32
    %shift_right_logical3A_300 = vector.broadcast %shift_right_logical3A_299 : i32 to vector<512x512xi32>
    %shift_right_logical3A_301 = arith.shrui %xor3A_294, %shift_right_logical3A_300 : vector<512x512xi32>
    %or3A_302 = arith.ori %shift_left3A_298, %shift_right_logical3A_301 : vector<512x512xi32>
    %xor3A_303 = arith.xori %or3A_302, %add3A_295 : vector<512x512xi32>
    %add3A_304 = arith.constant -1244255485 : i32
    %add3A_305 = vector.broadcast %add3A_304 : i32 to vector<512x512xi32>
    %add3A_306 = arith.addi %add3A_295, %add3A_305 : vector<512x512xi32>
    %add3A_307 = arith.constant 64467759 : i32
    %add3A_308 = vector.broadcast %add3A_307 : i32 to vector<512x512xi32>
    %add3A_309 = arith.addi %xor3A_303, %add3A_308 : vector<512x512xi32>
    %add3A_310 = arith.addi %add3A_306, %add3A_309 : vector<512x512xi32>
    %shift_left3A_311 = arith.constant 13 : i32
    %shift_left3A_312 = vector.broadcast %shift_left3A_311 : i32 to vector<512x512xi32>
    %shift_left3A_313 = arith.shli %add3A_309, %shift_left3A_312 : vector<512x512xi32>
    %shift_right_logical3A_314 = arith.constant 19 : i32
    %shift_right_logical3A_315 = vector.broadcast %shift_right_logical3A_314 : i32 to vector<512x512xi32>
    %shift_right_logical3A_316 = arith.shrui %add3A_309, %shift_right_logical3A_315 : vector<512x512xi32>
    %or3A_317 = arith.ori %shift_left3A_313, %shift_right_logical3A_316 : vector<512x512xi32>
    %xor3A_318 = arith.xori %or3A_317, %add3A_310 : vector<512x512xi32>
    %add3A_319 = arith.addi %add3A_310, %xor3A_318 : vector<512x512xi32>
    %shift_left3A_320 = arith.constant 15 : i32
    %shift_left3A_321 = vector.broadcast %shift_left3A_320 : i32 to vector<512x512xi32>
    %shift_left3A_322 = arith.shli %xor3A_318, %shift_left3A_321 : vector<512x512xi32>
    %shift_right_logical3A_323 = arith.constant 17 : i32
    %shift_right_logical3A_324 = vector.broadcast %shift_right_logical3A_323 : i32 to vector<512x512xi32>
    %shift_right_logical3A_325 = arith.shrui %xor3A_318, %shift_right_logical3A_324 : vector<512x512xi32>
    %or3A_326 = arith.ori %shift_left3A_322, %shift_right_logical3A_325 : vector<512x512xi32>
    %xor3A_327 = arith.xori %or3A_326, %add3A_319 : vector<512x512xi32>
    %add3A_328 = arith.addi %add3A_319, %xor3A_327 : vector<512x512xi32>
    %shift_left3A_329 = arith.constant 26 : i32
    %shift_left3A_330 = vector.broadcast %shift_left3A_329 : i32 to vector<512x512xi32>
    %shift_left3A_331 = arith.shli %xor3A_327, %shift_left3A_330 : vector<512x512xi32>
    %shift_right_logical3A_332 = arith.constant 6 : i32
    %shift_right_logical3A_333 = vector.broadcast %shift_right_logical3A_332 : i32 to vector<512x512xi32>
    %shift_right_logical3A_334 = arith.shrui %xor3A_327, %shift_right_logical3A_333 : vector<512x512xi32>
    %or3A_335 = arith.ori %shift_left3A_331, %shift_right_logical3A_334 : vector<512x512xi32>
    %xor3A_336 = arith.xori %or3A_335, %add3A_328 : vector<512x512xi32>
    %add3A_337 = arith.addi %add3A_328, %xor3A_336 : vector<512x512xi32>
    %shift_left3A_338 = arith.constant 6 : i32
    %shift_left3A_339 = vector.broadcast %shift_left3A_338 : i32 to vector<512x512xi32>
    %shift_left3A_340 = arith.shli %xor3A_336, %shift_left3A_339 : vector<512x512xi32>
    %shift_right_logical3A_341 = arith.constant 26 : i32
    %shift_right_logical3A_342 = vector.broadcast %shift_right_logical3A_341 : i32 to vector<512x512xi32>
    %shift_right_logical3A_343 = arith.shrui %xor3A_336, %shift_right_logical3A_342 : vector<512x512xi32>
    %or3A_344 = arith.ori %shift_left3A_340, %shift_right_logical3A_343 : vector<512x512xi32>
    %xor3A_345 = arith.xori %or3A_344, %add3A_337 : vector<512x512xi32>
    %add3A_346 = arith.constant 64467757 : i32
    %add3A_347 = vector.broadcast %add3A_346 : i32 to vector<512x512xi32>
    %add3A_348 = arith.addi %add3A_337, %add3A_347 : vector<512x512xi32>
    %add3A_349 = arith.constant -1378843657 : i32
    %add3A_350 = vector.broadcast %add3A_349 : i32 to vector<512x512xi32>
    %add3A_351 = arith.addi %xor3A_345, %add3A_350 : vector<512x512xi32>
    %add3A_352 = arith.addi %add3A_348, %add3A_351 : vector<512x512xi32>
    %shift_left3A_353 = arith.constant 17 : i32
    %shift_left3A_354 = vector.broadcast %shift_left3A_353 : i32 to vector<512x512xi32>
    %shift_left3A_355 = arith.shli %add3A_351, %shift_left3A_354 : vector<512x512xi32>
    %shift_right_logical3A_356 = arith.constant 15 : i32
    %shift_right_logical3A_357 = vector.broadcast %shift_right_logical3A_356 : i32 to vector<512x512xi32>
    %shift_right_logical3A_358 = arith.shrui %add3A_351, %shift_right_logical3A_357 : vector<512x512xi32>
    %or3A_359 = arith.ori %shift_left3A_355, %shift_right_logical3A_358 : vector<512x512xi32>
    %xor3A_360 = arith.xori %or3A_359, %add3A_352 : vector<512x512xi32>
    %add3A_361 = arith.addi %add3A_352, %xor3A_360 : vector<512x512xi32>
    %shift_left3A_362 = arith.constant 29 : i32
    %shift_left3A_363 = vector.broadcast %shift_left3A_362 : i32 to vector<512x512xi32>
    %shift_left3A_364 = arith.shli %xor3A_360, %shift_left3A_363 : vector<512x512xi32>
    %shift_right_logical3A_365 = arith.constant 3 : i32
    %shift_right_logical3A_366 = vector.broadcast %shift_right_logical3A_365 : i32 to vector<512x512xi32>
    %shift_right_logical3A_367 = arith.shrui %xor3A_360, %shift_right_logical3A_366 : vector<512x512xi32>
    %or3A_368 = arith.ori %shift_left3A_364, %shift_right_logical3A_367 : vector<512x512xi32>
    %xor3A_369 = arith.xori %or3A_368, %add3A_361 : vector<512x512xi32>
    %add3A_370 = arith.addi %add3A_361, %xor3A_369 : vector<512x512xi32>
    %shift_left3A_371 = arith.constant 16 : i32
    %shift_left3A_372 = vector.broadcast %shift_left3A_371 : i32 to vector<512x512xi32>
    %shift_left3A_373 = arith.shli %xor3A_369, %shift_left3A_372 : vector<512x512xi32>
    %shift_right_logical3A_374 = arith.constant 16 : i32
    %shift_right_logical3A_375 = vector.broadcast %shift_right_logical3A_374 : i32 to vector<512x512xi32>
    %shift_right_logical3A_376 = arith.shrui %xor3A_369, %shift_right_logical3A_375 : vector<512x512xi32>
    %or3A_377 = arith.ori %shift_left3A_373, %shift_right_logical3A_376 : vector<512x512xi32>
    %xor3A_378 = arith.xori %or3A_377, %add3A_370 : vector<512x512xi32>
    %add3A_379 = arith.addi %add3A_370, %xor3A_378 : vector<512x512xi32>
    %shift_left3A_380 = arith.constant 24 : i32
    %shift_left3A_381 = vector.broadcast %shift_left3A_380 : i32 to vector<512x512xi32>
    %shift_left3A_382 = arith.shli %xor3A_378, %shift_left3A_381 : vector<512x512xi32>
    %shift_right_logical3A_383 = arith.constant 8 : i32
    %shift_right_logical3A_384 = vector.broadcast %shift_right_logical3A_383 : i32 to vector<512x512xi32>
    %shift_right_logical3A_385 = arith.shrui %xor3A_378, %shift_right_logical3A_384 : vector<512x512xi32>
    %or3A_386 = arith.ori %shift_left3A_382, %shift_right_logical3A_385 : vector<512x512xi32>
    %xor3A_387 = arith.xori %or3A_386, %add3A_379 : vector<512x512xi32>
    %add3A_388 = arith.constant -1378843660 : i32
    %add3A_389 = vector.broadcast %add3A_388 : i32 to vector<512x512xi32>
    %add3A_390 = arith.addi %add3A_379, %add3A_389 : vector<512x512xi32>
    %add3A_391 = arith.constant -1244255481 : i32
    %add3A_392 = vector.broadcast %add3A_391 : i32 to vector<512x512xi32>
    %add3A_393 = arith.addi %xor3A_387, %add3A_392 : vector<512x512xi32>
    %add3A_394 = arith.addi %add3A_390, %add3A_393 : vector<512x512xi32>
    %shift_left3A_395 = arith.constant 13 : i32
    %shift_left3A_396 = vector.broadcast %shift_left3A_395 : i32 to vector<512x512xi32>
    %shift_left3A_397 = arith.shli %add3A_393, %shift_left3A_396 : vector<512x512xi32>
    %shift_right_logical3A_398 = arith.constant 19 : i32
    %shift_right_logical3A_399 = vector.broadcast %shift_right_logical3A_398 : i32 to vector<512x512xi32>
    %shift_right_logical3A_400 = arith.shrui %add3A_393, %shift_right_logical3A_399 : vector<512x512xi32>
    %or3A_401 = arith.ori %shift_left3A_397, %shift_right_logical3A_400 : vector<512x512xi32>
    %xor3A_402 = arith.xori %or3A_401, %add3A_394 : vector<512x512xi32>
    %add3A_403 = arith.addi %add3A_394, %xor3A_402 : vector<512x512xi32>
    %shift_left3A_404 = arith.constant 15 : i32
    %shift_left3A_405 = vector.broadcast %shift_left3A_404 : i32 to vector<512x512xi32>
    %shift_left3A_406 = arith.shli %xor3A_402, %shift_left3A_405 : vector<512x512xi32>
    %shift_right_logical3A_407 = arith.constant 17 : i32
    %shift_right_logical3A_408 = vector.broadcast %shift_right_logical3A_407 : i32 to vector<512x512xi32>
    %shift_right_logical3A_409 = arith.shrui %xor3A_402, %shift_right_logical3A_408 : vector<512x512xi32>
    %or3A_410 = arith.ori %shift_left3A_406, %shift_right_logical3A_409 : vector<512x512xi32>
    %xor3A_411 = arith.xori %or3A_410, %add3A_403 : vector<512x512xi32>
    %add3A_412 = arith.addi %add3A_403, %xor3A_411 : vector<512x512xi32>
    %shift_left3A_413 = arith.constant 26 : i32
    %shift_left3A_414 = vector.broadcast %shift_left3A_413 : i32 to vector<512x512xi32>
    %shift_left3A_415 = arith.shli %xor3A_411, %shift_left3A_414 : vector<512x512xi32>
    %shift_right_logical3A_416 = arith.constant 6 : i32
    %shift_right_logical3A_417 = vector.broadcast %shift_right_logical3A_416 : i32 to vector<512x512xi32>
    %shift_right_logical3A_418 = arith.shrui %xor3A_411, %shift_right_logical3A_417 : vector<512x512xi32>
    %or3A_419 = arith.ori %shift_left3A_415, %shift_right_logical3A_418 : vector<512x512xi32>
    %xor3A_420 = arith.xori %or3A_419, %add3A_412 : vector<512x512xi32>
    %add3A_421 = arith.addi %add3A_412, %xor3A_420 : vector<512x512xi32>
    %shift_left3A_422 = arith.constant 6 : i32
    %shift_left3A_423 = vector.broadcast %shift_left3A_422 : i32 to vector<512x512xi32>
    %shift_left3A_424 = arith.shli %xor3A_420, %shift_left3A_423 : vector<512x512xi32>
    %shift_right_logical3A_425 = arith.constant 26 : i32
    %shift_right_logical3A_426 = vector.broadcast %shift_right_logical3A_425 : i32 to vector<512x512xi32>
    %shift_right_logical3A_427 = arith.shrui %xor3A_420, %shift_right_logical3A_426 : vector<512x512xi32>
    %or3A_428 = arith.ori %shift_left3A_424, %shift_right_logical3A_427 : vector<512x512xi32>
    %xor3A_429 = arith.xori %or3A_428, %add3A_421 : vector<512x512xi32>
    %add3A_430 = arith.constant -1244255485 : i32
    %add3A_431 = vector.broadcast %add3A_430 : i32 to vector<512x512xi32>
    %add3A_432 = arith.addi %add3A_421, %add3A_431 : vector<512x512xi32>
    %add3A_433 = arith.constant 64467762 : i32
    %add3A_434 = vector.broadcast %add3A_433 : i32 to vector<512x512xi32>
    %add3A_435 = arith.addi %xor3A_429, %add3A_434 : vector<512x512xi32>
    %xor3A_436 = arith.xori %add3A_432, %add3A_435 : vector<512x512xi32>
    %lt3A_437 = arith.constant -858993152 : i32
    %lt3A_438 = vector.broadcast %lt3A_437 : i32 to vector<512x512xi32>
    %lt3A_439 = arith.cmpi ult, %xor3A_436, %lt3A_438 : vector<512x512xi32>
    %and3A = arith.andi %lt3A_439, %lt3A_220 : vector<512x512xi1>
    %add3A_440 = arith.constant 255383827 : i32
    %add3A_441 = vector.broadcast %add3A_440 : i32 to vector<512x512xi32>
    %add3A_442 = arith.addi %add3A_6, %add3A_441 : vector<512x512xi32>
    %add3A_443 = arith.constant -1829035798 : i32
    %add3A_444 = vector.broadcast %add3A_443 : i32 to vector<512x512xi32>
    %add3A_445 = arith.addi %add3A_442, %add3A_444 : vector<512x512xi32>
    %shift_left3A_446 = arith.constant 13 : i32
    %shift_left3A_447 = vector.broadcast %shift_left3A_446 : i32 to vector<512x512xi32>
    %shift_left3A_448 = arith.shli %add3A_442, %shift_left3A_447 : vector<512x512xi32>
    %shift_right_logical3A_449 = arith.constant 19 : i32
    %shift_right_logical3A_450 = vector.broadcast %shift_right_logical3A_449 : i32 to vector<512x512xi32>
    %shift_right_logical3A_451 = arith.shrui %add3A_442, %shift_right_logical3A_450 : vector<512x512xi32>
    %or3A_452 = arith.ori %shift_left3A_448, %shift_right_logical3A_451 : vector<512x512xi32>
    %xor3A_453 = arith.xori %or3A_452, %add3A_445 : vector<512x512xi32>
    %add3A_454 = arith.addi %add3A_445, %xor3A_453 : vector<512x512xi32>
    %shift_left3A_455 = arith.constant 15 : i32
    %shift_left3A_456 = vector.broadcast %shift_left3A_455 : i32 to vector<512x512xi32>
    %shift_left3A_457 = arith.shli %xor3A_453, %shift_left3A_456 : vector<512x512xi32>
    %shift_right_logical3A_458 = arith.constant 17 : i32
    %shift_right_logical3A_459 = vector.broadcast %shift_right_logical3A_458 : i32 to vector<512x512xi32>
    %shift_right_logical3A_460 = arith.shrui %xor3A_453, %shift_right_logical3A_459 : vector<512x512xi32>
    %or3A_461 = arith.ori %shift_left3A_457, %shift_right_logical3A_460 : vector<512x512xi32>
    %xor3A_462 = arith.xori %or3A_461, %add3A_454 : vector<512x512xi32>
    %add3A_463 = arith.addi %add3A_454, %xor3A_462 : vector<512x512xi32>
    %shift_left3A_464 = arith.constant 26 : i32
    %shift_left3A_465 = vector.broadcast %shift_left3A_464 : i32 to vector<512x512xi32>
    %shift_left3A_466 = arith.shli %xor3A_462, %shift_left3A_465 : vector<512x512xi32>
    %shift_right_logical3A_467 = arith.constant 6 : i32
    %shift_right_logical3A_468 = vector.broadcast %shift_right_logical3A_467 : i32 to vector<512x512xi32>
    %shift_right_logical3A_469 = arith.shrui %xor3A_462, %shift_right_logical3A_468 : vector<512x512xi32>
    %or3A_470 = arith.ori %shift_left3A_466, %shift_right_logical3A_469 : vector<512x512xi32>
    %xor3A_471 = arith.xori %or3A_470, %add3A_463 : vector<512x512xi32>
    %add3A_472 = arith.addi %add3A_463, %xor3A_471 : vector<512x512xi32>
    %shift_left3A_473 = arith.constant 6 : i32
    %shift_left3A_474 = vector.broadcast %shift_left3A_473 : i32 to vector<512x512xi32>
    %shift_left3A_475 = arith.shli %xor3A_471, %shift_left3A_474 : vector<512x512xi32>
    %shift_right_logical3A_476 = arith.constant 26 : i32
    %shift_right_logical3A_477 = vector.broadcast %shift_right_logical3A_476 : i32 to vector<512x512xi32>
    %shift_right_logical3A_478 = arith.shrui %xor3A_471, %shift_right_logical3A_477 : vector<512x512xi32>
    %or3A_479 = arith.ori %shift_left3A_475, %shift_right_logical3A_478 : vector<512x512xi32>
    %xor3A_480 = arith.xori %or3A_479, %add3A_472 : vector<512x512xi32>
    %add3A_481 = arith.constant 255383827 : i32
    %add3A_482 = vector.broadcast %add3A_481 : i32 to vector<512x512xi32>
    %add3A_483 = arith.addi %add3A_472, %add3A_482 : vector<512x512xi32>
    %add3A_484 = arith.constant -2045582812 : i32
    %add3A_485 = vector.broadcast %add3A_484 : i32 to vector<512x512xi32>
    %add3A_486 = arith.addi %xor3A_480, %add3A_485 : vector<512x512xi32>
    %add3A_487 = arith.addi %add3A_483, %add3A_486 : vector<512x512xi32>
    %shift_left3A_488 = arith.constant 17 : i32
    %shift_left3A_489 = vector.broadcast %shift_left3A_488 : i32 to vector<512x512xi32>
    %shift_left3A_490 = arith.shli %add3A_486, %shift_left3A_489 : vector<512x512xi32>
    %shift_right_logical3A_491 = arith.constant 15 : i32
    %shift_right_logical3A_492 = vector.broadcast %shift_right_logical3A_491 : i32 to vector<512x512xi32>
    %shift_right_logical3A_493 = arith.shrui %add3A_486, %shift_right_logical3A_492 : vector<512x512xi32>
    %or3A_494 = arith.ori %shift_left3A_490, %shift_right_logical3A_493 : vector<512x512xi32>
    %xor3A_495 = arith.xori %or3A_494, %add3A_487 : vector<512x512xi32>
    %add3A_496 = arith.addi %add3A_487, %xor3A_495 : vector<512x512xi32>
    %shift_left3A_497 = arith.constant 29 : i32
    %shift_left3A_498 = vector.broadcast %shift_left3A_497 : i32 to vector<512x512xi32>
    %shift_left3A_499 = arith.shli %xor3A_495, %shift_left3A_498 : vector<512x512xi32>
    %shift_right_logical3A_500 = arith.constant 3 : i32
    %shift_right_logical3A_501 = vector.broadcast %shift_right_logical3A_500 : i32 to vector<512x512xi32>
    %shift_right_logical3A_502 = arith.shrui %xor3A_495, %shift_right_logical3A_501 : vector<512x512xi32>
    %or3A_503 = arith.ori %shift_left3A_499, %shift_right_logical3A_502 : vector<512x512xi32>
    %xor3A_504 = arith.xori %or3A_503, %add3A_496 : vector<512x512xi32>
    %add3A_505 = arith.addi %add3A_496, %xor3A_504 : vector<512x512xi32>
    %shift_left3A_506 = arith.constant 16 : i32
    %shift_left3A_507 = vector.broadcast %shift_left3A_506 : i32 to vector<512x512xi32>
    %shift_left3A_508 = arith.shli %xor3A_504, %shift_left3A_507 : vector<512x512xi32>
    %shift_right_logical3A_509 = arith.constant 16 : i32
    %shift_right_logical3A_510 = vector.broadcast %shift_right_logical3A_509 : i32 to vector<512x512xi32>
    %shift_right_logical3A_511 = arith.shrui %xor3A_504, %shift_right_logical3A_510 : vector<512x512xi32>
    %or3A_512 = arith.ori %shift_left3A_508, %shift_right_logical3A_511 : vector<512x512xi32>
    %xor3A_513 = arith.xori %or3A_512, %add3A_505 : vector<512x512xi32>
    %add3A_514 = arith.addi %add3A_505, %xor3A_513 : vector<512x512xi32>
    %shift_left3A_515 = arith.constant 24 : i32
    %shift_left3A_516 = vector.broadcast %shift_left3A_515 : i32 to vector<512x512xi32>
    %shift_left3A_517 = arith.shli %xor3A_513, %shift_left3A_516 : vector<512x512xi32>
    %shift_right_logical3A_518 = arith.constant 8 : i32
    %shift_right_logical3A_519 = vector.broadcast %shift_right_logical3A_518 : i32 to vector<512x512xi32>
    %shift_right_logical3A_520 = arith.shrui %xor3A_513, %shift_right_logical3A_519 : vector<512x512xi32>
    %or3A_521 = arith.ori %shift_left3A_517, %shift_right_logical3A_520 : vector<512x512xi32>
    %xor3A_522 = arith.xori %or3A_521, %add3A_514 : vector<512x512xi32>
    %add3A_523 = arith.constant -2045582813 : i32
    %add3A_524 = vector.broadcast %add3A_523 : i32 to vector<512x512xi32>
    %add3A_525 = arith.addi %add3A_514, %add3A_524 : vector<512x512xi32>
    %add3A_526 = arith.constant -1829035796 : i32
    %add3A_527 = vector.broadcast %add3A_526 : i32 to vector<512x512xi32>
    %add3A_528 = arith.addi %xor3A_522, %add3A_527 : vector<512x512xi32>
    %add3A_529 = arith.addi %add3A_525, %add3A_528 : vector<512x512xi32>
    %shift_left3A_530 = arith.constant 13 : i32
    %shift_left3A_531 = vector.broadcast %shift_left3A_530 : i32 to vector<512x512xi32>
    %shift_left3A_532 = arith.shli %add3A_528, %shift_left3A_531 : vector<512x512xi32>
    %shift_right_logical3A_533 = arith.constant 19 : i32
    %shift_right_logical3A_534 = vector.broadcast %shift_right_logical3A_533 : i32 to vector<512x512xi32>
    %shift_right_logical3A_535 = arith.shrui %add3A_528, %shift_right_logical3A_534 : vector<512x512xi32>
    %or3A_536 = arith.ori %shift_left3A_532, %shift_right_logical3A_535 : vector<512x512xi32>
    %xor3A_537 = arith.xori %or3A_536, %add3A_529 : vector<512x512xi32>
    %add3A_538 = arith.addi %add3A_529, %xor3A_537 : vector<512x512xi32>
    %shift_left3A_539 = arith.constant 15 : i32
    %shift_left3A_540 = vector.broadcast %shift_left3A_539 : i32 to vector<512x512xi32>
    %shift_left3A_541 = arith.shli %xor3A_537, %shift_left3A_540 : vector<512x512xi32>
    %shift_right_logical3A_542 = arith.constant 17 : i32
    %shift_right_logical3A_543 = vector.broadcast %shift_right_logical3A_542 : i32 to vector<512x512xi32>
    %shift_right_logical3A_544 = arith.shrui %xor3A_537, %shift_right_logical3A_543 : vector<512x512xi32>
    %or3A_545 = arith.ori %shift_left3A_541, %shift_right_logical3A_544 : vector<512x512xi32>
    %xor3A_546 = arith.xori %or3A_545, %add3A_538 : vector<512x512xi32>
    %add3A_547 = arith.addi %add3A_538, %xor3A_546 : vector<512x512xi32>
    %shift_left3A_548 = arith.constant 26 : i32
    %shift_left3A_549 = vector.broadcast %shift_left3A_548 : i32 to vector<512x512xi32>
    %shift_left3A_550 = arith.shli %xor3A_546, %shift_left3A_549 : vector<512x512xi32>
    %shift_right_logical3A_551 = arith.constant 6 : i32
    %shift_right_logical3A_552 = vector.broadcast %shift_right_logical3A_551 : i32 to vector<512x512xi32>
    %shift_right_logical3A_553 = arith.shrui %xor3A_546, %shift_right_logical3A_552 : vector<512x512xi32>
    %or3A_554 = arith.ori %shift_left3A_550, %shift_right_logical3A_553 : vector<512x512xi32>
    %xor3A_555 = arith.xori %or3A_554, %add3A_547 : vector<512x512xi32>
    %add3A_556 = arith.addi %add3A_547, %xor3A_555 : vector<512x512xi32>
    %shift_left3A_557 = arith.constant 6 : i32
    %shift_left3A_558 = vector.broadcast %shift_left3A_557 : i32 to vector<512x512xi32>
    %shift_left3A_559 = arith.shli %xor3A_555, %shift_left3A_558 : vector<512x512xi32>
    %shift_right_logical3A_560 = arith.constant 26 : i32
    %shift_right_logical3A_561 = vector.broadcast %shift_right_logical3A_560 : i32 to vector<512x512xi32>
    %shift_right_logical3A_562 = arith.shrui %xor3A_555, %shift_right_logical3A_561 : vector<512x512xi32>
    %or3A_563 = arith.ori %shift_left3A_559, %shift_right_logical3A_562 : vector<512x512xi32>
    %xor3A_564 = arith.xori %or3A_563, %add3A_556 : vector<512x512xi32>
    %add3A_565 = arith.constant -1829035798 : i32
    %add3A_566 = vector.broadcast %add3A_565 : i32 to vector<512x512xi32>
    %add3A_567 = arith.addi %add3A_556, %add3A_566 : vector<512x512xi32>
    %add3A_568 = arith.constant 255383830 : i32
    %add3A_569 = vector.broadcast %add3A_568 : i32 to vector<512x512xi32>
    %add3A_570 = arith.addi %xor3A_564, %add3A_569 : vector<512x512xi32>
    %add3A_571 = arith.addi %add3A_567, %add3A_570 : vector<512x512xi32>
    %shift_left3A_572 = arith.constant 17 : i32
    %shift_left3A_573 = vector.broadcast %shift_left3A_572 : i32 to vector<512x512xi32>
    %shift_left3A_574 = arith.shli %add3A_570, %shift_left3A_573 : vector<512x512xi32>
    %shift_right_logical3A_575 = arith.constant 15 : i32
    %shift_right_logical3A_576 = vector.broadcast %shift_right_logical3A_575 : i32 to vector<512x512xi32>
    %shift_right_logical3A_577 = arith.shrui %add3A_570, %shift_right_logical3A_576 : vector<512x512xi32>
    %or3A_578 = arith.ori %shift_left3A_574, %shift_right_logical3A_577 : vector<512x512xi32>
    %xor3A_579 = arith.xori %or3A_578, %add3A_571 : vector<512x512xi32>
    %add3A_580 = arith.addi %add3A_571, %xor3A_579 : vector<512x512xi32>
    %shift_left3A_581 = arith.constant 29 : i32
    %shift_left3A_582 = vector.broadcast %shift_left3A_581 : i32 to vector<512x512xi32>
    %shift_left3A_583 = arith.shli %xor3A_579, %shift_left3A_582 : vector<512x512xi32>
    %shift_right_logical3A_584 = arith.constant 3 : i32
    %shift_right_logical3A_585 = vector.broadcast %shift_right_logical3A_584 : i32 to vector<512x512xi32>
    %shift_right_logical3A_586 = arith.shrui %xor3A_579, %shift_right_logical3A_585 : vector<512x512xi32>
    %or3A_587 = arith.ori %shift_left3A_583, %shift_right_logical3A_586 : vector<512x512xi32>
    %xor3A_588 = arith.xori %or3A_587, %add3A_580 : vector<512x512xi32>
    %add3A_589 = arith.addi %add3A_580, %xor3A_588 : vector<512x512xi32>
    %shift_left3A_590 = arith.constant 16 : i32
    %shift_left3A_591 = vector.broadcast %shift_left3A_590 : i32 to vector<512x512xi32>
    %shift_left3A_592 = arith.shli %xor3A_588, %shift_left3A_591 : vector<512x512xi32>
    %shift_right_logical3A_593 = arith.constant 16 : i32
    %shift_right_logical3A_594 = vector.broadcast %shift_right_logical3A_593 : i32 to vector<512x512xi32>
    %shift_right_logical3A_595 = arith.shrui %xor3A_588, %shift_right_logical3A_594 : vector<512x512xi32>
    %or3A_596 = arith.ori %shift_left3A_592, %shift_right_logical3A_595 : vector<512x512xi32>
    %xor3A_597 = arith.xori %or3A_596, %add3A_589 : vector<512x512xi32>
    %add3A_598 = arith.addi %add3A_589, %xor3A_597 : vector<512x512xi32>
    %shift_left3A_599 = arith.constant 24 : i32
    %shift_left3A_600 = vector.broadcast %shift_left3A_599 : i32 to vector<512x512xi32>
    %shift_left3A_601 = arith.shli %xor3A_597, %shift_left3A_600 : vector<512x512xi32>
    %shift_right_logical3A_602 = arith.constant 8 : i32
    %shift_right_logical3A_603 = vector.broadcast %shift_right_logical3A_602 : i32 to vector<512x512xi32>
    %shift_right_logical3A_604 = arith.shrui %xor3A_597, %shift_right_logical3A_603 : vector<512x512xi32>
    %or3A_605 = arith.ori %shift_left3A_601, %shift_right_logical3A_604 : vector<512x512xi32>
    %xor3A_606 = arith.xori %or3A_605, %add3A_598 : vector<512x512xi32>
    %add3A_607 = arith.constant 255383827 : i32
    %add3A_608 = vector.broadcast %add3A_607 : i32 to vector<512x512xi32>
    %add3A_609 = arith.addi %add3A_598, %add3A_608 : vector<512x512xi32>
    %add3A_610 = arith.constant -2045582809 : i32
    %add3A_611 = vector.broadcast %add3A_610 : i32 to vector<512x512xi32>
    %add3A_612 = arith.addi %xor3A_606, %add3A_611 : vector<512x512xi32>
    %add3A_613 = arith.addi %add3A_609, %add3A_612 : vector<512x512xi32>
    %shift_left3A_614 = arith.constant 13 : i32
    %shift_left3A_615 = vector.broadcast %shift_left3A_614 : i32 to vector<512x512xi32>
    %shift_left3A_616 = arith.shli %add3A_612, %shift_left3A_615 : vector<512x512xi32>
    %shift_right_logical3A_617 = arith.constant 19 : i32
    %shift_right_logical3A_618 = vector.broadcast %shift_right_logical3A_617 : i32 to vector<512x512xi32>
    %shift_right_logical3A_619 = arith.shrui %add3A_612, %shift_right_logical3A_618 : vector<512x512xi32>
    %or3A_620 = arith.ori %shift_left3A_616, %shift_right_logical3A_619 : vector<512x512xi32>
    %xor3A_621 = arith.xori %or3A_620, %add3A_613 : vector<512x512xi32>
    %add3A_622 = arith.addi %add3A_613, %xor3A_621 : vector<512x512xi32>
    %shift_left3A_623 = arith.constant 15 : i32
    %shift_left3A_624 = vector.broadcast %shift_left3A_623 : i32 to vector<512x512xi32>
    %shift_left3A_625 = arith.shli %xor3A_621, %shift_left3A_624 : vector<512x512xi32>
    %shift_right_logical3A_626 = arith.constant 17 : i32
    %shift_right_logical3A_627 = vector.broadcast %shift_right_logical3A_626 : i32 to vector<512x512xi32>
    %shift_right_logical3A_628 = arith.shrui %xor3A_621, %shift_right_logical3A_627 : vector<512x512xi32>
    %or3A_629 = arith.ori %shift_left3A_625, %shift_right_logical3A_628 : vector<512x512xi32>
    %xor3A_630 = arith.xori %or3A_629, %add3A_622 : vector<512x512xi32>
    %add3A_631 = arith.addi %add3A_622, %xor3A_630 : vector<512x512xi32>
    %shift_left3A_632 = arith.constant 26 : i32
    %shift_left3A_633 = vector.broadcast %shift_left3A_632 : i32 to vector<512x512xi32>
    %shift_left3A_634 = arith.shli %xor3A_630, %shift_left3A_633 : vector<512x512xi32>
    %shift_right_logical3A_635 = arith.constant 6 : i32
    %shift_right_logical3A_636 = vector.broadcast %shift_right_logical3A_635 : i32 to vector<512x512xi32>
    %shift_right_logical3A_637 = arith.shrui %xor3A_630, %shift_right_logical3A_636 : vector<512x512xi32>
    %or3A_638 = arith.ori %shift_left3A_634, %shift_right_logical3A_637 : vector<512x512xi32>
    %xor3A_639 = arith.xori %or3A_638, %add3A_631 : vector<512x512xi32>
    %add3A_640 = arith.addi %add3A_631, %xor3A_639 : vector<512x512xi32>
    %shift_left3A_641 = arith.constant 6 : i32
    %shift_left3A_642 = vector.broadcast %shift_left3A_641 : i32 to vector<512x512xi32>
    %shift_left3A_643 = arith.shli %xor3A_639, %shift_left3A_642 : vector<512x512xi32>
    %shift_right_logical3A_644 = arith.constant 26 : i32
    %shift_right_logical3A_645 = vector.broadcast %shift_right_logical3A_644 : i32 to vector<512x512xi32>
    %shift_right_logical3A_646 = arith.shrui %xor3A_639, %shift_right_logical3A_645 : vector<512x512xi32>
    %or3A_647 = arith.ori %shift_left3A_643, %shift_right_logical3A_646 : vector<512x512xi32>
    %xor3A_648 = arith.xori %or3A_647, %add3A_640 : vector<512x512xi32>
    %add3A_649 = arith.constant -2045582813 : i32
    %add3A_650 = vector.broadcast %add3A_649 : i32 to vector<512x512xi32>
    %add3A_651 = arith.addi %add3A_640, %add3A_650 : vector<512x512xi32>
    %add3A_652 = arith.constant -1829035793 : i32
    %add3A_653 = vector.broadcast %add3A_652 : i32 to vector<512x512xi32>
    %add3A_654 = arith.addi %xor3A_648, %add3A_653 : vector<512x512xi32>
    %xor3A_655 = arith.xori %add3A_651, %add3A_654 : vector<512x512xi32>
    %lt3A_656 = arith.constant 429496832 : i32
    %lt3A_657 = vector.broadcast %lt3A_656 : i32 to vector<512x512xi32>
    %lt3A_658 = arith.cmpi ult, %xor3A_655, %lt3A_657 : vector<512x512xi32>
    %and3A_659 = arith.andi %lt3A_658, %lt3A_220 : vector<512x512xi1>
    %not3A = arith.constant dense<true> : vector<512x512xi1>
    %not3A_660 = arith.xori %and3A, %not3A : vector<512x512xi1>
    %and3A_661 = arith.andi %and3A_659, %not3A_660 : vector<512x512xi1>
    %convert_element_type3A = arith.extui %lt3A_220 : vector<512x512xi1> to vector<512x512xi32>
    %convert_element_type3A_662 = arith.extui %and3A : vector<512x512xi1> to vector<512x512xi32>
    %shift_left3A_663 = arith.constant 1 : i32
    %shift_left3A_664 = vector.broadcast %shift_left3A_663 : i32 to vector<512x512xi32>
    %shift_left3A_665 = arith.shli %convert_element_type3A_662, %shift_left3A_664 : vector<512x512xi32>
    %or3A_666 = arith.ori %convert_element_type3A, %shift_left3A_665 : vector<512x512xi32>
    %convert_element_type3A_667 = arith.extui %and3A_661 : vector<512x512xi1> to vector<512x512xi32>
    %shift_left3A_668 = arith.constant 2 : i32
    %shift_left3A_669 = vector.broadcast %shift_left3A_668 : i32 to vector<512x512xi32>
    %shift_left3A_670 = arith.shli %convert_element_type3A_667, %shift_left3A_669 : vector<512x512xi32>
    %or3A_671 = arith.ori %or3A_666, %shift_left3A_670 : vector<512x512xi32>
    %swap3A = arith.constant 0 : index
    %swap3A_672 = arith.constant 0 : index
    %swap3A_673 = vector.load %arg2[%swap3A, %swap3A_672] : memref<512x512xi32, #tpu.memory_space<vmem>>, vector<512x512xi32>
    tpu.vector_store %arg2[%swap3A, %swap3A_672], %or3A_671 {strides = array<i32>} : memref<512x512xi32, #tpu.memory_space<vmem>>, vector<512x512xi32>,
    %get3A = arith.constant 0 : index
    %get3A_674 = arith.constant 0 : index
    %get3A_675 = vector.load %arg1[%get3A, %get3A_674] : memref<512x512xf32, #tpu.memory_space<vmem>>, vector<512x512xf32>
    %jit3A = arith.constant 0.000000e+00 : f32
    %broadcast_in_dim3A = vector.broadcast %jit3A : f32 to vector<512x512xf32>
    %select_n3A = arith.select %and3A, %broadcast_in_dim3A, %get3A_675 : vector<512x512xi1>, vector<512x512xf32>
    %reduce_max3A = vector.shape_cast %select_n3A : vector<512x512xf32> to vector<1x512x512xf32>
    %reduce_max3A_676 = arith.constant dense<0xFF800000> : vector<1xf32>
    %reduce_max3A_677 = vector.multi_reduction <maximumf>, %reduce_max3A, %reduce_max3A_676 [1, 2] : vector<1x512x512xf32> to vector<1xf32>
    %reduce_max3A_678 = vector.shape_cast %reduce_max3A_677 : vector<1xf32> to vector<1x1x1xf32>
    %reduce_max3A_679 = vector.extract %reduce_max3A_678[0, 0, 0] : f32 from vector<1x1x1xf32>
    %eq3A = arith.constant 0 : i32
    %eq3A_680 = arith.cmpi eq, %arg0, %eq3A : i32
    %convert_element_type3A_681 = arith.extui %eq3A_680 : i1 to i32
    %cond3A = arith.constant 0 : i32
    %cond3A_682 = arith.cmpi ne, %convert_element_type3A_681, %cond3A : i32
    scf.if %cond3A_682 {
      %swap3A_687 = arith.constant 0 : index
      %swap3A_688 = arith.constant 0 : index
      %swap3A_689 = memref.load %arg3[%swap3A_687, %swap3A_688] : memref<1x1xf32, #tpu.memory_space<smem>>
      memref.store %reduce_max3A_679, %arg3[%swap3A_687, %swap3A_688] : memref<1x1xf32, #tpu.memory_space<smem>>
    } else {
    }
    %gt3A = arith.constant 0 : i32
    %gt3A_683 = arith.cmpi sgt, %arg0, %gt3A : i32
    %convert_element_type3A_684 = arith.extui %gt3A_683 : i1 to i32
    %cond3A_685 = arith.constant 0 : i32
    %cond3A_686 = arith.cmpi ne, %convert_element_type3A_684, %cond3A_685 : i32
    scf.if %cond3A_686 {
      %get3A_687 = arith.constant 0 : index
      %get3A_688 = arith.constant 0 : index
      %get3A_689 = memref.load %arg3[%get3A_687, %get3A_688] : memref<1x1xf32, #tpu.memory_space<smem>>
      %max3A = arith.maximumf %get3A_689, %reduce_max3A_679 : f32
      %swap3A_690 = arith.constant 0 : index
      %swap3A_691 = arith.constant 0 : index
      %swap3A_692 = memref.load %arg3[%swap3A_690, %swap3A_691] : memref<1x1xf32, #tpu.memory_space<smem>>
      memref.store %max3A, %arg3[%swap3A_690, %swap3A_691] : memref<1x1xf32, #tpu.memory_space<smem>>
    } else {
    }
    return
  }
  func.func @transform_0(%arg0: i32) -> (i32, i32) {
    %c0_i32 = arith.constant 0 : i32
    %c0_i32_0 = arith.constant 0 : i32
    return %arg0, %c0_i32 : i32, i32
  }
  func.func @transform_1(%arg0: i32) -> (i32, i32) {
    %c0_i32 = arith.constant 0 : i32
    %c0_i32_0 = arith.constant 0 : i32
    return %arg0, %c0_i32 : i32, i32
  }
  func.func @transform_2(%arg0: i32) -> (i32, i32) {
    %c0_i32 = arith.constant 0 : i32
    %c0_i32_0 = arith.constant 0 : i32
    %c0_i32_1 = arith.constant 0 : i32
    return %c0_i32, %c0_i32_0 : i32, i32
  }
}

</mosaic_0001>

<sc_bundles>
// kernel: kernel.5.cloned.1.call-start
scs
__scs_entry_jumppad:
0x0: {  	(pc) =	sbr.rel $0x88, $3  }
0x1: {  	(tag) =	ssettag $0x0;
	lr =	simm.s32 $0x1  }
0x2: {  	[smem:$0x3FA0] =	sst lr;
	_ =	strace $0xD0000000  }
0x3: {  	_ = 	snop  }
0x4: {  	_ = 	snop  }
0x5: {  	_ = 	snop  }
0x6: {  	_ = 	snop  }
0x7: {  	_ = 	snop  }
__scs_overlays_trampoline_lowered:
0x8: {  	[smem:$0x3FAF] =	sst s0  }
0x9: {  	[smem:$0x3FB0] =	sst s1  }
0xa: {  	[smem:$0x3FB1] =	sst s2  }
0xb: {  	[smem:$0x3FB2] =	sst s3  }
0xc: {  	[smem:$0x3FB3] =	sst s4  }
0xd: {  	[smem:$0x3FB4] =	sst s5  }
0xe: {  	[smem:$0x3FB5] =	sst s6  }
0xf: {  	[smem:$0x3FB6] =	sst s7  }
0x10: {  	[smem:$0x3FB7] =	sst s8  }
0x11: {  	[smem:$0x3FB8] =	sst s9;
	s0 =	simm.s32 @!p0 $0x0  }
0x12: {  	s1 =	sld [smem:$0x3F9E];
	s0 =	simm.s32 @p0 $0x1  }
0x13: {  	[smem:$0x3FB9] =	sst s0;
	s0 =	simm.s32 @!p1 $0x0  }
0x14: {  	s2 =	sld [smem:$0x3F9D];
	s0 =	simm.s32 @p1 $0x1  }
0x15: {  	[smem:$0x3FBA] =	sst s0;
	s0 =	simm.s32 @!p2 $0x0  }
0x16: {  	s3 =	sld [smem:$0x3FDB];
	s0 =	simm.s32 @p2 $0x1  }
0x17: {  	s4 =	simm.s32 $0x1BF5;
	[smem:$0x3FBC] =	sst s0  }
0x18: {  	s0 =	sld [smem:$0x3F9F];
	_ =	swait.ge [sflag:s4], $0x0  }
0x19: {  	s7 =	sld [smem:$0x3FA0]  }
0x1a: {  	s8 =	sadd.s32 $0xFFFFE003, lr  }
0x1b: {  	s9 =	sadd.s32 $0xFFFFFEF7, lr;
	s5 =	simm.s32 $0xFFFFFFFF;
	p2 =	slt.u32 s8, $0xFFFFF086  }
0x1c: {  	p1 =	slt.u32 s9, $0xF7A;
	s5 =	simm.s32 @!p2 $0x0  }
0x1d: {  	s5 =	simm.s32 @p1 $0x1;
	p0 =	seq.s32 s7, s2  }
0x1e: {  	s7 =	smul.u32 @!p0 $0xF7A, s2;
	p2 =	seq.s32 @!p0 s5, $0x0  }
0x1f: {  	s9 =	smul.u32 $0xF7A, s1;
	s8 =	simm.s32 @!p0 $0x1BF5;
	p2 =	por !p2, p0  }
0x20: {  	[sflag:s8] =	ssyncset.s32 @!p0 $0xFFFFF086;
	s6 =	sadd.s32 @!p0 s3, s7;
	s7 =	simm.s32 @!p0 $0x108  }
0x21: {  	s3 =	sadd.s32 s3, s9;
	s6 =	sadd.s32 @!p0 $0x88, s6;
	s7 =	simm.s32 @p2 $0x1082  }
0x22: {  	[simem:s7], [sflag:s8] =	dma.local @!p0 [hbm:s6], $0xF7A  }
0x23: {  	s9 =	sor.u32 $0xD0000000, s2;
	s6 =	simm.s32 $0x108;
	_ =	swait.ge @!p0 [sflag:s8], $0x0  }
0x24: {  	s3 =	sadd.s32 $0x88, s3;
	s6 =	simm.s32 @!p1 $0x1082;
	[sflag:s4] =	ssyncset.s32 $0xFFFFF086  }
0x25: {  	[simem:s6], [sflag:s4] =	dma.local [hbm:s3], $0xF7A  }
0x26: {  	[smem:$0x3FA0] =	sst s1;
	(tag) =	ssettag s2;
	_ =	strace s9  }
0x27: {  	s1 =	sld [smem:$0x3FB0]  }
0x28: {  	s2 =	sld [smem:$0x3FB1]  }
0x29: {  	s4 =	sld [smem:$0x3FB3]  }
0x2a: {  	p0 =	seq.s32 s5, $0x0;
	s5 =	sld [smem:$0x3FB4]  }
0x2b: {  	s6 =	sld [smem:$0x3FB5]  }
0x2c: {  	s7 =	sld [smem:$0x3FB6]  }
0x2d: {  	s3 =	simm.s32 $0x108;
	s8 =	sld [smem:$0x3FB7]  }
0x2e: {  	s3 =	simm.s32 @!p0 $0x1082;
	s9 =	sld [smem:$0x3FB8]  }
0x2f: {  	lr =	sadd.s32 s0, s3;
	s0 =	sld [smem:$0x3FAF]  }
0x30: {  	s3 =	sld [smem:$0x3FB2]  }
0x31: {  	[smem:$0x3FBB] =	sst s10  }
0x32: {  	s10 =	sld [smem:$0x3FB9];
	_ =	sdelay $0x3  }
0x33: {  	p0 =	seq.s32 s10, $0x1;
	s10 =	sld [smem:$0x3FBB];
	_ =	sdelay $0x3  }
0x34: {  	[smem:$0x3FBB] =	sst s10  }
0x35: {  	s10 =	sld [smem:$0x3FBA];
	_ =	sdelay $0x3  }
0x36: {  	p1 =	seq.s32 s10, $0x1;
	s10 =	sld [smem:$0x3FBB];
	_ =	sdelay $0x3  }
0x37: {  	[smem:$0x3FBB] =	sst s10  }
0x38: {  	s10 =	sld [smem:$0x3FBC]  }
0x39: {  	_ = 	snop;
	(pc) =	sbr.ind lr, $3  }
0x3a: {  	_ = 	snop  }
0x3b: {  	_ = 	snop  }
0x3c: {  	p2 =	seq.s32 s10, $0x1;
	s10 =	sld [smem:$0x3FBB]  }
0x3d: {  	_ =	shalt  }
0x3e: {  	_ =	shalt  }
0x3f: {  	_ =	shalt  }
0x40: {  	_ =	shalt  }
0x41: {  	_ =	shalt  }
0x42: {  	_ =	shalt  }
0x43: {  	_ =	shalt  }
0x44: {  	_ =	shalt  }
0x45: {  	_ =	shalt  }
0x46: {  	_ =	shalt  }
0x47: {  	_ =	shalt  }
0x48: {  	_ =	shalt  }
0x49: {  	_ =	shalt  }
0x4a: {  	_ =	shalt  }
0x4b: {  	_ =	shalt  }
0x4c: {  	_ =	shalt  }
0x4d: {  	_ =	shalt  }
0x4e: {  	_ =	shalt  }
0x4f: {  	_ =	shalt  }
0x50: {  	_ =	shalt  }
0x51: {  	_ =	shalt  }
0x52: {  	_ =	shalt  }
0x53: {  	_ =	shalt  }
0x54: {  	_ =	shalt  }
0x55: {  	_ =	shalt  }
0x56: {  	_ =	shalt  }
0x57: {  	_ =	shalt  }
0x58: {  	_ =	shalt  }
0x59: {  	_ =	shalt  }
0x5a: {  	_ =	shalt  }
0x5b: {  	_ =	shalt  }
0x5c: {  	_ =	shalt  }
0x5d: {  	_ =	shalt  }
0x5e: {  	_ =	shalt  }
0x5f: {  	_ =	shalt  }
0x60: {  	_ =	shalt  }
0x61: {  	_ =	shalt  }
0x62: {  	_ =	shalt  }
0x63: {  	_ =	shalt  }
0x64: {  	_ =	shalt  }
0x65: {  	_ =	shalt  }
0x66: {  	_ =	shalt  }
0x67: {  	_ =	shalt  }
0x68: {  	_ =	shalt  }
0x69: {  	_ =	shalt  }
0x6a: {  	_ =	shalt  }
0x6b: {  	_ =	shalt  }
0x6c: {  	_ =	shalt  }
0x6d: {  	_ =	shalt  }
0x6e: {  	_ =	shalt  }
0x6f: {  	_ =	shalt  }
0x70: {  	_ =	shalt  }
0x71: {  	_ =	shalt  }
0x72: {  	_ =	shalt  }
0x73: {  	_ =	shalt  }
0x74: {  	_ =	shalt  }
0x75: {  	_ =	shalt  }
0x76: {  	_ =	shalt  }
0x77: {  	_ =	shalt  }
0x78: {  	_ =	shalt  }
0x79: {  	_ =	shalt  }
0x7a: {  	_ =	shalt  }
0x7b: {  	_ =	shalt  }
0x7c: {  	_ =	shalt  }
0x7d: {  	_ =	shalt  }
0x7e: {  	_ =	shalt  }
0x7f: {  	_ =	shalt  }
0x80: {  	_ =	shalt  }
0x81: {  	_ =	shalt  }
0x82: {  	_ =	shalt  }
0x83: {  	_ =	shalt  }
0x84: {  	_ =	shalt  }
0x85: {  	_ =	shalt  }
0x86: {  	_ =	shalt  }
0x87: {  	_ =	shalt  }
.Lfunc_end0:
.L_simem_size_0:
called_computation.1_lowered:
.L_overlay_start_0:
0x88: {  	s2 =	sld [smem:$0x3FD9]  }
0x89: {  	s3 =	sld [smem:$0x3FFE];
	_ =	sdelay $0x1  }
0x8a: {  	s1 =	srdreg.scid  }
0x8b: {  	s0 =	sand.u32 $0x1, s1  }
0x8c: {  	s14 =	sshll.u32 s0, $0xA;
	s2 =	sadd.s32 s3, s2  }
0x8d: {  	s2 =	sadd.s32 s2, s14  }
0x8e: {  	[smem:$0x3FC7] =	sst s2  }
0x8f: {  	_ = 	snop  }
0x90: {  	s2 =	sld [smem:$0x3FD0];
	_ =	sdelay $0x2  }
0x91: {  	s15 =	simm.s32 $0xA;
	s4 =	simm.s32 $0x10  }
0x92: {  	[smem:s4], [sflag:s15] =	dma.local [hbm:s2], $0x1  }
0x93: {  	_ =	swait.eq [sflag:s15], $0x1  }
0x94: {  	[sflag:s15] =	ssyncset.done $0x0  }
0x95: {  	s16 =	sld [smem:$0x10];
	[sflag:s15] =	ssyncadd.s32 $0xFFFFFFFF  }
0x96: {  	s17 =	sld [smem:$0x11];
	(tm) =	ssettm $0x1  }
0x97: {  	s18 =	sld [smem:$0x3FFB];
	_ =	sdelay $0x3  }
0x98: {  	_ =	strace s18  }
0x99: {  	s4 =	sld [smem:$0x3FFC];
	_ =	sdelay $0x3  }
0x9a: {  	_ =	strace s4  }
0x9b: {  	s4 =	sld [smem:$0x3FFD];
	_ =	sdelay $0x3  }
0x9c: {  	_ =	strace s4  }
0x9d: {  	_ =	strace $0x8FFFFFFF  }
0x9e: {  	s19 =	sld [smem:$0x3FDB];
	_ =	sdelay $0x1  }
0x9f: {  	s5 =	simm.s32 $_scs_section_size  }
0xa0: {  	s6 =	simm.s32 $_size__tile_overlayer_lowered;
	s7 =	simm.s32 $_tile_overlayer_lowered  }
0xa1: {  	s22 =	simm.s32 $0x1BFF;
	s21 =	sshll.u32 s7, $0x1;
	s4 =	sadd.s32 s5, s19  }
0xa2: {  	s8 =	simm.s32 $0x0;
	s20 =	sshll.u32 s6, $0x1;
	s6 =	sadd.s32 s21, s4  }
0xa3: {  	[timem:s8], [sflag:s22] =	dma.local [hbm:s6], s20  }
0xa4: {  	_ =	swait.ge [sflag:s22], s20  }
0xa5: {  	s5 =	ssub.s32 $0x0, s20;
	[sflag:s22] =	ssyncset.done $0x0  }
0xa6: {  	[sflag:s22] =	ssyncadd.s32 s5;
	_ =	sdelay $0x1  }
0xa7: {  	s23 =	simm.s32 $0x1B8B  }
0xa8: {  	_ =	swait.ge [sflag:s23], $0x1  }
0xa9: {  	[sflag:s23] =	ssyncset.done $0x0  }
0xaa: {  	s25 =	simm.s32 $0x1B8E;
	s24 =	sld [smem:$0x3FFE];
	[sflag:s23] =	ssyncadd.s32 $0xFFFFFFFF  }
0xab: {  	s26 =	simm.s32 $execute0_lowered;
	[smem:$0x3FD2] =	sst s25  }
0xac: {  	s6 =	sshll.u32 s26, $0x1;
	_ =	strace $0x80000049;
	[dreg:$0x1] =	wrdreg $0xFFFFFFFF  }
0xad: {  	s28 =	simm.s32 $_size_execute0_lowered;
	s4 =	sadd.s32 s4, s6;
	[dreg:$0x0] =	wrdreg $0x0  }
0xae: {  	s6 =	sshll.u32 s28, $0x1;
	[dreg:$0x2] =	wrdreg s4  }
0xaf: {  	[dreg:$0x3] =	wrdreg s6  }
0xb0: {  	[dreg:$0x4] =	wrdreg $0xC0  }
0xb1: {  	_ =	task [dreg:s8], $0x5FFFF  }
0xb2: {  	[dreg:$0x1] =	wrdreg $0xFFFFFFFF  }
0xb3: {  	[dreg:$0x0] =	wrdreg $0x60  }
0xb4: {  	[dreg:$0x2] =	wrdreg s17  }
0xb5: {  	[dreg:$0x3] =	wrdreg s16  }
0xb6: {  	[dreg:$0x4] =	wrdreg s24  }
0xb7: {  	[dreg:$0x5] =	wrdreg $0x9  }
0xb8: {  	_ =	task.clear_ibuf [dreg:s8], $0x6FFFF;
	_ =	strace $0x90000049  }
0xb9: {  	s29 =	simm.s32 $0x9;
	_ =	strace $0x8000004B  }
0xba: {  	_ =	swait.ge [sflag:s29], $0x1  }
0xbb: {  	[sflag:s29] =	ssyncadd.s32 $0xFFFFFFFF  }
0xbc: {  	_ =	strace $0x9000004B  }
0xbd: {  	_ =	sfence  }
0xbe: {  	s30 =	sld [smem:$0x0];
	_ =	sdelay $0x2  }
0xbf: {  	s31 =	sshll.u32 s1, $0xD;
	s1 =	sshrl.u32 s1, $0x2  }
0xc0: {  	s3 =	sand.u32 $0x4000, s31;
	s1 =	sadd.s32 s1, s30  }
0xc1: {  	s0 =	sor.u32 s3, s0;
	s1 =	sshll.u32 s1, $0x11  }
0xc2: {  	s0 =	sor.u32 s1, s0  }
0xc3: {  	s0 =	sadd.s32 $0x8F2B, s0  }
0xc4: {  	[sflag:s0] =	ssyncadd.remote.s32 $0x1  }
0xc5: {  	_ =	sfence.sel $0xFFFF  }
0xc6: {  	[dreg:$0x0] =	wrdreg $0xFFFFFFFF;
	(pc) =	sbr.abs _section_cstart, $3  }
0xc7: {  	[dreg:$0x1] =	wrdreg $0xFFFFFFFF  }
0xc8: {  	_ =	task.clear_ibuf [dreg:s8], $0x2FFFF;
	_ =	strace $0x9FFFFFFF  }
0xc9: {  	(tm) =	ssettm $0x7FFFFFFF  }
tec
execute0_lowered:
.L_overlay_start_1:
0x0: {  	(tag) =	ssettag $0x1  }
0x1: {  	s1 =	rddreg [dreg:$0x0]  }
0x2: {  	s2 =	srdreg.scid;
	s3 =	rddreg [dreg:$0x1]  }
0x3: {  	s0 =	stileid.u32;
	s7 =	rddreg [dreg:$0x2]  }
0x4: {  	s4 =	simm.s32 $0x0;
	s12 =	simm.s32 $0x10000;
	s13 =	simm.s32 $0x0  }
0x5: {  	s6 =	sand.u32 $0x1, s2;
	s30 =	sshll.u32 s0, $0x1;
	s2 =	rddreg [dreg:$0x3]  }
0x6: {  	[smem:$0x7FF] =	sst s4;
	s9 =	smul.u32 $0xB0000, s0;
	s8 =	sor.u32 s6, s30  }
0x7: {  	s10 =	ssub.s32 $0x2, s6;
	s11 =	smul.u32 $0x58000, s6;
	_ =	strace $0x8000004A  }
0x8: {  	v7 =	vlaneseq.u32;
	v0 =	vimm.f32 $-3.000000010e+38;
	s5 =	smul.u32 $0x58000, s8;
	s8 =	sshll.u32 s8, $0x4;
	s31 =	sshrl.u32 s10, $0x1  }
0x9: {  	v1 =	vadd.s32 $0x1022172D, v7;
	v2 =	vadd.s32 $0x7D601BBC, v7;
	v3 =	vadd.s32 $0xADD083F4, v7;
	s7 =	sadd.s32 s8, s7;
	s9 =	sadd.s32 s11, s9;
	s10 =	ssub.s32 s10, s31  }
0xa: {  	v4 =	vadd.s32 $0xB1A83721, v7;
	s11 =	simm.s32 $0x8000;
	s6 =	sadd.s32 $0x1500000, s5;
	s7 =	sadd.s32 $0xC00, s7  }
0xb: {  	v5 =	vimm.s32 $0x0;
	v6 =	vadd.s32 $0xF38D913, v7;
	v7 =	vadd.s32 $0xA233F9FD, v7;
	s8 =	sadd.s32 $0x1500010, s9;
	s9 =	smax.u32 s10, $0x1;
	s10 =	simm.s32 $0x1  }
.LBB2_1:
0xc: {  	[tilespmem:$0x10000] =	vst v0;
	s14 =	smov.u32 s8;
	s15 =	simm.s32 $0x0  }
.LBB2_2:
0xd: {  	s16 =	sshll.u32 s15, $0xF  }
0xe: {  	s17 =	sadd.s32 s16, s6  }
0xf: {  	s17 =	sshrl.u32 s17, $0x3  }
0x10: {  	s17 =	sadd.s32 s1, s17  }
0x11: {  	[tilespmem:s4], [sflag:$0x1] =	stream.linear.gather [hbm4b:s17+s4], $0x8000, $0x38;
	[tilespmem:$0x10080] =	vst v63  }
0x12: {  	_ =	swait.ge [sflag:s10], $0x8000  }
0x13: {  	s18 =	simm.s32 $0x8010;
	s19 =	simm.s32 $0x10;
	[sflag:s10] =	ssyncset.done $0x0  }
0x14: {  	s20 =	smov.u32 s14;
	s17 =	simm.s32 $0xFFFFFFFE;
	[sflag:s10] =	ssyncadd.s32 $0xFFFF8000  }
.LBB2_3:
0x15: {  	s21 =	sadd.s32 $0xFFFFFFF0, s20  }
0x16: {  	v8 =	vadd.s32 s21, v1  }
0x17: {  	v9 =	vshrl.u32 v8, $0x13;
	v8 =	vshll.u32 v8, $0xD  }
0x18: {  	v10 =	vadd.s32 s21, v2;
	v8 =	vor.u32 v9, v8  }
0x19: {  	v8 =	vxor.u32 v10, v8  }
0x1a: {  	v43 =	vshrl.u32 v8, $0x11;
	v11 =	vshll.u32 v8, $0xF  }
0x1b: {  	v8 =	vadd.s32 v10, v8;
	v9 =	vor.u32 v43, v11  }
0x1c: {  	v9 =	vxor.u32 v8, v9  }
0x1d: {  	v44 =	vshrl.u32 v9, $0x6;
	v45 =	vshll.u32 v9, $0x1A  }
0x1e: {  	v8 =	vadd.s32 v8, v9;
	v46 =	vor.u32 v44, v45  }
0x1f: {  	v9 =	vxor.u32 v8, v46  }
0x20: {  	v47 =	vshrl.u32 v9, $0x1A;
	v48 =	vshll.u32 v9, $0x6  }
0x21: {  	v8 =	vadd.s32 v8, v9;
	v49 =	vor.u32 v47, v48  }
0x22: {  	v9 =	vxor.u32 v8, v49  }
0x23: {  	v9 =	vadd.s32 $0x66CD0879, v9  }
0x24: {  	v8 =	vadd.s32 v9, v8;
	v50 =	vshrl.u32 v9, $0xF;
	v9 =	vshll.u32 v9, $0x11  }
0x25: {  	v8 =	vadd.s32 $0x1022172D, v8;
	v9 =	vor.u32 v50, v9  }
0x26: {  	v9 =	vxor.u32 v8, v9  }
0x27: {  	v51 =	vshrl.u32 v9, $0x3;
	v52 =	vshll.u32 v9, $0x1D  }
0x28: {  	v8 =	vadd.s32 v8, v9;
	v53 =	vor.u32 v51, v52  }
0x29: {  	v9 =	vxor.u32 v8, v53  }
0x2a: {  	v54 =	vshrl.u32 v9, $0x10;
	v55 =	vshll.u32 v9, $0x10  }
0x2b: {  	v8 =	vadd.s32 v8, v9;
	v56 =	vor.u32 v54, v55  }
0x2c: {  	v9 =	vxor.u32 v8, v56  }
0x2d: {  	v57 =	vshrl.u32 v9, $0x8;
	v58 =	vshll.u32 v9, $0x18  }
0x2e: {  	v8 =	vadd.s32 v8, v9;
	v59 =	vor.u32 v57, v58  }
0x2f: {  	v9 =	vxor.u32 v8, v59  }
0x30: {  	v9 =	vadd.s32 $0x6D3E0491, v9  }
0x31: {  	v8 =	vadd.s32 v9, v8;
	v60 =	vshrl.u32 v9, $0x13;
	v9 =	vshll.u32 v9, $0xD  }
0x32: {  	v8 =	vadd.s32 $0x66CD0878, v8;
	v9 =	vor.u32 v60, v9  }
0x33: {  	v19 =	vadd.s32 s21, v3;
	v9 =	vxor.u32 v8, v9  }
0x34: {  	v20 =	vshrl.u32 v19, $0x13;
	v61 =	vshrl.u32 v9, $0x11;
	v62 =	vshll.u32 v9, $0xF  }
0x35: {  	v10 =	vshll.u32 v19, $0xD;
	v8 =	vadd.s32 v8, v9;
	v63 =	vor.u32 v61, v62  }
0x36: {  	v10 =	vor.u32 v20, v10;
	v9 =	vxor.u32 v8, v63  }
0x37: {  	v52 =	vadd.s32 s21, v6;
	v12 =	vshrl.u32 v9, $0x6;
	v13 =	vshll.u32 v9, $0x1A  }
0x38: {  	v53 =	vshrl.u32 v52, $0x13;
	v8 =	vadd.s32 v8, v9;
	v14 =	vor.u32 v12, v13  }
0x39: {  	v54 =	vadd.s32 s21, v7;
	v12 =	vadd.s32 s21, v4;
	v9 =	vxor.u32 v8, v14  }
0x3a: {  	v10 =	vxor.u32 v12, v10;
	v15 =	vshrl.u32 v9, $0x1A;
	v16 =	vshll.u32 v9, $0x6  }
0x3b: {  	v8 =	vadd.s32 v8, v9;
	v22 =	vshrl.u32 v10, $0x11;
	v13 =	vshll.u32 v10, $0xF  }
0x3c: {  	v10 =	vadd.s32 v12, v10;
	v17 =	vor.u32 v15, v16;
	v11 =	vor.u32 v22, v13  }
0x3d: {  	v13 =	vshll.u32 v52, $0xD;
	v9 =	vxor.u32 v8, v17;
	v11 =	vxor.u32 v10, v11  }
0x3e: {  	v13 =	vor.u32 v53, v13;
	v9 =	vadd.s32 $0x10221730, v9;
	v24 =	vshrl.u32 v11, $0x6  }
0x3f: {  	v14 =	vshll.u32 v11, $0x1A;
	v10 =	vadd.s32 v10, v11;
	v8 =	vadd.s32 v9, v8  }
0x40: {  	v18 =	vshrl.u32 v9, $0xF;
	v9 =	vshll.u32 v9, $0x11;
	v25 =	vor.u32 v24, v14  }
0x41: {  	v8 =	vadd.s32 $0x6D3E048F, v8;
	v9 =	vor.u32 v18, v9;
	v11 =	vxor.u32 v10, v25  }
0x42: {  	v13 =	vxor.u32 v54, v13;
	v9 =	vxor.u32 v8, v9;
	v27 =	vshrl.u32 v11, $0x1A  }
0x43: {  	v28 =	vshll.u32 v11, $0x6;
	v10 =	vadd.s32 v10, v11;
	v8 =	vadd.s32 v8, v9  }
0x44: {  	v21 =	vshrl.u32 v9, $0x3;
	v9 =	vshll.u32 v9, $0x1D;
	v29 =	vor.u32 v27, v28  }
0x45: {  	v56 =	vshrl.u32 v13, $0x11;
	v9 =	vor.u32 v21, v9;
	v11 =	vxor.u32 v10, v29  }
0x46: {  	v16 =	vshll.u32 v13, $0xF;
	v9 =	vxor.u32 v8, v9;
	v11 =	vadd.s32 $0xB5D62B04, v11  }
0x47: {  	v8 =	vadd.s32 v8, v9;
	v23 =	vshrl.u32 v9, $0x10;
	v9 =	vshll.u32 v9, $0x10  }
0x48: {  	v10 =	vadd.s32 v11, v10;
	v31 =	vshrl.u32 v11, $0xF;
	v11 =	vshll.u32 v11, $0x11  }
0x49: {  	v9 =	vor.u32 v23, v9;
	v10 =	vadd.s32 $0xADD083F4, v10;
	v11 =	vor.u32 v31, v11  }
0x4a: {  	v12 =	vadd.s32 v54, v13;
	v9 =	vxor.u32 v8, v9;
	v11 =	vxor.u32 v10, v11  }
0x4b: {  	v26 =	vshrl.u32 v9, $0x8;
	v15 =	vshll.u32 v9, $0x18;
	v8 =	vadd.s32 v8, v9  }
0x4c: {  	v33 =	vshrl.u32 v11, $0x3;
	v34 =	vshll.u32 v11, $0x1D;
	v10 =	vadd.s32 v10, v11  }
0x4d: {  	v30 =	vor.u32 v26, v15;
	v35 =	vor.u32 v33, v34;
	v15 =	vor.u32 v56, v16  }
0x4e: {  	v56 =	vadd.s32 s20, v1;
	v9 =	vxor.u32 v8, v30;
	v11 =	vxor.u32 v10, v35  }
0x4f: {  	v59 =	vxor.u32 v12, v15;
	v9 =	vadd.s32 $0x66CD087C, v9;
	v36 =	vshrl.u32 v11, $0x10  }
0x50: {  	v37 =	vshll.u32 v11, $0x10;
	v10 =	vadd.s32 v10, v11;
	v60 =	vshrl.u32 v59, $0x6  }
0x51: {  	v15 =	vshll.u32 v59, $0x1A;
	v12 =	vadd.s32 v12, v59;
	v8 =	vadd.s32 v9, v8  }
0x52: {  	v32 =	vshrl.u32 v9, $0x13;
	v9 =	vshll.u32 v9, $0xD;
	v38 =	vor.u32 v36, v37  }
0x53: {  	v61 =	vor.u32 v60, v15;
	v60 =	vadd.s32 s20, v2;
	v8 =	vadd.s32 $0x1022172D, v8  }
0x54: {  	v9 =	vor.u32 v32, v9;
	v11 =	vxor.u32 v10, v38;
	v13 =	vxor.u32 v12, v61  }
0x55: {  	v9 =	vxor.u32 v8, v9;
	v40 =	vshrl.u32 v11, $0x8;
	v41 =	vshll.u32 v11, $0x18  }
0x56: {  	v10 =	vadd.s32 v10, v11;
	v63 =	vshrl.u32 v13, $0x1A;
	v20 =	vshll.u32 v13, $0x6  }
0x57: {  	v12 =	vadd.s32 v12, v13;
	v8 =	vadd.s32 v8, v9;
	v39 =	vshrl.u32 v9, $0x11  }
0x58: {  	v9 =	vshll.u32 v9, $0xF;
	v42 =	vor.u32 v40, v41;
	v21 =	vor.u32 v63, v20  }
0x59: {  	v9 =	vor.u32 v39, v9;
	v11 =	vxor.u32 v10, v42;
	v13 =	vxor.u32 v12, v21  }
0x5a: {  	v9 =	vxor.u32 v8, v9;
	v11 =	vadd.s32 $0x3D7B32F, v11;
	v13 =	vadd.s32 $0x8612E224, v13  }
0x5b: {  	v8 =	vadd.s32 v8, v9;
	v43 =	vshrl.u32 v9, $0x6;
	v9 =	vshll.u32 v9, $0x1A  }
0x5c: {  	v10 =	vadd.s32 v11, v10;
	v44 =	vshrl.u32 v11, $0x13;
	v11 =	vshll.u32 v11, $0xD  }
0x5d: {  	v12 =	vadd.s32 v13, v12;
	v22 =	vshrl.u32 v13, $0xF;
	v13 =	vshll.u32 v13, $0x11  }
0x5e: {  	v9 =	vor.u32 v43, v9;
	v10 =	vadd.s32 $0xB5D62B03, v10;
	v11 =	vor.u32 v44, v11  }
0x5f: {  	v12 =	vadd.s32 $0xF38D913, v12;
	v13 =	vor.u32 v22, v13;
	v11 =	vxor.u32 v10, v11  }
0x60: {  	v9 =	vxor.u32 v8, v9;
	v46 =	vshrl.u32 v11, $0x11;
	v47 =	vshll.u32 v11, $0xF  }
0x61: {  	v13 =	vxor.u32 v12, v13;
	v10 =	vadd.s32 v10, v11;
	v49 =	vor.u32 v46, v47  }
0x62: {  	v45 =	vshrl.u32 v9, $0x1A;
	v48 =	vshll.u32 v9, $0x6;
	v11 =	vxor.u32 v10, v49  }
0x63: {  	v10 =	vadd.s32 v10, v11;
	v51 =	vshrl.u32 v11, $0x6;
	v11 =	vshll.u32 v11, $0x1A  }
0x64: {  	v8 =	vadd.s32 v8, v9;
	v24 =	vshrl.u32 v13, $0x3;
	v11 =	vor.u32 v51, v11  }
0x65: {  	v25 =	vshll.u32 v13, $0x1D;
	v12 =	vadd.s32 v12, v13;
	v11 =	vxor.u32 v10, v11  }
0x66: {  	v50 =	vor.u32 v45, v48;
	v55 =	vshrl.u32 v11, $0x1A;
	v57 =	vshll.u32 v11, $0x6  }
0x67: {  	v26 =	vor.u32 v24, v25;
	v10 =	vadd.s32 v10, v11;
	v58 =	vor.u32 v55, v57  }
0x68: {  	v9 =	vxor.u32 v8, v50;
	v8 =	vadd.s32 $0x66CD0878, v8;
	v11 =	vxor.u32 v10, v58  }
0x69: {  	v13 =	vxor.u32 v12, v26;
	v9 =	vadd.s32 $0x6D3E0494, v9;
	v11 =	vadd.s32 $0xADD083F7, v11  }
0x6a: {  	v10 =	vadd.s32 v11, v10;
	v62 =	vshrl.u32 v11, $0xF;
	v11 =	vshll.u32 v11, $0x11  }
0x6b: {  	v28 =	vshrl.u32 v13, $0x10;
	v10 =	vadd.s32 $0x3D7B32D, v10;
	v11 =	vor.u32 v62, v11  }
0x6c: {  	v29 =	vshll.u32 v13, $0x10;
	v12 =	vadd.s32 v12, v13;
	v11 =	vxor.u32 v10, v11  }
0x6d: {  	v10 =	vadd.s32 v10, v11;
	v23 =	vshrl.u32 v11, $0x3;
	v11 =	vshll.u32 v11, $0x1D  }
0x6e: {  	v30 =	vor.u32 v28, v29;
	v8 =	vxor.u32 v8, v9;
	v11 =	vor.u32 v23, v11  }
0x6f: {  	v32 =	vxor.u32 v12, v30;
	vm1 =	vlt.u32 v8, $0x4CCCCE00;
	v11 =	vxor.u32 v10, v11  }
0x70: {  	v10 =	vadd.s32 v10, v11;
	v27 =	vshrl.u32 v11, $0x10;
	v11 =	vshll.u32 v11, $0x10  }
0x71: {  	v34 =	vshrl.u32 v32, $0x8;
	v35 =	vshll.u32 v32, $0x18;
	v11 =	vor.u32 v27, v11  }
0x72: {  	v37 =	vor.u32 v34, v35;
	v31 =	vxor.u32 v10, v11;
	v11 =	vadd.s32 v12, v32  }
0x73: {  	v33 =	vshrl.u32 v31, $0x8;
	v36 =	vshll.u32 v31, $0x18;
	v12 =	vxor.u32 v11, v37  }
0x74: {  	v9 =	vadd.s32 v10, v31;
	v38 =	vor.u32 v33, v36;
	v39 =	vadd.s32 $0x92FB20EC, v12  }
0x75: {  	v58 =	vshrl.u32 v56, $0x13;
	v8 =	vxor.u32 v9, v38;
	v11 =	vadd.s32 v39, v11  }
0x76: {  	v12 =	vshrl.u32 v39, $0x13;
	v10 =	vshll.u32 v39, $0xD;
	v40 =	vadd.s32 $0xB5D62B07, v8  }
0x77: {  	v11 =	vadd.s32 $0x8612E223, v11;
	v10 =	vor.u32 v12, v10;
	v8 =	vsel vm1, $0x1, v5  }
0x78: {  	v9 =	vadd.s32 v40, v9;
	v10 =	vxor.u32 v11, v10;
	v41 =	vshrl.u32 v40, $0x13  }
0x79: {  	v13 =	vshll.u32 v40, $0xD;
	v42 =	vshrl.u32 v10, $0x11;
	v43 =	vshll.u32 v10, $0xF  }
0x7a: {  	v10 =	vadd.s32 v11, v10;
	v9 =	vadd.s32 $0xADD083F4, v9;
	v12 =	vor.u32 v41, v13  }
0x7b: {  	v13 =	vshll.u32 v56, $0xD;
	v44 =	vor.u32 v42, v43;
	v12 =	vxor.u32 v9, v12  }
0x7c: {  	v13 =	vor.u32 v58, v13;
	v11 =	vxor.u32 v10, v44;
	v9 =	vadd.s32 v9, v12  }
0x7d: {  	v48 =	vshrl.u32 v12, $0x11;
	v12 =	vshll.u32 v12, $0xF;
	v13 =	vxor.u32 v60, v13  }
0x7e: {  	v45 =	vshrl.u32 v11, $0x6;
	v46 =	vshll.u32 v11, $0x1A;
	v10 =	vadd.s32 v10, v11  }
0x7f: {  	v12 =	vor.u32 v48, v12;
	v62 =	vshrl.u32 v13, $0x11;
	v63 =	vshll.u32 v13, $0xF  }
0x80: {  	v13 =	vadd.s32 v60, v13;
	v47 =	vor.u32 v45, v46;
	v12 =	vxor.u32 v9, v12  }
0x81: {  	v14 =	vor.u32 v62, v63;
	v11 =	vxor.u32 v10, v47;
	v52 =	vshrl.u32 v12, $0x6  }
0x82: {  	v53 =	vshll.u32 v12, $0x1A;
	v9 =	vadd.s32 v9, v12;
	v14 =	vxor.u32 v13, v14  }
0x83: {  	v49 =	vshrl.u32 v11, $0x1A;
	v50 =	vshll.u32 v11, $0x6;
	v10 =	vadd.s32 v10, v11  }
0x84: {  	v54 =	vor.u32 v52, v53;
	v21 =	vshrl.u32 v14, $0x6;
	v22 =	vshll.u32 v14, $0x1A  }
0x85: {  	v13 =	vadd.s32 v13, v14;
	v51 =	vor.u32 v49, v50;
	v12 =	vxor.u32 v9, v54  }
0x86: {  	v23 =	vor.u32 v21, v22;
	v11 =	vxor.u32 v10, v51;
	v9 =	vadd.s32 v9, v12  }
0x87: {  	v24 =	vshrl.u32 v12, $0x1A;
	v14 =	vxor.u32 v13, v23;
	v12 =	vshll.u32 v12, $0x6  }
0x88: {  	v11 =	vadd.s32 $0xF38D916, v11;
	v13 =	vadd.s32 v13, v14;
	v25 =	vshrl.u32 v14, $0x1A  }
0x89: {  	v14 =	vshll.u32 v14, $0x6;
	v12 =	vor.u32 v24, v12;
	v10 =	vadd.s32 v11, v10  }
0x8a: {  	v55 =	vshrl.u32 v11, $0xF;
	v11 =	vshll.u32 v11, $0x11;
	v14 =	vor.u32 v25, v14  }
0x8b: {  	v12 =	vxor.u32 v9, v12;
	v9 =	vadd.s32 $0xB5D62B03, v9;
	v10 =	vadd.s32 $0x92FB20EA, v10  }
0x8c: {  	v11 =	vor.u32 v55, v11;
	v14 =	vxor.u32 v13, v14;
	v12 =	vadd.s32 $0x3D7B332, v12  }
0x8d: {  	v11 =	vxor.u32 v10, v11;
	v14 =	vadd.s32 $0x66CD0879, v14;
	v9 =	vxor.u32 v9, v12  }
0x8e: {  	v57 =	vshrl.u32 v11, $0x3;
	v59 =	vshll.u32 v11, $0x1D;
	v10 =	vadd.s32 v10, v11  }
0x8f: {  	v13 =	vadd.s32 v14, v13;
	v27 =	vshrl.u32 v14, $0xF;
	v14 =	vshll.u32 v14, $0x11  }
0x90: {  	vm2 =	vge.u32 v9, $0xCCCCCE00;
	vm0 =	vlt.u32 v9, $0xCCCCCE00;
	v61 =	vor.u32 v57, v59  }
0x91: {  	v13 =	vadd.s32 $0x1022172D, v13;
	v14 =	vor.u32 v27, v14;
	v11 =	vxor.u32 v10, v61  }
0x92: {  	vm0 =	vmand vm1, vm0;
	v14 =	vxor.u32 v13, v14;
	v10 =	vadd.s32 v10, v11  }
0x93: {  	v20 =	vshrl.u32 v11, $0x10;
	v11 =	vshll.u32 v11, $0x10;
	v13 =	vadd.s32 v13, v14  }
0x94: {  	v28 =	vshrl.u32 v14, $0x3;
	v14 =	vshll.u32 v14, $0x1D;
	v11 =	vor.u32 v20, v11  }
0x95: {  	v57 =	vadd.s32 s20, v3;
	v14 =	vor.u32 v28, v14;
	v11 =	vxor.u32 v10, v11  }
0x96: {  	v14 =	vxor.u32 v13, v14;
	v10 =	vadd.s32 v10, v11;
	v26 =	vshrl.u32 v11, $0x8  }
0x97: {  	v11 =	vshll.u32 v11, $0x18;
	v30 =	vshrl.u32 v14, $0x10;
	v31 =	vshll.u32 v14, $0x10  }
0x98: {  	v13 =	vadd.s32 v13, v14;
	v11 =	vor.u32 v26, v11;
	v32 =	vor.u32 v30, v31  }
0x99: {  	v59 =	vadd.s32 s20, v4;
	v11 =	vxor.u32 v10, v11;
	v14 =	vxor.u32 v13, v32  }
0x9a: {  	v55 =	vsel vm0, $0x2, v5;
	v11 =	vadd.s32 $0x8612E227, v11;
	v34 =	vshrl.u32 v14, $0x8  }
0x9b: {  	v35 =	vshll.u32 v14, $0x18;
	v13 =	vadd.s32 v13, v14;
	v10 =	vadd.s32 v11, v10  }
0x9c: {  	v29 =	vshrl.u32 v11, $0x13;
	v11 =	vshll.u32 v11, $0xD;
	v36 =	vor.u32 v34, v35  }
0x9d: {  	v10 =	vadd.s32 $0xF38D913, v10;
	v11 =	vor.u32 v29, v11;
	v14 =	vxor.u32 v13, v36  }
0x9e: {  	v58 =	vshrl.u32 v57, $0x13;
	v11 =	vxor.u32 v10, v11;
	v14 =	vadd.s32 $0x6D3E0491, v14  }
0x9f: {  	v10 =	vadd.s32 v10, v11;
	v33 =	vshrl.u32 v11, $0x11;
	v11 =	vshll.u32 v11, $0xF  }
0xa0: {  	v13 =	vadd.s32 v14, v13;
	v38 =	vshrl.u32 v14, $0x13;
	v14 =	vshll.u32 v14, $0xD  }
0xa1: {  	v11 =	vor.u32 v33, v11;
	v13 =	vadd.s32 $0x66CD0878, v13;
	v14 =	vor.u32 v38, v14  }
0xa2: {  	v8 =	vor.u32 v8, v55;
	v11 =	vxor.u32 v10, v11;
	v41 =	vxor.u32 v13, v14  }
0xa3: {  	v37 =	vshrl.u32 v11, $0x6;
	v39 =	vshll.u32 v11, $0x1A;
	v10 =	vadd.s32 v10, v11  }
0xa4: {  	v14 =	vshrl.u32 v41, $0x11;
	v42 =	vshll.u32 v41, $0xF;
	v12 =	vadd.s32 v13, v41  }
0xa5: {  	v41 =	vadd.s32 s20, v7;
	v40 =	vor.u32 v37, v39;
	v43 =	vor.u32 v14, v42  }
0xa6: {  	v37 =	vadd.s32 s20, v6;
	v11 =	vxor.u32 v10, v40;
	v13 =	vxor.u32 v12, v43  }
0xa7: {  	v39 =	vshrl.u32 v37, $0x13;
	v10 =	vadd.s32 v10, v11;
	v44 =	vshrl.u32 v11, $0x1A  }
0xa8: {  	v11 =	vshll.u32 v11, $0x6;
	v45 =	vshrl.u32 v13, $0x6;
	v46 =	vshll.u32 v13, $0x1A  }
0xa9: {  	v12 =	vadd.s32 v12, v13;
	v11 =	vor.u32 v44, v11;
	v47 =	vor.u32 v45, v46  }
0xaa: {  	v11 =	vxor.u32 v10, v11;
	v10 =	vadd.s32 $0x8612E223, v10;
	v13 =	vxor.u32 v12, v47  }
0xab: {  	v11 =	vadd.s32 $0x92FB20EF, v11;
	v48 =	vshrl.u32 v13, $0x1A;
	v49 =	vshll.u32 v13, $0x6  }
0xac: {  	v50 =	vadd.s32 v12, v13;
	v12 =	vshll.u32 v57, $0xD;
	v13 =	vshll.u32 v37, $0xD  }
0xad: {  	v10 =	vxor.u32 v10, v11;
	v51 =	vor.u32 v48, v49;
	v12 =	vor.u32 v58, v12  }
0xae: {  	v13 =	vor.u32 v39, v13;
	vm3 =	vlt.u32 v10, $0x19999A00;
	v52 =	vxor.u32 v50, v51  }
0xaf: {  	v12 =	vxor.u32 v59, v12;
	v13 =	vxor.u32 v41, v13;
	vm1 =	vmand vm3, vm1  }
0xb0: {  	v9 =	vadd.s32 $0x10221730, v52;
	v62 =	vshrl.u32 v12, $0x11;
	v63 =	vshll.u32 v12, $0xF  }
0xb1: {  	v11 =	vadd.s32 v59, v12;
	v43 =	vshrl.u32 v13, $0x11;
	v44 =	vshll.u32 v13, $0xF  }
0xb2: {  	v13 =	vadd.s32 v41, v13;
	v53 =	vadd.s32 v9, v50;
	v54 =	vshrl.u32 v9, $0xF  }
0xb3: {  	v9 =	vshll.u32 v9, $0x11;
	vm1 =	vmand vm1, vm2;
	v15 =	vor.u32 v62, v63  }
0xb4: {  	v14 =	vor.u32 v43, v44;
	v10 =	vadd.s32 $0x6D3E048F, v53;
	v9 =	vor.u32 v54, v9  }
0xb5: {  	v60 =	vsel vm1, $0x4, v5;
	v21 =	vxor.u32 v11, v15;
	v14 =	vxor.u32 v13, v14  }
0xb6: {  	v9 =	vxor.u32 v10, v9;
	v22 =	vshrl.u32 v21, $0x6;
	v15 =	vshll.u32 v21, $0x1A  }
0xb7: {  	v11 =	vadd.s32 v11, v21;
	v8 =	vor.u32 v60, v8;
	v13 =	vadd.s32 v13, v14  }
0xb8: {  	v46 =	vshrl.u32 v14, $0x6;
	v14 =	vshll.u32 v14, $0x1A;
	v10 =	vadd.s32 v10, v9  }
0xb9: {  	v56 =	vshrl.u32 v9, $0x3;
	v9 =	vshll.u32 v9, $0x1D;
	v23 =	vor.u32 v22, v15  }
0xba: {  	v14 =	vor.u32 v46, v14;
	v9 =	vor.u32 v56, v9;
	v12 =	vxor.u32 v11, v23  }
0xbb: {  	v14 =	vxor.u32 v13, v14;
	v9 =	vxor.u32 v10, v9;
	v25 =	vshrl.u32 v12, $0x1A  }
0xbc: {  	v26 =	vshll.u32 v12, $0x6;
	v11 =	vadd.s32 v11, v12;
	v13 =	vadd.s32 v13, v14  }
0xbd: {  	v48 =	vshrl.u32 v14, $0x1A;
	v14 =	vshll.u32 v14, $0x6;
	v61 =	vshrl.u32 v9, $0x10  }
0xbe: {  	v19 =	vshll.u32 v9, $0x10;
	v9 =	vadd.s32 v10, v9;
	v27 =	vor.u32 v25, v26  }
0xbf: {  	v14 =	vor.u32 v48, v14;
	v20 =	vor.u32 v61, v19;
	v12 =	vxor.u32 v11, v27  }
0xc0: {  	v14 =	vxor.u32 v13, v14;
	v10 =	vxor.u32 v9, v20;
	v12 =	vadd.s32 $0xB5D62B04, v12  }
0xc1: {  	v14 =	vadd.s32 $0x8612E224, v14;
	v9 =	vadd.s32 v9, v10;
	v24 =	vshrl.u32 v10, $0x8  }
0xc2: {  	v10 =	vshll.u32 v10, $0x18;
	v11 =	vadd.s32 v12, v11;
	v29 =	vshrl.u32 v12, $0xF  }
0xc3: {  	v12 =	vshll.u32 v12, $0x11;
	v13 =	vadd.s32 v14, v13;
	v50 =	vshrl.u32 v14, $0xF  }
0xc4: {  	v14 =	vshll.u32 v14, $0x11;
	v10 =	vor.u32 v24, v10;
	v11 =	vadd.s32 $0xADD083F4, v11  }
0xc5: {  	v12 =	vor.u32 v29, v12;
	v13 =	vadd.s32 $0xF38D913, v13;
	v14 =	vor.u32 v50, v14  }
0xc6: {  	v10 =	vxor.u32 v9, v10;
	v12 =	vxor.u32 v11, v12;
	v14 =	vxor.u32 v13, v14  }
0xc7: {  	v10 =	vadd.s32 $0x66CD087C, v10;
	v30 =	vshrl.u32 v12, $0x3;
	v31 =	vshll.u32 v12, $0x1D  }
0xc8: {  	v11 =	vadd.s32 v11, v12;
	v13 =	vadd.s32 v13, v14;
	v51 =	vshrl.u32 v14, $0x3  }
0xc9: {  	v14 =	vshll.u32 v14, $0x1D;
	v9 =	vadd.s32 v10, v9;
	v28 =	vshrl.u32 v10, $0x13  }
0xca: {  	v10 =	vshll.u32 v10, $0xD;
	v32 =	vor.u32 v30, v31;
	v14 =	vor.u32 v51, v14  }
0xcb: {  	v9 =	vadd.s32 $0x1022172D, v9;
	v10 =	vor.u32 v28, v10;
	v12 =	vxor.u32 v11, v32  }
0xcc: {  	v14 =	vxor.u32 v13, v14;
	v10 =	vxor.u32 v9, v10;
	v34 =	vshrl.u32 v12, $0x10  }
0xcd: {  	v35 =	vshll.u32 v12, $0x10;
	v11 =	vadd.s32 v11, v12;
	v55 =	vshrl.u32 v14, $0x10  }
0xce: {  	v56 =	vshll.u32 v14, $0x10;
	v13 =	vadd.s32 v13, v14;
	v9 =	vadd.s32 v9, v10  }
0xcf: {  	v33 =	vshrl.u32 v10, $0x11;
	v10 =	vshll.u32 v10, $0xF;
	v36 =	vor.u32 v34, v35  }
0xd0: {  	v57 =	vor.u32 v55, v56;
	v10 =	vor.u32 v33, v10;
	v12 =	vxor.u32 v11, v36  }
0xd1: {  	v14 =	vxor.u32 v13, v57;
	v10 =	vxor.u32 v9, v10;
	v38 =	vshrl.u32 v12, $0x8  }
0xd2: {  	v40 =	vshll.u32 v12, $0x18;
	v11 =	vadd.s32 v11, v12;
	v59 =	vshrl.u32 v14, $0x8  }
0xd3: {  	v60 =	vshll.u32 v14, $0x18;
	v13 =	vadd.s32 v13, v14;
	v9 =	vadd.s32 v9, v10  }
0xd4: {  	v42 =	vor.u32 v38, v40;
	v45 =	vshrl.u32 v10, $0x6;
	v10 =	vshll.u32 v10, $0x1A  }
0xd5: {  	v61 =	vor.u32 v59, v60;
	v12 =	vxor.u32 v11, v42;
	v10 =	vor.u32 v45, v10  }
0xd6: {  	v14 =	vxor.u32 v13, v61;
	v12 =	vadd.s32 $0x3D7B32F, v12;
	v10 =	vxor.u32 v9, v10  }
0xd7: {  	v14 =	vadd.s32 $0x92FB20EC, v14;
	v11 =	vadd.s32 v12, v11;
	v47 =	vshrl.u32 v12, $0x13  }
0xd8: {  	v12 =	vshll.u32 v12, $0xD;
	v13 =	vadd.s32 v14, v13;
	v63 =	vshrl.u32 v14, $0x13  }
0xd9: {  	v14 =	vshll.u32 v14, $0xD;
	v11 =	vadd.s32 $0xB5D62B03, v11;
	v12 =	vor.u32 v47, v12  }
0xda: {  	v13 =	vadd.s32 $0x8612E223, v13;
	v14 =	vor.u32 v63, v14;
	v12 =	vxor.u32 v11, v12  }
0xdb: {  	v14 =	vxor.u32 v13, v14;
	v11 =	vadd.s32 v11, v12;
	v49 =	vshrl.u32 v12, $0x11  }
0xdc: {  	v12 =	vshll.u32 v12, $0xF;
	v20 =	vshrl.u32 v14, $0x11;
	v21 =	vshll.u32 v14, $0xF  }
0xdd: {  	v13 =	vadd.s32 v13, v14;
	v12 =	vor.u32 v49, v12;
	v22 =	vor.u32 v20, v21  }
0xde: {  	v9 =	vadd.s32 v9, v10;
	v12 =	vxor.u32 v11, v12;
	v14 =	vxor.u32 v13, v22  }
0xdf: {  	v52 =	vshrl.u32 v12, $0x6;
	v53 =	vshll.u32 v12, $0x1A;
	v11 =	vadd.s32 v11, v12  }
0xe0: {  	v24 =	vshrl.u32 v14, $0x6;
	v25 =	vshll.u32 v14, $0x1A;
	v54 =	vor.u32 v52, v53  }
0xe1: {  	v13 =	vadd.s32 v13, v14;
	v26 =	vor.u32 v24, v25;
	v12 =	vxor.u32 v11, v54  }
0xe2: {  	v27 =	vshrl.u32 v10, $0x1A;
	v14 =	vxor.u32 v13, v26;
	v11 =	vadd.s32 v11, v12  }
0xe3: {  	v58 =	vshrl.u32 v12, $0x1A;
	v12 =	vshll.u32 v12, $0x6;
	v13 =	vadd.s32 v13, v14  }
0xe4: {  	v28 =	vshrl.u32 v14, $0x1A;
	v14 =	vshll.u32 v14, $0x6;
	v12 =	vor.u32 v58, v12  }
0xe5: {  	v10 =	vshll.u32 v10, $0x6;
	v14 =	vor.u32 v28, v14;
	v12 =	vxor.u32 v11, v12  }
0xe6: {  	v10 =	vor.u32 v27, v10;
	v14 =	vxor.u32 v13, v14;
	v12 =	vadd.s32 $0xADD083F7, v12  }
0xe7: {  	v10 =	vxor.u32 v9, v10;
	v14 =	vadd.s32 $0xF38D916, v14;
	v11 =	vadd.s32 v12, v11  }
0xe8: {  	v62 =	vshrl.u32 v12, $0xF;
	v12 =	vshll.u32 v12, $0x11;
	v13 =	vadd.s32 v14, v13  }
0xe9: {  	v30 =	vshrl.u32 v14, $0xF;
	v14 =	vshll.u32 v14, $0x11;
	v11 =	vadd.s32 $0x3D7B32D, v11  }
0xea: {  	v12 =	vor.u32 v62, v12;
	v13 =	vadd.s32 $0x92FB20EA, v13;
	v14 =	vor.u32 v30, v14  }
0xeb: {  	v9 =	vadd.s32 $0x66CD0878, v9;
	v12 =	vxor.u32 v11, v12;
	v14 =	vxor.u32 v13, v14  }
0xec: {  	v11 =	vadd.s32 v11, v12;
	v23 =	vshrl.u32 v12, $0x3;
	v12 =	vshll.u32 v12, $0x1D  }
0xed: {  	v32 =	vshrl.u32 v14, $0x3;
	v33 =	vshll.u32 v14, $0x1D;
	v12 =	vor.u32 v23, v12  }
0xee: {  	v13 =	vadd.s32 v13, v14;
	v34 =	vor.u32 v32, v33;
	v12 =	vxor.u32 v11, v12  }
0xef: {  	v14 =	vxor.u32 v13, v34;
	v11 =	vadd.s32 v11, v12;
	v29 =	vshrl.u32 v12, $0x10  }
0xf0: {  	v12 =	vshll.u32 v12, $0x10;
	v35 =	vshrl.u32 v14, $0x10;
	v36 =	vshll.u32 v14, $0x10  }
0xf1: {  	v13 =	vadd.s32 v13, v14;
	v12 =	vor.u32 v29, v12;
	v37 =	vor.u32 v35, v36  }
0xf2: {  	v10 =	vadd.s32 $0x6D3E0494, v10;
	v12 =	vxor.u32 v11, v12;
	v14 =	vxor.u32 v13, v37  }
0xf3: {  	v11 =	vadd.s32 v11, v12;
	v31 =	vshrl.u32 v12, $0x8;
	v12 =	vshll.u32 v12, $0x18  }
0xf4: {  	v39 =	vshrl.u32 v14, $0x8;
	v40 =	vshll.u32 v14, $0x18;
	v12 =	vor.u32 v31, v12  }
0xf5: {  	v13 =	vadd.s32 v13, v14;
	v41 =	vor.u32 v39, v40;
	v12 =	vxor.u32 v11, v12  }
0xf6: {  	v9 =	vxor.u32 v9, v10;
	v14 =	vxor.u32 v13, v41;
	v12 =	vadd.s32 $0xB5D62B07, v12  }
0xf7: {  	v14 =	vadd.s32 $0x8612E227, v14;
	v11 =	vadd.s32 v12, v11;
	v38 =	vshrl.u32 v12, $0x13  }
0xf8: {  	v12 =	vshll.u32 v12, $0xD;
	v13 =	vadd.s32 v14, v13;
	v43 =	vshrl.u32 v14, $0x13  }
0xf9: {  	v14 =	vshll.u32 v14, $0xD;
	v12 =	vor.u32 v38, v12;
	v11 =	vadd.s32 $0xADD083F4, v11  }
0xfa: {  	v13 =	vadd.s32 $0xF38D913, v13;
	v14 =	vor.u32 v43, v14;
	v12 =	vxor.u32 v11, v12  }
0xfb: {  	v45 =	vxor.u32 v13, v14;
	v42 =	vshrl.u32 v12, $0x11;
	v44 =	vshll.u32 v12, $0xF  }
0xfc: {  	v11 =	vadd.s32 v11, v12;
	v14 =	vshrl.u32 v45, $0x11;
	v46 =	vshll.u32 v45, $0xF  }
0xfd: {  	v12 =	vadd.s32 v13, v45;
	v10 =	vor.u32 v42, v44;
	v47 =	vor.u32 v14, v46  }
0xfe: {  	v10 =	vxor.u32 v11, v10;
	v13 =	vxor.u32 v12, v47  }
0xff: {  	v11 =	vadd.s32 v11, v10;
	v48 =	vshrl.u32 v10, $0x6;
	v10 =	vshll.u32 v10, $0x1A  }
0x100: {  	v49 =	vshrl.u32 v13, $0x6;
	v50 =	vshll.u32 v13, $0x1A;
	v10 =	vor.u32 v48, v10  }
0x101: {  	v12 =	vadd.s32 v12, v13;
	v51 =	vor.u32 v49, v50;
	v10 =	vxor.u32 v11, v10  }
0x102: {  	[tilespmem:s18+$0xFFFFFFF0] =	vst v8;
	v13 =	vxor.u32 v12, v51;
	v8 =	vadd.s32 v11, v10;
	v52 =	vshrl.u32 v10, $0x1A  }
0x103: {  	v53 =	vld [tilespmem:s19+$0xFFFFFFF0];
	v10 =	vshll.u32 v10, $0x6;
	v54 =	vshrl.u32 v13, $0x1A;
	v55 =	vshll.u32 v13, $0x6  }
0x104: {  	v56 =	vadd.s32 v12, v13;
	v10 =	vor.u32 v52, v10;
	v57 =	vor.u32 v54, v55  }
0x105: {  	v58 =	vld [tilespmem:$0x10000];
	v11 =	vadd.s32 $0x8612E223, v56;
	v10 =	vxor.u32 v8, v10;
	v12 =	vxor.u32 v56, v57  }
0x106: {  	v8 =	vadd.s32 $0xB5D62B03, v8;
	v10 =	vadd.s32 $0x3D7B332, v10;
	v12 =	vadd.s32 $0x92FB20EF, v12  }
0x107: {  	vm11 =	vlt.u32 v9, $0x4CCCCE00;
	v8 =	vxor.u32 v8, v10;
	v59 =	vxor.u32 v11, v12  }
0x108: {  	v60 =	vsel vm0, $0x0, v53;
	vm12 =	vlt.u32 v8, $0xCCCCCE00;
	vm13 =	vlt.u32 v59, $0x19999A00  }
0x109: {  	vm14 =	vge.u32 v8, $0xCCCCCE00;
	vm0 =	vmand vm11, vm12;
	vm2 =	vmand vm13, vm11  }
0x10a: {  	v8 =	vsel vm11, $0x1, v5;
	vm15 =	vmand vm2, vm14;
	v61 =	vsel vm0, $0x2, v5  }
0x10b: {  	v10 =	vmax.f32 v58, v60;
	v8 =	vor.u32 v8, v61;
	v62 =	vsel vm15, $0x4, v5  }
0x10c: {  	[tilespmem:$0x10000] =	vst v10;
	v8 =	vor.u32 v62, v8  }
0x10d: {  	[tilespmem:s18+$0x0] =	vst v8  }
0x10e: {  	v8 =	vld [tilespmem:s19+$0x0]  }
0x10f: {  	s17 =	sadd.s32 $0x2, s17;
	v63 =	vld [tilespmem:$0x10000]  }
0x110: {  	p0 =	slt.u32 s17, $0x7FE  }
.Ltmp0:
0x111: {  	_ = 	snop;
	(pc) =	sbr.rel @p0 .LBB2_3-.Ltmp0, $4  }
0x112: {  	_ = 	snop  }
0x113: {  	v8 =	vsel vm0, $0x0, v8  }
0x114: {  	v8 =	vmax.f32 v63, v8  }
0x115: {  	s20 =	sadd.s32 $0x20, s20;
	s18 =	sadd.s32 $0x20, s18;
	s19 =	sadd.s32 $0x20, s19;
	[tilespmem:$0x10000] =	vst v8  }
0x116: {  	s16 =	sadd.s32 s5, s16;
	s15 =	sadd.s32 $0x1, s15  }
0x117: {  	s16 =	sshrl.u32 s16, $0x3;
	p0 =	sne.s32 s15, $0xB  }
.Ltmp1:
0x118: {  	s16 =	sadd.s32 s3, s16;
	(pc) =	sbr.rel @p0 .LBB2_2-.Ltmp1, $4  }
0x119: {  	[hbm4b:s16+s4] =	stream.linear.scatter [tilespmem:s11], [sflag:$0x1], $0x8000, $0x38;
	[tilespmem:$0x10080] =	vst v63  }
0x11a: {  	_ =	swait.ge [sflag:s10], $0x8000  }
0x11b: {  	[sflag:s10] =	ssyncset.done $0x0  }
0x11c: {  	s14 =	sadd.s32 $0x8000, s14;
	[sflag:s10] =	ssyncadd.s32 $0xFFFF8000  }
0x11d: {  	s13 =	sadd.s32 $0x1, s13  }
0x11e: {  	p0 =	sne.s32 s13, s9  }
.Ltmp2:
0x11f: {  	_ = 	snop;
	(pc) =	sbr.rel @p0 .LBB2_1-.Ltmp2, $4  }
0x120: {  	[hbm4b:s7+s4] =	stream.linear.scatter [tilespmem:s12], [sflag:$0x1], $0x80, $0x38;
	[tilespmem:$0x10080] =	vst v63  }
0x121: {  	_ =	swait.ge [sflag:s10], $0x80  }
0x122: {  	[sflag:s10] =	ssyncset.done $0x0  }
0x123: {  	[sflag:s10] =	ssyncadd.s32 $0xFFFFFF80  }
0x124: {  	_ =	sfence.sel $0x180000  }
0x125: {  	[bflag:$0x0] =	sbarrier.arrive $0xFFFF  }
0x126: {  	p0 =	sne.s32 s0, $0x0;
	_ =	strace $0x9000004A  }
0x127: {  	s0 =	sadd.s32 @!p0 $0x100000, s2;
	[bflag:$0x2] =	sbarrier.arrive $0xFFFF  }
0x128: {  	[sflag:s0] =	ssyncadd.tile.s32 @!p0 $0x1;
	_ =	shalt  }
.Lfunc_end2:
_tile_overlayer_lowered:
.L_overlay_start_2:
0x129: {  	(tag) =	ssettag $0x2  }
0x12a: {  	s0 =	rddreg [dreg:$0x0];
	s2 =	stileid.u32  }
0x12b: {  	s1 =	rddreg [dreg:$0x1];
	p0 =	sne.s32 s2, $0x0  }
0x12c: {  	s3 =	rddreg [dreg:$0x2];
	[bflag:$0x3] =	sbarrier.arrive $0xFFFF;
	s2 =	simm.s32 @!p0 $0x1C01  }
0x12d: {  	[timem:s3], [sflag:s2] =	dma.local @!p0 [hbm:s0], s1  }
0x12e: {  	s0 =	simm.s32 @!p0 $0x1  }
0x12f: {  	_ =	swait.ge @!p0 [sflag:s0], s1  }
0x130: {  	s1 =	ssub.s32 @!p0 $0x0, s1;
	[sflag:s0] =	ssyncset.done @!p0 $0x0  }
0x131: {  	[sflag:s0] =	ssyncadd.s32 @!p0 s1  }
0x132: {  	[bflag:$0x3] =	sbarrier.arrive $0xFFFF  }
0x133: {  	_ =	shalt  }

// kernel: sparse-core-data-format-call.cloned.1.call-start
scs
called_computation_lowered:
.L_overlay_start_0:
0x0: {  	s2 =	sld [smem:$0x3FD9]  }
0x1: {  	s3 =	sld [smem:$0x3FFE];
	_ =	sdelay $0x1  }
0x2: {  	s1 =	srdreg.scid  }
0x3: {  	s0 =	sand.u32 $0x1, s1  }
0x4: {  	s16 =	sshll.u32 s0, $0xA;
	s2 =	sadd.s32 s3, s2  }
0x5: {  	s2 =	sadd.s32 s2, s16  }
0x6: {  	[smem:$0x3FC7] =	sst s2  }
0x7: {  	_ = 	snop  }
0x8: {  	s2 =	sld [smem:$0x3FD0];
	_ =	sdelay $0x2  }
0x9: {  	s4 =	simm.s32 $0xA;
	s5 =	simm.s32 $0x10;
	s17 =	sld [smem:$0x3FC9]  }
0xa: {  	[smem:s5], [sflag:s4] =	dma.local [hbm:s2], $0x1  }
0xb: {  	_ =	swait.eq [sflag:s4], $0x1  }
0xc: {  	[sflag:s4] =	ssyncset.done $0x0  }
0xd: {  	[sflag:s4] =	ssyncadd.s32 $0xFFFFFFFF  }
0xe: {  	s18 =	sld [smem:$0x11];
	(tm) =	ssettm $0x1  }
0xf: {  	s19 =	sld [smem:$0x3FFB];
	_ =	sdelay $0x3  }
0x10: {  	_ =	strace s19  }
0x11: {  	s4 =	sld [smem:$0x3FFC];
	_ =	sdelay $0x3  }
0x12: {  	_ =	strace s4  }
0x13: {  	s4 =	sld [smem:$0x3FFD];
	_ =	sdelay $0x3  }
0x14: {  	_ =	strace s4  }
0x15: {  	_ =	strace $0x8FFFFFFF  }
0x16: {  	s20 =	sld [smem:$0x3FDB];
	_ =	sdelay $0x1  }
0x17: {  	s21 =	simm.s32 $_scs_section_size  }
0x18: {  	s6 =	simm.s32 $_size__tile_overlayer_lowered;
	s7 =	simm.s32 $_tile_overlayer_lowered  }
0x19: {  	s24 =	simm.s32 $0x1BFF;
	s23 =	sshll.u32 s7, $0x1;
	s4 =	sadd.s32 s21, s20  }
0x1a: {  	s8 =	simm.s32 $0x0;
	s22 =	sshll.u32 s6, $0x1;
	s6 =	sadd.s32 s23, s4  }
0x1b: {  	[timem:s8], [sflag:s24] =	dma.local [hbm:s6], s22  }
0x1c: {  	_ =	swait.ge [sflag:s24], s22  }
0x1d: {  	s5 =	ssub.s32 $0x0, s22;
	[sflag:s24] =	ssyncset.done $0x0  }
0x1e: {  	[sflag:s24] =	ssyncadd.s32 s5;
	_ =	sdelay $0x1  }
0x1f: {  	s25 =	simm.s32 $0x1B8B  }
0x20: {  	_ =	swait.ge [sflag:s25], $0x1  }
0x21: {  	[sflag:s25] =	ssyncset.done $0x0  }
0x22: {  	s26 =	simm.s32 $0x1B8E;
	[sflag:s25] =	ssyncadd.s32 $0xFFFFFFFF  }
0x23: {  	s27 =	simm.s32 $execute0_lowered;
	[smem:$0x3FD2] =	sst s26  }
0x24: {  	s5 =	sshll.u32 s27, $0x1;
	_ =	strace $0x80000046;
	[dreg:$0x1] =	wrdreg $0xFFFFFFFF  }
0x25: {  	s28 =	simm.s32 $_size_execute0_lowered;
	s4 =	sadd.s32 s4, s5;
	[dreg:$0x0] =	wrdreg $0x0  }
0x26: {  	s5 =	sshll.u32 s28, $0x1;
	[dreg:$0x2] =	wrdreg s4  }
0x27: {  	[dreg:$0x3] =	wrdreg s5  }
0x28: {  	[dreg:$0x4] =	wrdreg $0xC0  }
0x29: {  	_ =	task [dreg:s8], $0x5FFFF  }
0x2a: {  	[dreg:$0x1] =	wrdreg $0xFFFFFFFF  }
0x2b: {  	[dreg:$0x0] =	wrdreg $0x60  }
0x2c: {  	[dreg:$0x2] =	wrdreg s17  }
0x2d: {  	[dreg:$0x3] =	wrdreg s18  }
0x2e: {  	[dreg:$0x4] =	wrdreg $0x9  }
0x2f: {  	_ =	task.clear_ibuf [dreg:s8], $0x5FFFF;
	_ =	strace $0x90000046  }
0x30: {  	s29 =	simm.s32 $0x9;
	_ =	strace $0x80000048  }
0x31: {  	_ =	swait.ge [sflag:s29], $0x1  }
0x32: {  	[sflag:s29] =	ssyncadd.s32 $0xFFFFFFFF  }
0x33: {  	_ =	strace $0x90000048  }
0x34: {  	_ =	sfence  }
0x35: {  	s30 =	sld [smem:$0x0];
	_ =	sdelay $0x2  }
0x36: {  	s31 =	sshll.u32 s1, $0xD;
	s1 =	sshrl.u32 s1, $0x2  }
0x37: {  	s3 =	sand.u32 $0x4000, s31;
	s1 =	sadd.s32 s1, s30  }
0x38: {  	s0 =	sor.u32 s3, s0;
	s1 =	sshll.u32 s1, $0x11  }
0x39: {  	s0 =	sor.u32 s1, s0  }
0x3a: {  	s0 =	sadd.s32 $0x8F2B, s0  }
0x3b: {  	[sflag:s0] =	ssyncadd.remote.s32 $0x1  }
0x3c: {  	_ =	sfence.sel $0xFFFF  }
0x3d: {  	[dreg:$0x0] =	wrdreg $0xFFFFFFFF;
	(pc) =	sbr.abs _section_cstart, $3  }
0x3e: {  	[dreg:$0x1] =	wrdreg $0xFFFFFFFF  }
0x3f: {  	_ =	task.clear_ibuf [dreg:s8], $0x2FFFF;
	_ =	strace $0x9FFFFFFF  }
0x40: {  	(tm) =	ssettm $0x7FFFFFFF  }
0x41: {  	_ =	shalt  }
tec
execute0_lowered:
.L_overlay_start_1:
0x0: {  	(tag) =	ssettag $0x1  }
0x1: {  	s0 =	srdreg.scid  }
0x2: {  	s1 =	sshll.u32 s0, $0x4  }
0x3: {  	s2 =	rddreg [dreg:$0x0];
	s0 =	stileid.u32;
	s1 =	sand.u32 $0x10, s1  }
0x4: {  	s4 =	rddreg [dreg:$0x1];
	s1 =	sor.u32 s0, s1  }
0x5: {  	s7 =	simm.s32 $0x1;
	s8 =	simm.s32 $0x2;
	s3 =	sshll.u32 s1, $0x2  }
0x6: {  	s9 =	simm.s32 $0x0;
	s12 =	simm.s32 $0x0;
	s6 =	ssub.s32 $0x2000, s3  }
.Ltmp0:
0x7: {  	s11 =	simm.s32 $0x0;
	s5 =	sand.u32 $0x7C, s6;
	(pc) =	sbr.rel .LBB1_1-.Ltmp0, $4  }
0x8: {  	s1 =	rddreg [dreg:$0x2];
	_ =	strace $0x80000047;
	p0 =	sne.s32 s5, $0x0  }
0x9: {  	s6 =	sshrl.u32 s6, $0x7;
	s5 =	simm.s32 $0x1;
	s7 =	simm.s32 @!p0 $0x0  }
0xa: {  	s10 =	smov.u32 s3;
	[sflag:s5] =	ssyncpa.u1 $0x0;
	s6 =	sadd.s32 s7, s6  }
0xb: {  	[sflag:s8] =	ssyncpa.u1 $0x0;
	s8 =	simm.s32 $0x0;
	s7 =	sadd.s32 $0x1, s6  }
.LBB1_9:
0xc: {  	s14 =	sadd.s32 $0x80, s10  }
0xd: {  	p1 =	sgt.s32 s14, $0x1FFF  }
0xe: {  	s14 =	smov.u32 @p1 s3;
	p1 =	sne.s32 s11, s7  }
.Ltmp1:
0xf: {  	p0 =	slt.u32 s11, $0x2;
	(pc) =	sbr.rel @!p1 .LBB1_10-.Ltmp1, $4  }
0x10: {  	s13 =	simm.s32 @!p0 $0x2  }
0x11: {  	s15 =	sadd.s32 $0x1, s11;
	_ =	swait.ge @!p0 [sflag:s13], $0x4000  }
0x12: {  	s12 =	smov.u32 s10;
	s9 =	sadd.s32 $0x4000, s9;
	[sflag:s13] =	ssyncset.done @!p0 $0x0  }
0x13: {  	s11 =	smov.u32 s15;
	s10 =	smov.u32 s14;
	[sflag:s13] =	ssyncadd.s32 @!p0 $0xFFFFC000  }
.LBB1_1:
0x14: {  	p0 =	sge.u32 s11, s6  }
0x15: {  	s13 =	sxor.u32 @!p0 $0xFFFFFFFF, s11  }
0x16: {  	s31 =	sadd.s32 $0xFFFFFFFF, s11;
	s14 =	sshll.u32 @!p0 s10, $0x9;
	s13 =	sshll.u32 @!p0 s13, $0xE  }
0x17: {  	s15 =	simm.s32 @!p0 $0x0;
	s14 =	sadd.s32 @!p0 s2, s14;
	s13 =	sand.u32 @!p0 $0x4000, s13  }
0x18: {  	[tilespmem:s13], [sflag:$0x1] =	stream.linear.gather @!p0 [hbm4b:s14+s15], $0x4000, $0x38;
	[tilespmem:$0x10000] =	vst v63  }
0x19: {  	p0 =	sge.u32 s31, s6  }
.Ltmp2:
0x1a: {  	_ = 	snop;
	(pc) =	sbr.rel @p0 .LBB1_9-.Ltmp2, $1  }
0x1b: {  	_ =	sdelay $0x3  }
0x1c: {  	s14 =	sand.u32 $0x4000, s9  }
0x1d: {  	_ =	swait.ge [sflag:s5], $0x4000;
	s15 =	sshll.u32 s11, $0xE;
	s16 =	simm.s32 $0x0  }
0x1e: {  	s13 =	sor.u32 $0x40, s14;
	[sflag:s5] =	ssyncset.done $0x0;
	s15 =	sand.u32 $0x4000, s15  }
0x1f: {  	s14 =	sor.u32 $0x8040, s14;
	[sflag:s5] =	ssyncadd.s32 $0xFFFFC000;
	s15 =	sor.u32 $0x8000, s15  }
.LBB1_3:
0x20: {  	s17 =	smov.u32 s14;
	s18 =	smov.u32 s13;
	s19 =	simm.s32 $0x0  }
.LBB1_4:
0x21: {  	v0 =	vmov s17;
	v2 =	vld [tilespmem:s18+$0x30]  }
0x22: {  	v4 =	vld [tilespmem:s18+$0xFFFFFFD0]  }
0x23: {  	v6 =	vld [tilespmem:s18+$0xFFFFFFE0]  }
0x24: {  	v7 =	vld [tilespmem:s18+$0xFFFFFFF0]  }
0x25: {  	s20 =	simm.s32 $0x0;
	v1 =	vld [tilespmem:s18+$0x0]  }
0x26: {  	v3 =	vld [tilespmem:s18+$0x10];
	[tilespmem:v0+s20+$0x30 ss:$0x1] =	vst.idx.msk $0xffff, v2  }
0x27: {  	v5 =	vld [tilespmem:s18+$0x20];
	[tilespmem:v0+s20+$0xFFFFFFD0 ss:$0x1] =	vst.idx.msk $0xffff, v4  }
0x28: {  	s21 =	sadd.s32 $0x80, s18;
	v2 =	vld [tilespmem:s18+$0xFFFFFFC0];
	[tilespmem:v0+s20+$0xFFFFFFE0 ss:$0x1] =	vst.idx.msk $0xffff, v6  }
0x29: {  	s22 =	simm.s32 $0x800;
	s23 =	simm.s32 $0x1000;
	v4 =	vld [tilespmem:s21+$0x30];
	[tilespmem:v0+s20+$0xFFFFFFF0 ss:$0x1] =	vst.idx.msk $0xffff, v7  }
.LBB1_5:
0x2a: {  	p0 =	sne.s32 s23, $0x3800;
	v6 =	vld [tilespmem:s21+$0xFFFFFFD0];
	[tilespmem:v0+s20+$0x0 ss:$0x1] =	vst.idx.msk $0xffff, v1  }
0x2b: {  	v7 =	vld [tilespmem:s21+$0xFFFFFFE0];
	[tilespmem:v0+s20+$0x10 ss:$0x1] =	vst.idx.msk $0xffff, v3  }
0x2c: {  	v8 =	vld [tilespmem:s21+$0xFFFFFFF0];
	[tilespmem:v0+s20+$0x20 ss:$0x1] =	vst.idx.msk $0xffff, v5  }
.Ltmp3:
0x2d: {  	v1 =	vld [tilespmem:s21+$0x0];
	[tilespmem:v0+s20+$0xFFFFFFC0 ss:$0x1] =	vst.idx.msk $0xffff, v2;
	s20 =	sshra.s32 s22, $0x2;
	s22 =	smov.u32 s23;
	(pc) =	sbr.rel @p0 .LBB1_5-.Ltmp3, $4  }
0x2e: {  	v3 =	vld [tilespmem:s21+$0x10];
	[tilespmem:v0+s20+$0x30 ss:$0x1] =	vst.idx.msk $0xffff, v4  }
0x2f: {  	[tilespmem:v0+s20+$0xFFFFFFD0 ss:$0x1] =	vst.idx.msk $0xffff, v6;
	v5 =	vld [tilespmem:s21+$0x20]  }
0x30: {  	v2 =	vld [tilespmem:s21+$0xFFFFFFC0];
	[tilespmem:v0+s20+$0xFFFFFFE0 ss:$0x1] =	vst.idx.msk $0xffff, v7;
	s21 =	sadd.s32 $0x80, s21  }
0x31: {  	s23 =	sadd.s32 $0x800, s23;
	v4 =	vld [tilespmem:s21+$0x30];
	[tilespmem:v0+s20+$0xFFFFFFF0 ss:$0x1] =	vst.idx.msk $0xffff, v8  }
0x32: {  	_ =	sdelay $0x3  }
0x33: {  	v6 =	vld [tilespmem:s21+$0xFFFFFFD0];
	[tilespmem:v0+s20+$0x0 ss:$0x1] =	vst.idx.msk $0xffff, v1  }
0x34: {  	v58 =	vld [tilespmem:s21+$0xFFFFFFE0];
	[tilespmem:v0+s20+$0x10 ss:$0x1] =	vst.idx.msk $0xffff, v3  }
0x35: {  	v59 =	vld [tilespmem:s21+$0xFFFFFFF0];
	[tilespmem:v0+s20+$0x20 ss:$0x1] =	vst.idx.msk $0xffff, v5  }
0x36: {  	s22 =	sshra.s32 s22, $0x2;
	v60 =	vld [tilespmem:s21+$0x0];
	[tilespmem:v0+s20+$0xFFFFFFC0 ss:$0x1] =	vst.idx.msk $0xffff, v2  }
0x37: {  	v61 =	vld [tilespmem:s21+$0x10];
	[tilespmem:v0+s22+$0x30 ss:$0x1] =	vst.idx.msk $0xffff, v4  }
0x38: {  	v62 =	vld [tilespmem:s21+$0x20];
	s19 =	sadd.s32 $0x1, s19;
	[tilespmem:v0+s22+$0xFFFFFFD0 ss:$0x1] =	vst.idx.msk $0xffff, v6  }
0x39: {  	v63 =	vld [tilespmem:s21+$0xFFFFFFC0];
	p0 =	sne.s32 s19, $0x4;
	[tilespmem:v0+s22+$0xFFFFFFE0 ss:$0x1] =	vst.idx.msk $0xffff, v58  }
.Ltmp4:
0x3a: {  	[tilespmem:v0+s22+$0xFFFFFFF0 ss:$0x1] =	vst.idx.msk $0xffff, v59;
	(pc) =	sbr.rel @p0 .LBB1_4-.Ltmp4, $4  }
0x3b: {  	[tilespmem:v0+s22+$0x0 ss:$0x1] =	vst.idx.msk $0xffff, v60  }
0x3c: {  	[tilespmem:v0+s22+$0x10 ss:$0x1] =	vst.idx.msk $0xffff, v61  }
0x3d: {  	[tilespmem:v0+s22+$0x20 ss:$0x1] =	vst.idx.msk $0xffff, v62  }
0x3e: {  	s18 =	sadd.s32 $0x400, s18;
	s17 =	sadd.s32 $0x80, s17;
	[tilespmem:v0+s22+$0xFFFFFFC0 ss:$0x1] =	vst.idx.msk $0xffff, v63  }
0x3f: {  	s16 =	sadd.s32 $0x1, s16  }
0x40: {  	p0 =	sne.s32 s16, $0x4  }
.Ltmp5:
0x41: {  	_ = 	snop;
	(pc) =	sbr.rel @p0 .LBB1_3-.Ltmp5, $2  }
0x42: {  	_ =	sdelay $0x2  }
0x43: {  	s13 =	sadd.s32 $0x1000, s13;
	s14 =	sadd.s32 $0x1000, s14  }
.Ltmp6:
0x44: {  	(pc) =	sbr.rel .LBB1_9-.Ltmp6, $4  }
0x45: {  	_ = 	snop  }
0x46: {  	s12 =	sshll.u32 s12, $0x9  }
0x47: {  	s12 =	sadd.s32 s4, s12  }
0x48: {  	[hbm4b:s12+s8] =	stream.linear.scatter [tilespmem:s15], [sflag:$0x2], $0x4000, $0x38;
	[tilespmem:$0x10000] =	vst v63  }
.LBB1_10:
0x49: {  	_ =	sfence.sel $0x180000  }
0x4a: {  	s2 =	simm.s32 $0x1;
	[bflag:$0x0] =	sbarrier.arrive $0xFFFF  }
0x4b: {  	s31 =	simm.s32 $0x2;
	[sflag:s2] =	ssyncpa.u1 $0x1  }
0x4c: {  	[sflag:s31] =	ssyncpa.u1 $0x1  }
0x4d: {  	p0 =	sne.s32 s0, $0x0;
	_ =	strace $0x90000047  }
0x4e: {  	s0 =	sadd.s32 @!p0 $0x100000, s1;
	[bflag:$0x2] =	sbarrier.arrive $0xFFFF  }
0x4f: {  	[sflag:s0] =	ssyncadd.tile.s32 @!p0 $0x1;
	_ =	shalt  }
.Lfunc_end1:
_tile_overlayer_lowered:
.L_overlay_start_2:
0x50: {  	(tag) =	ssettag $0x2  }
0x51: {  	s0 =	rddreg [dreg:$0x0];
	s2 =	stileid.u32  }
0x52: {  	s1 =	rddreg [dreg:$0x1];
	p0 =	sne.s32 s2, $0x0  }
0x53: {  	s3 =	rddreg [dreg:$0x2];
	[bflag:$0x3] =	sbarrier.arrive $0xFFFF;
	s2 =	simm.s32 @!p0 $0x1C01  }
0x54: {  	[timem:s3], [sflag:s2] =	dma.local @!p0 [hbm:s0], s1  }
0x55: {  	s0 =	simm.s32 @!p0 $0x1  }
0x56: {  	_ =	swait.ge @!p0 [sflag:s0], s1  }
0x57: {  	s1 =	ssub.s32 @!p0 $0x0, s1;
	[sflag:s0] =	ssyncset.done @!p0 $0x0  }
0x58: {  	[sflag:s0] =	ssyncadd.s32 @!p0 s1  }
0x59: {  	[bflag:$0x3] =	sbarrier.arrive $0xFFFF  }
0x5a: {  	_ =	shalt  }

</sc_bundles>
